<compile_context>
chip_gen: v7x
topology: tpu7x:2x2x1
jax: 0.10.2.dev20260603
libtpu: 0.0.44.dev20260713+nightly
codegen_flags: <defaults>
</compile_context>

<pallas_src>
import functools

import jax
import jax.numpy as jnp
from jax import lax
from jax.experimental import pallas as pl
from jax.experimental.pallas import tpu as pltpu
from jax.experimental.pallas import tpu_sc as plsc

_N = 10000
_E = 320000
_D = 128
_NC = 2
_NS = 16
_NW = _NC * _NS
_EPT = _E // _NW
_K = 80
_NCHUNK = _EPT // _K
_NP = 10240
_RPT = _NP // _NS


def _sc_segment_sum(h, src, dst, zrows):
  mesh = plsc.VectorSubcoreMesh(core_axis_name="c", subcore_axis_name="s",
                                num_cores=_NC, num_subcores=_NS)

  @functools.partial(
      pl.kernel,
      out_type=(jax.ShapeDtypeStruct((_NC, _NP, _D), jnp.float32),
                jax.ShapeDtypeStruct((_NC, _NP), jnp.float32)),
      mesh=mesh,
      scratch_types=[
          pltpu.VMEM_SHARED((_NP, _D), jnp.float32),
          pltpu.VMEM_SHARED((_NP,), jnp.float32),
          pltpu.VMEM((_EPT,), jnp.int32),
          pltpu.VMEM((_K,), jnp.int32),
          pltpu.VMEM((_K,), jnp.int32),
          pltpu.VMEM((_K,), jnp.int32),
          pltpu.VMEM((_K, _D), jnp.float32),
          pltpu.VMEM((_K, _D), jnp.float32),
          pltpu.VMEM((_K, _D), jnp.float32),
          pltpu.VMEM((_K,), jnp.float32),
          pltpu.VMEM((_RPT,), jnp.float32),
          pltpu.SemaphoreType.DMA,
          pltpu.SemaphoreType.DMA,
          pltpu.SemaphoreType.DMA,
          pltpu.SemaphoreType.DMA,
          pltpu.SemaphoreType.DMA,
          pltpu.SemaphoreType.DMA,
      ],
      compiler_params=pltpu.CompilerParams(needs_layout_passes=False),
  )
  def seg_sum(h_hbm, src_hbm, dst_hbm, zrows_hbm,
              agg_out, cnt_out, agg_sp, cnt_sp, idx_all_s,
              idx_d_a, idx_d_b, idx_d_c,
              rows_a, rows_b, rows_c, ones_v, cbuf,
              sem_ra, sem_rb, sem_rc, sem_ia, sem_ib, sem_ic):
    c = lax.axis_index("c")
    s = lax.axis_index("s")
    r0 = s * _RPT
    base = (c * _NS + s) * _EPT
    pltpu.sync_copy(src_hbm.at[pl.ds(base, _EPT)], idx_all_s)
    zeros16 = jnp.zeros((16,), jnp.float32)
    ones16 = jnp.ones((16,), jnp.float32)
    for j in range(_K // 16):
      ones_v[pl.ds(j * 16, 16)] = ones16
    for j in range(_RPT // 16):
      cbuf[pl.ds(j * 16, 16)] = zeros16
    pltpu.sync_copy(cbuf, cnt_sp.at[pl.ds(r0, _RPT)])
    pltpu.sync_copy(zrows_hbm, rows_a)
    for j in range(_RPT // _K):
      pltpu.sync_copy(rows_a, agg_sp.at[pl.ds(r0 + j * _K, _K)])
    plsc.subcore_barrier()

    def fetch(g, idx_d_buf, rows_buf, sem_r, sem_i):
      pltpu.async_copy(dst_hbm.at[pl.ds(base + g * _K, _K)], idx_d_buf,
                       sem_i)
      pltpu.async_copy(h_hbm.at[idx_all_s.at[pl.ds(g * _K, _K)]],
                       rows_buf, sem_r)

    def wait_chunk(idx_d_buf, rows_buf, sem_r, sem_i):
      pltpu.make_async_copy(dst_hbm.at[pl.ds(0, _K)], idx_d_buf,
                            sem_i).wait()
      pltpu.make_async_copy(h_hbm.at[pl.ds(0, _K)], rows_buf, sem_r).wait()

    bufs = ((idx_d_a, rows_a, sem_ra, sem_ia),
            (idx_d_b, rows_b, sem_rb, sem_ib),
            (idx_d_c, rows_c, sem_rc, sem_ic))
    _NB = len(bufs)
    for g0 in range(_NB):
      fetch(g0, *bufs[g0])

    def process(g, idx_d_buf, rows_buf, sem_r, sem_i):
      wait_chunk(idx_d_buf, rows_buf, sem_r, sem_i)
      pltpu.sync_copy(rows_buf, agg_sp.at[idx_d_buf], add=True)
      pltpu.sync_copy(ones_v, cnt_sp.at[idx_d_buf], add=True)

    def body(t, carry):
      for bi in range(_NB):
        g = _NB * t + bi
        process(g, *bufs[bi])
        pg = g + _NB

        @pl.when(pg < _NCHUNK)
        def _():
          fetch(pg, *bufs[bi])

      return carry

    lax.fori_loop(0, _NCHUNK // _NB, body, 0)
    for g in range(_NCHUNK - _NCHUNK % _NB, _NCHUNK):
      process(g, *bufs[g % _NB])
    plsc.subcore_barrier()

    for j in range(_RPT // _K):
      pltpu.sync_copy(agg_sp.at[pl.ds(r0 + j * _K, _K)], rows_a)
      pltpu.sync_copy(rows_a, agg_out.at[c, pl.ds(r0 + j * _K, _K)])
    pltpu.sync_copy(cnt_sp.at[pl.ds(r0, _RPT)], cbuf)
    pltpu.sync_copy(cbuf, cnt_out.at[c, pl.ds(r0, _RPT)])

  return seg_sum(h, src, dst, zrows)


def _tc_self(h, Wr):

  def body(h_ref, wr_ref, out_ref):
    out_ref[...] = lax.dot_general(h_ref[...], wr_ref[...],
                                   (((1,), (1,)), ((), ())),
                                   preferred_element_type=jnp.float32)

  return pl.pallas_call(
      body,
      out_shape=jax.ShapeDtypeStruct((_N, _D), jnp.float32),
  )(h, Wr)


def _tc_merge(p, cntp, hr, Wl, bl, gw, gb, gms):

  def body(p_ref, cnt_ref, hr_ref, wl_ref, bl_ref, gw_ref, gb_ref,
           gms_ref, out_ref):
    agg = p_ref[0, :_N] + p_ref[1, :_N]
    cnt_row = jnp.sum(cnt_ref[...], axis=0, keepdims=True)
    cnt = jnp.transpose(cnt_row[:, :_N])
    agg = agg / jnp.maximum(cnt, 1.0)
    z = (lax.dot_general(agg, wl_ref[...], (((1,), (1,)), ((), ())),
                         preferred_element_type=jnp.float32)
         + bl_ref[...] + hr_ref[...])
    z = jnp.maximum(z, 0.0)
    mean = jnp.mean(z, axis=0, keepdims=True)
    out = z - mean * gms_ref[...]
    var = jnp.mean(out * out, axis=0, keepdims=True)
    out = out * lax.rsqrt(var + 1e-5)
    out_ref[...] = out * gw_ref[...] + gb_ref[...]

  return pl.pallas_call(
      body,
      out_shape=jax.ShapeDtypeStruct((_N, _D), jnp.float32),
  )(p, cntp, hr, Wl, bl, gw, gb, gms)


def kernel(x, edge_index, W1l, b1l, W1r, W2l, b2l, W2r,
           gn_weight, gn_bias, gn_mean_scale):
  src = edge_index[0].astype(jnp.int32)
  dst = edge_index[1].astype(jnp.int32)
  zrows = jnp.zeros((_K, _D), jnp.float32)
  gw = gn_weight.reshape(1, _D)
  gb = gn_bias.reshape(1, _D)
  gms = gn_mean_scale.reshape(1, _D)
  h = x
  for Wl, bl, Wr in ((W1l, b1l, W1r), (W2l, b2l, W2r)):
    hr = _tc_self(h, Wr)
    p, cntp = _sc_segment_sum(h, src, dst, zrows)
    h = _tc_merge(p, cntp, hr, Wl, bl.reshape(1, _D), gw, gb, gms)
  return h

# --- scband reference (transcript-rebuilt; emitter-appended) ---
"""Pipeline reference for scband-gnnencoder-49306224558366 (READ-ONLY COPY).

The authoritative reference and input builder live on the scoring server;
editing this copy changes nothing except your own understanding.
"""

import jax, jax.numpy as jnp
import numpy as np

N = 10000
E = 320000
D = 128

def setup_inputs(seed: int = 0) -> dict:
    key = jax.random.key(seed)
    ks = jax.random.split(key, 10)
    x = jax.random.normal(ks[0], (N, D), dtype=jnp.float32)
    edge_index = jax.random.randint(ks[1], (2, E), 0, N, dtype=jnp.int64)
    s = 1.0 / np.sqrt(D)
    # SAGEConv layer 1: lin_l (with bias) applied to aggregated neighbors, lin_r (no bias) to self
    W1l = jax.random.uniform(ks[2], (D, D), dtype=jnp.float32, minval=-s, maxval=s)
    b1l = jnp.zeros((D,), dtype=jnp.float32)
    W1r = jax.random.uniform(ks[3], (D, D), dtype=jnp.float32, minval=-s, maxval=s)
    # SAGEConv layer 2
    W2l = jax.random.uniform(ks[4], (D, D), dtype=jnp.float32, minval=-s, maxval=s)
    b2l = jnp.zeros((D,), dtype=jnp.float32)
    W2r = jax.random.uniform(ks[5], (D, D), dtype=jnp.float32, minval=-s, maxval=s)
    # Shared GraphNorm params
    gn_weight = jnp.ones((D,), dtype=jnp.float32)
    gn_bias = jnp.zeros((D,), dtype=jnp.float32)
    gn_mean_scale = jnp.ones((D,), dtype=jnp.float32)
    return {"x": x, "edge_index": edge_index, "W1l": W1l, "b1l": b1l, "W1r": W1r,
            "W2l": W2l, "b2l": b2l, "W2r": W2r,
            "gn_weight": gn_weight, "gn_bias": gn_bias, "gn_mean_scale": gn_mean_scale}

def _sage_conv(h, edge_index, Wl, bl, Wr):
    src = edge_index[0]
    dst = edge_index[1]
    msg = jnp.take(h, src, axis=0)
    agg_sum = jax.ops.segment_sum(msg, dst, num_segments=h.shape[0])
    cnt = jax.ops.segment_sum(jnp.ones((src.shape[0], 1), dtype=h.dtype), dst, num_segments=h.shape[0])
    agg = agg_sum / jnp.clip(cnt, 1.0)
    return agg @ Wl.T + bl + h @ Wr.T

def _graph_norm(h, weight, bias, mean_scale, eps=1e-5):
    # single graph: batch is all-zeros, so per-channel stats over all nodes
    mean = jnp.mean(h, axis=0, keepdims=True)
    out = h - mean * mean_scale
    var = jnp.mean(out * out, axis=0, keepdims=True)
    out = out / jnp.sqrt(var + eps)
    return out * weight + bias

def reference(x, edge_index, W1l, b1l, W1r, W2l, b2l, W2r, gn_weight, gn_bias, gn_mean_scale):
    h = x
    for (Wl, bl, Wr) in ((W1l, b1l, W1r), (W2l, b2l, W2r)):
        h = _sage_conv(h, edge_index, Wl, bl, Wr)
        h = jax.nn.relu(h)
        h = _graph_norm(h, gn_weight, gn_bias, gn_mean_scale)
        # dropout p=0.0 -> identity
    return h

if __name__ == "__main__":
    import jax
    _d = setup_inputs()
    print(jax.jit(kernel)(*tuple(_d.values())))

</pallas_src>

<mosaic_0001>
#map = affine_map<(d0, d1) -> (0, 0)>
#map1 = affine_map<(d0, d1) -> (0)>
#map2 = affine_map<(d0, d1) -> (0, 0, 0)>
module attributes {stable_mosaic.version = 14 : i64} {
  func.func @seg_sum(%arg0: i32, %arg1: i32, %arg2: memref<10000x128xf32, #tpu.memory_space<hbm>>, %arg3: memref<320000xi32, #tpu.memory_space<hbm>>, %arg4: memref<320000xi32, #tpu.memory_space<hbm>>, %arg5: memref<80x128xf32, #tpu.memory_space<hbm>>, %arg6: memref<2x10240x128xf32, #tpu.memory_space<hbm>>, %arg7: memref<2x10240xf32, #tpu.memory_space<hbm>>, %arg8: memref<10240x128xf32, #tpu.memory_space<vmem_shared>>, %arg9: memref<10240xf32, #tpu.memory_space<vmem_shared>>, %arg10: memref<10000xi32, #tpu.memory_space<vmem>>, %arg11: memref<80xi32, #tpu.memory_space<vmem>>, %arg12: memref<80xi32, #tpu.memory_space<vmem>>, %arg13: memref<80xi32, #tpu.memory_space<vmem>>, %arg14: memref<80x128xf32, #tpu.memory_space<vmem>>, %arg15: memref<80x128xf32, #tpu.memory_space<vmem>>, %arg16: memref<80x128xf32, #tpu.memory_space<vmem>>, %arg17: memref<80xf32, #tpu.memory_space<vmem>>, %arg18: memref<640xf32, #tpu.memory_space<vmem>>, %arg19: memref<!tpu.dma_semaphore, #tpu.memory_space<semaphore_mem>>, %arg20: memref<!tpu.dma_semaphore, #tpu.memory_space<semaphore_mem>>, %arg21: memref<!tpu.dma_semaphore, #tpu.memory_space<semaphore_mem>>, %arg22: memref<!tpu.dma_semaphore, #tpu.memory_space<semaphore_mem>>, %arg23: memref<!tpu.dma_semaphore, #tpu.memory_space<semaphore_mem>>, %arg24: memref<!tpu.dma_semaphore, #tpu.memory_space<semaphore_mem>>) attributes {dimension_semantics = [#tpu.dimension_semantics<core_parallel>, #tpu.dimension_semantics<subcore_parallel>], iteration_bounds = array<i64: 2, 16>, scalar_prefetch = 0 : i64, scratch_operands = 17 : i64, tpu.core_type = #tpu.core_type<sc_vector_subcore>, window_params = [{transform_indices = #map}, {transform_indices = #map1}, {transform_indices = #map1}, {transform_indices = #map}, {transform_indices = #map2}, {transform_indices = #map}]} {
    %mul3A = arith.constant 640 : i32
    %mul3A_0 = arith.muli %arg1, %mul3A : i32
    %mul3A_1 = arith.constant 16 : i32
    %mul3A_2 = arith.muli %arg0, %mul3A_1 : i32
    %add3A = arith.addi %mul3A_2, %arg1 : i32
    %mul3A_3 = arith.constant 10000 : i32
    %mul3A_4 = arith.muli %add3A, %mul3A_3 : i32
    "tpu.region"() ({
      %run_scoped3A = tpu.sem_alloc : memref<!tpu.dma_semaphore, #tpu.memory_space<semaphore_mem>>
      %dma_start3A_196 = tpu.memref_slice %arg3[%mul3A_4] : memref<320000xi32, #tpu.memory_space<hbm>> -> memref<10000xi32, #tpu.memory_space<hbm>>
      %dma_start3A_197 = tpu.memref_slice %arg3[%mul3A_4] : memref<320000xi32, #tpu.memory_space<hbm>> -> memref<10000xi32, #tpu.memory_space<hbm>>
      tpu.enqueue_dma source(%dma_start3A_197 : memref<10000xi32, #tpu.memory_space<hbm>>) target(%arg10 : memref<10000xi32, #tpu.memory_space<vmem>>) target_semaphore(%run_scoped3A : memref<!tpu.dma_semaphore, #tpu.memory_space<semaphore_mem>>)
      %dma_wait3A_198 = tpu.memref_slice %arg3[%mul3A_4] : memref<320000xi32, #tpu.memory_space<hbm>> -> memref<10000xi32, #tpu.memory_space<hbm>>
      %dma_wait3A_199 = tpu.memref_slice %arg3[%mul3A_4] : memref<320000xi32, #tpu.memory_space<hbm>> -> memref<10000xi32, #tpu.memory_space<hbm>>
      tpu.wait_dma2 semaphore(%run_scoped3A : memref<!tpu.dma_semaphore, #tpu.memory_space<semaphore_mem>>) src(%dma_wait3A_199 : memref<10000xi32, #tpu.memory_space<hbm>>) dst(%arg10 : memref<10000xi32, #tpu.memory_space<vmem>>)
      tpu.yield
    }) : () -> ()
    %broadcast_in_dim3A = arith.constant 0.000000e+00 : f32
    %broadcast_in_dim3A_5 = vector.broadcast %broadcast_in_dim3A : f32 to vector<16xf32>
    %broadcast_in_dim3A_6 = arith.constant 1.000000e+00 : f32
    %broadcast_in_dim3A_7 = vector.broadcast %broadcast_in_dim3A_6 : f32 to vector<16xf32>
    %swap3A = arith.constant 0 : index
    %swap3A_8 = tpu.vector_load %arg17[%swap3A] {strides = array<i32>} : memref<80xf32, #tpu.memory_space<vmem>>, vector<16xf32>,
    tpu.vector_store %arg17[%swap3A], %broadcast_in_dim3A_7 {strides = array<i32>} : memref<80xf32, #tpu.memory_space<vmem>>, vector<16xf32>,
    %swap3A_9 = arith.constant 16 : index
    %swap3A_10 = tpu.vector_load %arg17[%swap3A_9] {strides = array<i32>} : memref<80xf32, #tpu.memory_space<vmem>>, vector<16xf32>,
    tpu.vector_store %arg17[%swap3A_9], %broadcast_in_dim3A_7 {strides = array<i32>} : memref<80xf32, #tpu.memory_space<vmem>>, vector<16xf32>,
    %swap3A_11 = arith.constant 32 : index
    %swap3A_12 = tpu.vector_load %arg17[%swap3A_11] {strides = array<i32>} : memref<80xf32, #tpu.memory_space<vmem>>, vector<16xf32>,
    tpu.vector_store %arg17[%swap3A_11], %broadcast_in_dim3A_7 {strides = array<i32>} : memref<80xf32, #tpu.memory_space<vmem>>, vector<16xf32>,
    %swap3A_13 = arith.constant 48 : index
    %swap3A_14 = tpu.vector_load %arg17[%swap3A_13] {strides = array<i32>} : memref<80xf32, #tpu.memory_space<vmem>>, vector<16xf32>,
    tpu.vector_store %arg17[%swap3A_13], %broadcast_in_dim3A_7 {strides = array<i32>} : memref<80xf32, #tpu.memory_space<vmem>>, vector<16xf32>,
    %swap3A_15 = arith.constant 64 : index
    %swap3A_16 = tpu.vector_load %arg17[%swap3A_15] {strides = array<i32>} : memref<80xf32, #tpu.memory_space<vmem>>, vector<16xf32>,
    tpu.vector_store %arg17[%swap3A_15], %broadcast_in_dim3A_7 {strides = array<i32>} : memref<80xf32, #tpu.memory_space<vmem>>, vector<16xf32>,
    %swap3A_17 = arith.constant 0 : index
    %swap3A_18 = tpu.vector_load %arg18[%swap3A_17] {strides = array<i32>} : memref<640xf32, #tpu.memory_space<vmem>>, vector<16xf32>,
    tpu.vector_store %arg18[%swap3A_17], %broadcast_in_dim3A_5 {strides = array<i32>} : memref<640xf32, #tpu.memory_space<vmem>>, vector<16xf32>,
    %swap3A_19 = arith.constant 16 : index
    %swap3A_20 = tpu.vector_load %arg18[%swap3A_19] {strides = array<i32>} : memref<640xf32, #tpu.memory_space<vmem>>, vector<16xf32>,
    tpu.vector_store %arg18[%swap3A_19], %broadcast_in_dim3A_5 {strides = array<i32>} : memref<640xf32, #tpu.memory_space<vmem>>, vector<16xf32>,
    %swap3A_21 = arith.constant 32 : index
    %swap3A_22 = tpu.vector_load %arg18[%swap3A_21] {strides = array<i32>} : memref<640xf32, #tpu.memory_space<vmem>>, vector<16xf32>,
    tpu.vector_store %arg18[%swap3A_21], %broadcast_in_dim3A_5 {strides = array<i32>} : memref<640xf32, #tpu.memory_space<vmem>>, vector<16xf32>,
    %swap3A_23 = arith.constant 48 : index
    %swap3A_24 = tpu.vector_load %arg18[%swap3A_23] {strides = array<i32>} : memref<640xf32, #tpu.memory_space<vmem>>, vector<16xf32>,
    tpu.vector_store %arg18[%swap3A_23], %broadcast_in_dim3A_5 {strides = array<i32>} : memref<640xf32, #tpu.memory_space<vmem>>, vector<16xf32>,
    %swap3A_25 = arith.constant 64 : index
    %swap3A_26 = tpu.vector_load %arg18[%swap3A_25] {strides = array<i32>} : memref<640xf32, #tpu.memory_space<vmem>>, vector<16xf32>,
    tpu.vector_store %arg18[%swap3A_25], %broadcast_in_dim3A_5 {strides = array<i32>} : memref<640xf32, #tpu.memory_space<vmem>>, vector<16xf32>,
    %swap3A_27 = arith.constant 80 : index
    %swap3A_28 = tpu.vector_load %arg18[%swap3A_27] {strides = array<i32>} : memref<640xf32, #tpu.memory_space<vmem>>, vector<16xf32>,
    tpu.vector_store %arg18[%swap3A_27], %broadcast_in_dim3A_5 {strides = array<i32>} : memref<640xf32, #tpu.memory_space<vmem>>, vector<16xf32>,
    %swap3A_29 = arith.constant 96 : index
    %swap3A_30 = tpu.vector_load %arg18[%swap3A_29] {strides = array<i32>} : memref<640xf32, #tpu.memory_space<vmem>>, vector<16xf32>,
    tpu.vector_store %arg18[%swap3A_29], %broadcast_in_dim3A_5 {strides = array<i32>} : memref<640xf32, #tpu.memory_space<vmem>>, vector<16xf32>,
    %swap3A_31 = arith.constant 112 : index
    %swap3A_32 = tpu.vector_load %arg18[%swap3A_31] {strides = array<i32>} : memref<640xf32, #tpu.memory_space<vmem>>, vector<16xf32>,
    tpu.vector_store %arg18[%swap3A_31], %broadcast_in_dim3A_5 {strides = array<i32>} : memref<640xf32, #tpu.memory_space<vmem>>, vector<16xf32>,
    %swap3A_33 = arith.constant 128 : index
    %swap3A_34 = tpu.vector_load %arg18[%swap3A_33] {strides = array<i32>} : memref<640xf32, #tpu.memory_space<vmem>>, vector<16xf32>,
    tpu.vector_store %arg18[%swap3A_33], %broadcast_in_dim3A_5 {strides = array<i32>} : memref<640xf32, #tpu.memory_space<vmem>>, vector<16xf32>,
    %swap3A_35 = arith.constant 144 : index
    %swap3A_36 = tpu.vector_load %arg18[%swap3A_35] {strides = array<i32>} : memref<640xf32, #tpu.memory_space<vmem>>, vector<16xf32>,
    tpu.vector_store %arg18[%swap3A_35], %broadcast_in_dim3A_5 {strides = array<i32>} : memref<640xf32, #tpu.memory_space<vmem>>, vector<16xf32>,
    %swap3A_37 = arith.constant 160 : index
    %swap3A_38 = tpu.vector_load %arg18[%swap3A_37] {strides = array<i32>} : memref<640xf32, #tpu.memory_space<vmem>>, vector<16xf32>,
    tpu.vector_store %arg18[%swap3A_37], %broadcast_in_dim3A_5 {strides = array<i32>} : memref<640xf32, #tpu.memory_space<vmem>>, vector<16xf32>,
    %swap3A_39 = arith.constant 176 : index
    %swap3A_40 = tpu.vector_load %arg18[%swap3A_39] {strides = array<i32>} : memref<640xf32, #tpu.memory_space<vmem>>, vector<16xf32>,
    tpu.vector_store %arg18[%swap3A_39], %broadcast_in_dim3A_5 {strides = array<i32>} : memref<640xf32, #tpu.memory_space<vmem>>, vector<16xf32>,
    %swap3A_41 = arith.constant 192 : index
    %swap3A_42 = tpu.vector_load %arg18[%swap3A_41] {strides = array<i32>} : memref<640xf32, #tpu.memory_space<vmem>>, vector<16xf32>,
    tpu.vector_store %arg18[%swap3A_41], %broadcast_in_dim3A_5 {strides = array<i32>} : memref<640xf32, #tpu.memory_space<vmem>>, vector<16xf32>,
    %swap3A_43 = arith.constant 208 : index
    %swap3A_44 = tpu.vector_load %arg18[%swap3A_43] {strides = array<i32>} : memref<640xf32, #tpu.memory_space<vmem>>, vector<16xf32>,
    tpu.vector_store %arg18[%swap3A_43], %broadcast_in_dim3A_5 {strides = array<i32>} : memref<640xf32, #tpu.memory_space<vmem>>, vector<16xf32>,
    %swap3A_45 = arith.constant 224 : index
    %swap3A_46 = tpu.vector_load %arg18[%swap3A_45] {strides = array<i32>} : memref<640xf32, #tpu.memory_space<vmem>>, vector<16xf32>,
    tpu.vector_store %arg18[%swap3A_45], %broadcast_in_dim3A_5 {strides = array<i32>} : memref<640xf32, #tpu.memory_space<vmem>>, vector<16xf32>,
    %swap3A_47 = arith.constant 240 : index
    %swap3A_48 = tpu.vector_load %arg18[%swap3A_47] {strides = array<i32>} : memref<640xf32, #tpu.memory_space<vmem>>, vector<16xf32>,
    tpu.vector_store %arg18[%swap3A_47], %broadcast_in_dim3A_5 {strides = array<i32>} : memref<640xf32, #tpu.memory_space<vmem>>, vector<16xf32>,
    %swap3A_49 = arith.constant 256 : index
    %swap3A_50 = tpu.vector_load %arg18[%swap3A_49] {strides = array<i32>} : memref<640xf32, #tpu.memory_space<vmem>>, vector<16xf32>,
    tpu.vector_store %arg18[%swap3A_49], %broadcast_in_dim3A_5 {strides = array<i32>} : memref<640xf32, #tpu.memory_space<vmem>>, vector<16xf32>,
    %swap3A_51 = arith.constant 272 : index
    %swap3A_52 = tpu.vector_load %arg18[%swap3A_51] {strides = array<i32>} : memref<640xf32, #tpu.memory_space<vmem>>, vector<16xf32>,
    tpu.vector_store %arg18[%swap3A_51], %broadcast_in_dim3A_5 {strides = array<i32>} : memref<640xf32, #tpu.memory_space<vmem>>, vector<16xf32>,
    %swap3A_53 = arith.constant 288 : index
    %swap3A_54 = tpu.vector_load %arg18[%swap3A_53] {strides = array<i32>} : memref<640xf32, #tpu.memory_space<vmem>>, vector<16xf32>,
    tpu.vector_store %arg18[%swap3A_53], %broadcast_in_dim3A_5 {strides = array<i32>} : memref<640xf32, #tpu.memory_space<vmem>>, vector<16xf32>,
    %swap3A_55 = arith.constant 304 : index
    %swap3A_56 = tpu.vector_load %arg18[%swap3A_55] {strides = array<i32>} : memref<640xf32, #tpu.memory_space<vmem>>, vector<16xf32>,
    tpu.vector_store %arg18[%swap3A_55], %broadcast_in_dim3A_5 {strides = array<i32>} : memref<640xf32, #tpu.memory_space<vmem>>, vector<16xf32>,
    %swap3A_57 = arith.constant 320 : index
    %swap3A_58 = tpu.vector_load %arg18[%swap3A_57] {strides = array<i32>} : memref<640xf32, #tpu.memory_space<vmem>>, vector<16xf32>,
    tpu.vector_store %arg18[%swap3A_57], %broadcast_in_dim3A_5 {strides = array<i32>} : memref<640xf32, #tpu.memory_space<vmem>>, vector<16xf32>,
    %swap3A_59 = arith.constant 336 : index
    %swap3A_60 = tpu.vector_load %arg18[%swap3A_59] {strides = array<i32>} : memref<640xf32, #tpu.memory_space<vmem>>, vector<16xf32>,
    tpu.vector_store %arg18[%swap3A_59], %broadcast_in_dim3A_5 {strides = array<i32>} : memref<640xf32, #tpu.memory_space<vmem>>, vector<16xf32>,
    %swap3A_61 = arith.constant 352 : index
    %swap3A_62 = tpu.vector_load %arg18[%swap3A_61] {strides = array<i32>} : memref<640xf32, #tpu.memory_space<vmem>>, vector<16xf32>,
    tpu.vector_store %arg18[%swap3A_61], %broadcast_in_dim3A_5 {strides = array<i32>} : memref<640xf32, #tpu.memory_space<vmem>>, vector<16xf32>,
    %swap3A_63 = arith.constant 368 : index
    %swap3A_64 = tpu.vector_load %arg18[%swap3A_63] {strides = array<i32>} : memref<640xf32, #tpu.memory_space<vmem>>, vector<16xf32>,
    tpu.vector_store %arg18[%swap3A_63], %broadcast_in_dim3A_5 {strides = array<i32>} : memref<640xf32, #tpu.memory_space<vmem>>, vector<16xf32>,
    %swap3A_65 = arith.constant 384 : index
    %swap3A_66 = tpu.vector_load %arg18[%swap3A_65] {strides = array<i32>} : memref<640xf32, #tpu.memory_space<vmem>>, vector<16xf32>,
    tpu.vector_store %arg18[%swap3A_65], %broadcast_in_dim3A_5 {strides = array<i32>} : memref<640xf32, #tpu.memory_space<vmem>>, vector<16xf32>,
    %swap3A_67 = arith.constant 400 : index
    %swap3A_68 = tpu.vector_load %arg18[%swap3A_67] {strides = array<i32>} : memref<640xf32, #tpu.memory_space<vmem>>, vector<16xf32>,
    tpu.vector_store %arg18[%swap3A_67], %broadcast_in_dim3A_5 {strides = array<i32>} : memref<640xf32, #tpu.memory_space<vmem>>, vector<16xf32>,
    %swap3A_69 = arith.constant 416 : index
    %swap3A_70 = tpu.vector_load %arg18[%swap3A_69] {strides = array<i32>} : memref<640xf32, #tpu.memory_space<vmem>>, vector<16xf32>,
    tpu.vector_store %arg18[%swap3A_69], %broadcast_in_dim3A_5 {strides = array<i32>} : memref<640xf32, #tpu.memory_space<vmem>>, vector<16xf32>,
    %swap3A_71 = arith.constant 432 : index
    %swap3A_72 = tpu.vector_load %arg18[%swap3A_71] {strides = array<i32>} : memref<640xf32, #tpu.memory_space<vmem>>, vector<16xf32>,
    tpu.vector_store %arg18[%swap3A_71], %broadcast_in_dim3A_5 {strides = array<i32>} : memref<640xf32, #tpu.memory_space<vmem>>, vector<16xf32>,
    %swap3A_73 = arith.constant 448 : index
    %swap3A_74 = tpu.vector_load %arg18[%swap3A_73] {strides = array<i32>} : memref<640xf32, #tpu.memory_space<vmem>>, vector<16xf32>,
    tpu.vector_store %arg18[%swap3A_73], %broadcast_in_dim3A_5 {strides = array<i32>} : memref<640xf32, #tpu.memory_space<vmem>>, vector<16xf32>,
    %swap3A_75 = arith.constant 464 : index
    %swap3A_76 = tpu.vector_load %arg18[%swap3A_75] {strides = array<i32>} : memref<640xf32, #tpu.memory_space<vmem>>, vector<16xf32>,
    tpu.vector_store %arg18[%swap3A_75], %broadcast_in_dim3A_5 {strides = array<i32>} : memref<640xf32, #tpu.memory_space<vmem>>, vector<16xf32>,
    %swap3A_77 = arith.constant 480 : index
    %swap3A_78 = tpu.vector_load %arg18[%swap3A_77] {strides = array<i32>} : memref<640xf32, #tpu.memory_space<vmem>>, vector<16xf32>,
    tpu.vector_store %arg18[%swap3A_77], %broadcast_in_dim3A_5 {strides = array<i32>} : memref<640xf32, #tpu.memory_space<vmem>>, vector<16xf32>,
    %swap3A_79 = arith.constant 496 : index
    %swap3A_80 = tpu.vector_load %arg18[%swap3A_79] {strides = array<i32>} : memref<640xf32, #tpu.memory_space<vmem>>, vector<16xf32>,
    tpu.vector_store %arg18[%swap3A_79], %broadcast_in_dim3A_5 {strides = array<i32>} : memref<640xf32, #tpu.memory_space<vmem>>, vector<16xf32>,
    %swap3A_81 = arith.constant 512 : index
    %swap3A_82 = tpu.vector_load %arg18[%swap3A_81] {strides = array<i32>} : memref<640xf32, #tpu.memory_space<vmem>>, vector<16xf32>,
    tpu.vector_store %arg18[%swap3A_81], %broadcast_in_dim3A_5 {strides = array<i32>} : memref<640xf32, #tpu.memory_space<vmem>>, vector<16xf32>,
    %swap3A_83 = arith.constant 528 : index
    %swap3A_84 = tpu.vector_load %arg18[%swap3A_83] {strides = array<i32>} : memref<640xf32, #tpu.memory_space<vmem>>, vector<16xf32>,
    tpu.vector_store %arg18[%swap3A_83], %broadcast_in_dim3A_5 {strides = array<i32>} : memref<640xf32, #tpu.memory_space<vmem>>, vector<16xf32>,
    %swap3A_85 = arith.constant 544 : index
    %swap3A_86 = tpu.vector_load %arg18[%swap3A_85] {strides = array<i32>} : memref<640xf32, #tpu.memory_space<vmem>>, vector<16xf32>,
    tpu.vector_store %arg18[%swap3A_85], %broadcast_in_dim3A_5 {strides = array<i32>} : memref<640xf32, #tpu.memory_space<vmem>>, vector<16xf32>,
    %swap3A_87 = arith.constant 560 : index
    %swap3A_88 = tpu.vector_load %arg18[%swap3A_87] {strides = array<i32>} : memref<640xf32, #tpu.memory_space<vmem>>, vector<16xf32>,
    tpu.vector_store %arg18[%swap3A_87], %broadcast_in_dim3A_5 {strides = array<i32>} : memref<640xf32, #tpu.memory_space<vmem>>, vector<16xf32>,
    %swap3A_89 = arith.constant 576 : index
    %swap3A_90 = tpu.vector_load %arg18[%swap3A_89] {strides = array<i32>} : memref<640xf32, #tpu.memory_space<vmem>>, vector<16xf32>,
    tpu.vector_store %arg18[%swap3A_89], %broadcast_in_dim3A_5 {strides = array<i32>} : memref<640xf32, #tpu.memory_space<vmem>>, vector<16xf32>,
    %swap3A_91 = arith.constant 592 : index
    %swap3A_92 = tpu.vector_load %arg18[%swap3A_91] {strides = array<i32>} : memref<640xf32, #tpu.memory_space<vmem>>, vector<16xf32>,
    tpu.vector_store %arg18[%swap3A_91], %broadcast_in_dim3A_5 {strides = array<i32>} : memref<640xf32, #tpu.memory_space<vmem>>, vector<16xf32>,
    %swap3A_93 = arith.constant 608 : index
    %swap3A_94 = tpu.vector_load %arg18[%swap3A_93] {strides = array<i32>} : memref<640xf32, #tpu.memory_space<vmem>>, vector<16xf32>,
    tpu.vector_store %arg18[%swap3A_93], %broadcast_in_dim3A_5 {strides = array<i32>} : memref<640xf32, #tpu.memory_space<vmem>>, vector<16xf32>,
    %swap3A_95 = arith.constant 624 : index
    %swap3A_96 = tpu.vector_load %arg18[%swap3A_95] {strides = array<i32>} : memref<640xf32, #tpu.memory_space<vmem>>, vector<16xf32>,
    tpu.vector_store %arg18[%swap3A_95], %broadcast_in_dim3A_5 {strides = array<i32>} : memref<640xf32, #tpu.memory_space<vmem>>, vector<16xf32>,
    "tpu.region"() ({
      %run_scoped3A = tpu.sem_alloc : memref<!tpu.dma_semaphore, #tpu.memory_space<semaphore_mem>>
      %dma_start3A_196 = tpu.memref_slice %arg9[%mul3A_0] : memref<10240xf32, #tpu.memory_space<vmem_shared>> -> memref<640xf32, #tpu.memory_space<vmem_shared>>
      %dma_start3A_197 = tpu.memref_slice %arg9[%mul3A_0] : memref<10240xf32, #tpu.memory_space<vmem_shared>> -> memref<640xf32, #tpu.memory_space<vmem_shared>>
      tpu.enqueue_dma source(%arg18 : memref<640xf32, #tpu.memory_space<vmem>>) target(%dma_start3A_197 : memref<640xf32, #tpu.memory_space<vmem_shared>>) target_semaphore(%run_scoped3A : memref<!tpu.dma_semaphore, #tpu.memory_space<semaphore_mem>>)
      %dma_wait3A_198 = tpu.memref_slice %arg9[%mul3A_0] : memref<10240xf32, #tpu.memory_space<vmem_shared>> -> memref<640xf32, #tpu.memory_space<vmem_shared>>
      %dma_wait3A_199 = tpu.memref_slice %arg9[%mul3A_0] : memref<10240xf32, #tpu.memory_space<vmem_shared>> -> memref<640xf32, #tpu.memory_space<vmem_shared>>
      tpu.wait_dma2 semaphore(%run_scoped3A : memref<!tpu.dma_semaphore, #tpu.memory_space<semaphore_mem>>) src(%arg18 : memref<640xf32, #tpu.memory_space<vmem>>) dst(%dma_wait3A_199 : memref<640xf32, #tpu.memory_space<vmem_shared>>)
      tpu.yield
    }) : () -> ()
    "tpu.region"() ({
      %run_scoped3A = tpu.sem_alloc : memref<!tpu.dma_semaphore, #tpu.memory_space<semaphore_mem>>
      tpu.enqueue_dma source(%arg5 : memref<80x128xf32, #tpu.memory_space<hbm>>) target(%arg14 : memref<80x128xf32, #tpu.memory_space<vmem>>) target_semaphore(%run_scoped3A : memref<!tpu.dma_semaphore, #tpu.memory_space<semaphore_mem>>)
      tpu.wait_dma2 semaphore(%run_scoped3A : memref<!tpu.dma_semaphore, #tpu.memory_space<semaphore_mem>>) src(%arg5 : memref<80x128xf32, #tpu.memory_space<hbm>>) dst(%arg14 : memref<80x128xf32, #tpu.memory_space<vmem>>)
      tpu.yield
    }) : () -> ()
    %add3A_97 = arith.constant 0 : i32
    %add3A_98 = arith.addi %mul3A_0, %add3A_97 : i32
    "tpu.region"() ({
      %run_scoped3A = tpu.sem_alloc : memref<!tpu.dma_semaphore, #tpu.memory_space<semaphore_mem>>
      %dma_start3A_196 = arith.constant 0 : i32
      %dma_start3A_197 = tpu.memref_slice %arg8[%add3A_98, %dma_start3A_196] : memref<10240x128xf32, #tpu.memory_space<vmem_shared>> -> memref<80x128xf32, #tpu.memory_space<vmem_shared>>
      %dma_start3A_198 = arith.constant 0 : i32
      %dma_start3A_199 = tpu.memref_slice %arg8[%add3A_98, %dma_start3A_198] : memref<10240x128xf32, #tpu.memory_space<vmem_shared>> -> memref<80x128xf32, #tpu.memory_space<vmem_shared>>
      tpu.enqueue_dma source(%arg14 : memref<80x128xf32, #tpu.memory_space<vmem>>) target(%dma_start3A_199 : memref<80x128xf32, #tpu.memory_space<vmem_shared>>) target_semaphore(%run_scoped3A : memref<!tpu.dma_semaphore, #tpu.memory_space<semaphore_mem>>)
      %dma_wait3A_200 = arith.constant 0 : i32
      %dma_wait3A_201 = tpu.memref_slice %arg8[%add3A_98, %dma_wait3A_200] : memref<10240x128xf32, #tpu.memory_space<vmem_shared>> -> memref<80x128xf32, #tpu.memory_space<vmem_shared>>
      %dma_wait3A_202 = arith.constant 0 : i32
      %dma_wait3A_203 = tpu.memref_slice %arg8[%add3A_98, %dma_wait3A_202] : memref<10240x128xf32, #tpu.memory_space<vmem_shared>> -> memref<80x128xf32, #tpu.memory_space<vmem_shared>>
      tpu.wait_dma2 semaphore(%run_scoped3A : memref<!tpu.dma_semaphore, #tpu.memory_space<semaphore_mem>>) src(%arg14 : memref<80x128xf32, #tpu.memory_space<vmem>>) dst(%dma_wait3A_203 : memref<80x128xf32, #tpu.memory_space<vmem_shared>>)
      tpu.yield
    }) : () -> ()
    %add3A_99 = arith.constant 80 : i32
    %add3A_100 = arith.addi %mul3A_0, %add3A_99 : i32
    "tpu.region"() ({
      %run_scoped3A = tpu.sem_alloc : memref<!tpu.dma_semaphore, #tpu.memory_space<semaphore_mem>>
      %dma_start3A_196 = arith.constant 0 : i32
      %dma_start3A_197 = tpu.memref_slice %arg8[%add3A_100, %dma_start3A_196] : memref<10240x128xf32, #tpu.memory_space<vmem_shared>> -> memref<80x128xf32, #tpu.memory_space<vmem_shared>>
      %dma_start3A_198 = arith.constant 0 : i32
      %dma_start3A_199 = tpu.memref_slice %arg8[%add3A_100, %dma_start3A_198] : memref<10240x128xf32, #tpu.memory_space<vmem_shared>> -> memref<80x128xf32, #tpu.memory_space<vmem_shared>>
      tpu.enqueue_dma source(%arg14 : memref<80x128xf32, #tpu.memory_space<vmem>>) target(%dma_start3A_199 : memref<80x128xf32, #tpu.memory_space<vmem_shared>>) target_semaphore(%run_scoped3A : memref<!tpu.dma_semaphore, #tpu.memory_space<semaphore_mem>>)
      %dma_wait3A_200 = arith.constant 0 : i32
      %dma_wait3A_201 = tpu.memref_slice %arg8[%add3A_100, %dma_wait3A_200] : memref<10240x128xf32, #tpu.memory_space<vmem_shared>> -> memref<80x128xf32, #tpu.memory_space<vmem_shared>>
      %dma_wait3A_202 = arith.constant 0 : i32
      %dma_wait3A_203 = tpu.memref_slice %arg8[%add3A_100, %dma_wait3A_202] : memref<10240x128xf32, #tpu.memory_space<vmem_shared>> -> memref<80x128xf32, #tpu.memory_space<vmem_shared>>
      tpu.wait_dma2 semaphore(%run_scoped3A : memref<!tpu.dma_semaphore, #tpu.memory_space<semaphore_mem>>) src(%arg14 : memref<80x128xf32, #tpu.memory_space<vmem>>) dst(%dma_wait3A_203 : memref<80x128xf32, #tpu.memory_space<vmem_shared>>)
      tpu.yield
    }) : () -> ()
    %add3A_101 = arith.constant 160 : i32
    %add3A_102 = arith.addi %mul3A_0, %add3A_101 : i32
    "tpu.region"() ({
      %run_scoped3A = tpu.sem_alloc : memref<!tpu.dma_semaphore, #tpu.memory_space<semaphore_mem>>
      %dma_start3A_196 = arith.constant 0 : i32
      %dma_start3A_197 = tpu.memref_slice %arg8[%add3A_102, %dma_start3A_196] : memref<10240x128xf32, #tpu.memory_space<vmem_shared>> -> memref<80x128xf32, #tpu.memory_space<vmem_shared>>
      %dma_start3A_198 = arith.constant 0 : i32
      %dma_start3A_199 = tpu.memref_slice %arg8[%add3A_102, %dma_start3A_198] : memref<10240x128xf32, #tpu.memory_space<vmem_shared>> -> memref<80x128xf32, #tpu.memory_space<vmem_shared>>
      tpu.enqueue_dma source(%arg14 : memref<80x128xf32, #tpu.memory_space<vmem>>) target(%dma_start3A_199 : memref<80x128xf32, #tpu.memory_space<vmem_shared>>) target_semaphore(%run_scoped3A : memref<!tpu.dma_semaphore, #tpu.memory_space<semaphore_mem>>)
      %dma_wait3A_200 = arith.constant 0 : i32
      %dma_wait3A_201 = tpu.memref_slice %arg8[%add3A_102, %dma_wait3A_200] : memref<10240x128xf32, #tpu.memory_space<vmem_shared>> -> memref<80x128xf32, #tpu.memory_space<vmem_shared>>
      %dma_wait3A_202 = arith.constant 0 : i32
      %dma_wait3A_203 = tpu.memref_slice %arg8[%add3A_102, %dma_wait3A_202] : memref<10240x128xf32, #tpu.memory_space<vmem_shared>> -> memref<80x128xf32, #tpu.memory_space<vmem_shared>>
      tpu.wait_dma2 semaphore(%run_scoped3A : memref<!tpu.dma_semaphore, #tpu.memory_space<semaphore_mem>>) src(%arg14 : memref<80x128xf32, #tpu.memory_space<vmem>>) dst(%dma_wait3A_203 : memref<80x128xf32, #tpu.memory_space<vmem_shared>>)
      tpu.yield
    }) : () -> ()
    %add3A_103 = arith.constant 240 : i32
    %add3A_104 = arith.addi %mul3A_0, %add3A_103 : i32
    "tpu.region"() ({
      %run_scoped3A = tpu.sem_alloc : memref<!tpu.dma_semaphore, #tpu.memory_space<semaphore_mem>>
      %dma_start3A_196 = arith.constant 0 : i32
      %dma_start3A_197 = tpu.memref_slice %arg8[%add3A_104, %dma_start3A_196] : memref<10240x128xf32, #tpu.memory_space<vmem_shared>> -> memref<80x128xf32, #tpu.memory_space<vmem_shared>>
      %dma_start3A_198 = arith.constant 0 : i32
      %dma_start3A_199 = tpu.memref_slice %arg8[%add3A_104, %dma_start3A_198] : memref<10240x128xf32, #tpu.memory_space<vmem_shared>> -> memref<80x128xf32, #tpu.memory_space<vmem_shared>>
      tpu.enqueue_dma source(%arg14 : memref<80x128xf32, #tpu.memory_space<vmem>>) target(%dma_start3A_199 : memref<80x128xf32, #tpu.memory_space<vmem_shared>>) target_semaphore(%run_scoped3A : memref<!tpu.dma_semaphore, #tpu.memory_space<semaphore_mem>>)
      %dma_wait3A_200 = arith.constant 0 : i32
      %dma_wait3A_201 = tpu.memref_slice %arg8[%add3A_104, %dma_wait3A_200] : memref<10240x128xf32, #tpu.memory_space<vmem_shared>> -> memref<80x128xf32, #tpu.memory_space<vmem_shared>>
      %dma_wait3A_202 = arith.constant 0 : i32
      %dma_wait3A_203 = tpu.memref_slice %arg8[%add3A_104, %dma_wait3A_202] : memref<10240x128xf32, #tpu.memory_space<vmem_shared>> -> memref<80x128xf32, #tpu.memory_space<vmem_shared>>
      tpu.wait_dma2 semaphore(%run_scoped3A : memref<!tpu.dma_semaphore, #tpu.memory_space<semaphore_mem>>) src(%arg14 : memref<80x128xf32, #tpu.memory_space<vmem>>) dst(%dma_wait3A_203 : memref<80x128xf32, #tpu.memory_space<vmem_shared>>)
      tpu.yield
    }) : () -> ()
    %add3A_105 = arith.constant 320 : i32
    %add3A_106 = arith.addi %mul3A_0, %add3A_105 : i32
    "tpu.region"() ({
      %run_scoped3A = tpu.sem_alloc : memref<!tpu.dma_semaphore, #tpu.memory_space<semaphore_mem>>
      %dma_start3A_196 = arith.constant 0 : i32
      %dma_start3A_197 = tpu.memref_slice %arg8[%add3A_106, %dma_start3A_196] : memref<10240x128xf32, #tpu.memory_space<vmem_shared>> -> memref<80x128xf32, #tpu.memory_space<vmem_shared>>
      %dma_start3A_198 = arith.constant 0 : i32
      %dma_start3A_199 = tpu.memref_slice %arg8[%add3A_106, %dma_start3A_198] : memref<10240x128xf32, #tpu.memory_space<vmem_shared>> -> memref<80x128xf32, #tpu.memory_space<vmem_shared>>
      tpu.enqueue_dma source(%arg14 : memref<80x128xf32, #tpu.memory_space<vmem>>) target(%dma_start3A_199 : memref<80x128xf32, #tpu.memory_space<vmem_shared>>) target_semaphore(%run_scoped3A : memref<!tpu.dma_semaphore, #tpu.memory_space<semaphore_mem>>)
      %dma_wait3A_200 = arith.constant 0 : i32
      %dma_wait3A_201 = tpu.memref_slice %arg8[%add3A_106, %dma_wait3A_200] : memref<10240x128xf32, #tpu.memory_space<vmem_shared>> -> memref<80x128xf32, #tpu.memory_space<vmem_shared>>
      %dma_wait3A_202 = arith.constant 0 : i32
      %dma_wait3A_203 = tpu.memref_slice %arg8[%add3A_106, %dma_wait3A_202] : memref<10240x128xf32, #tpu.memory_space<vmem_shared>> -> memref<80x128xf32, #tpu.memory_space<vmem_shared>>
      tpu.wait_dma2 semaphore(%run_scoped3A : memref<!tpu.dma_semaphore, #tpu.memory_space<semaphore_mem>>) src(%arg14 : memref<80x128xf32, #tpu.memory_space<vmem>>) dst(%dma_wait3A_203 : memref<80x128xf32, #tpu.memory_space<vmem_shared>>)
      tpu.yield
    }) : () -> ()
    %add3A_107 = arith.constant 400 : i32
    %add3A_108 = arith.addi %mul3A_0, %add3A_107 : i32
    "tpu.region"() ({
      %run_scoped3A = tpu.sem_alloc : memref<!tpu.dma_semaphore, #tpu.memory_space<semaphore_mem>>
      %dma_start3A_196 = arith.constant 0 : i32
      %dma_start3A_197 = tpu.memref_slice %arg8[%add3A_108, %dma_start3A_196] : memref<10240x128xf32, #tpu.memory_space<vmem_shared>> -> memref<80x128xf32, #tpu.memory_space<vmem_shared>>
      %dma_start3A_198 = arith.constant 0 : i32
      %dma_start3A_199 = tpu.memref_slice %arg8[%add3A_108, %dma_start3A_198] : memref<10240x128xf32, #tpu.memory_space<vmem_shared>> -> memref<80x128xf32, #tpu.memory_space<vmem_shared>>
      tpu.enqueue_dma source(%arg14 : memref<80x128xf32, #tpu.memory_space<vmem>>) target(%dma_start3A_199 : memref<80x128xf32, #tpu.memory_space<vmem_shared>>) target_semaphore(%run_scoped3A : memref<!tpu.dma_semaphore, #tpu.memory_space<semaphore_mem>>)
      %dma_wait3A_200 = arith.constant 0 : i32
      %dma_wait3A_201 = tpu.memref_slice %arg8[%add3A_108, %dma_wait3A_200] : memref<10240x128xf32, #tpu.memory_space<vmem_shared>> -> memref<80x128xf32, #tpu.memory_space<vmem_shared>>
      %dma_wait3A_202 = arith.constant 0 : i32
      %dma_wait3A_203 = tpu.memref_slice %arg8[%add3A_108, %dma_wait3A_202] : memref<10240x128xf32, #tpu.memory_space<vmem_shared>> -> memref<80x128xf32, #tpu.memory_space<vmem_shared>>
      tpu.wait_dma2 semaphore(%run_scoped3A : memref<!tpu.dma_semaphore, #tpu.memory_space<semaphore_mem>>) src(%arg14 : memref<80x128xf32, #tpu.memory_space<vmem>>) dst(%dma_wait3A_203 : memref<80x128xf32, #tpu.memory_space<vmem_shared>>)
      tpu.yield
    }) : () -> ()
    %add3A_109 = arith.constant 480 : i32
    %add3A_110 = arith.addi %mul3A_0, %add3A_109 : i32
    "tpu.region"() ({
      %run_scoped3A = tpu.sem_alloc : memref<!tpu.dma_semaphore, #tpu.memory_space<semaphore_mem>>
      %dma_start3A_196 = arith.constant 0 : i32
      %dma_start3A_197 = tpu.memref_slice %arg8[%add3A_110, %dma_start3A_196] : memref<10240x128xf32, #tpu.memory_space<vmem_shared>> -> memref<80x128xf32, #tpu.memory_space<vmem_shared>>
      %dma_start3A_198 = arith.constant 0 : i32
      %dma_start3A_199 = tpu.memref_slice %arg8[%add3A_110, %dma_start3A_198] : memref<10240x128xf32, #tpu.memory_space<vmem_shared>> -> memref<80x128xf32, #tpu.memory_space<vmem_shared>>
      tpu.enqueue_dma source(%arg14 : memref<80x128xf32, #tpu.memory_space<vmem>>) target(%dma_start3A_199 : memref<80x128xf32, #tpu.memory_space<vmem_shared>>) target_semaphore(%run_scoped3A : memref<!tpu.dma_semaphore, #tpu.memory_space<semaphore_mem>>)
      %dma_wait3A_200 = arith.constant 0 : i32
      %dma_wait3A_201 = tpu.memref_slice %arg8[%add3A_110, %dma_wait3A_200] : memref<10240x128xf32, #tpu.memory_space<vmem_shared>> -> memref<80x128xf32, #tpu.memory_space<vmem_shared>>
      %dma_wait3A_202 = arith.constant 0 : i32
      %dma_wait3A_203 = tpu.memref_slice %arg8[%add3A_110, %dma_wait3A_202] : memref<10240x128xf32, #tpu.memory_space<vmem_shared>> -> memref<80x128xf32, #tpu.memory_space<vmem_shared>>
      tpu.wait_dma2 semaphore(%run_scoped3A : memref<!tpu.dma_semaphore, #tpu.memory_space<semaphore_mem>>) src(%arg14 : memref<80x128xf32, #tpu.memory_space<vmem>>) dst(%dma_wait3A_203 : memref<80x128xf32, #tpu.memory_space<vmem_shared>>)
      tpu.yield
    }) : () -> ()
    %add3A_111 = arith.constant 560 : i32
    %add3A_112 = arith.addi %mul3A_0, %add3A_111 : i32
    "tpu.region"() ({
      %run_scoped3A = tpu.sem_alloc : memref<!tpu.dma_semaphore, #tpu.memory_space<semaphore_mem>>
      %dma_start3A_196 = arith.constant 0 : i32
      %dma_start3A_197 = tpu.memref_slice %arg8[%add3A_112, %dma_start3A_196] : memref<10240x128xf32, #tpu.memory_space<vmem_shared>> -> memref<80x128xf32, #tpu.memory_space<vmem_shared>>
      %dma_start3A_198 = arith.constant 0 : i32
      %dma_start3A_199 = tpu.memref_slice %arg8[%add3A_112, %dma_start3A_198] : memref<10240x128xf32, #tpu.memory_space<vmem_shared>> -> memref<80x128xf32, #tpu.memory_space<vmem_shared>>
      tpu.enqueue_dma source(%arg14 : memref<80x128xf32, #tpu.memory_space<vmem>>) target(%dma_start3A_199 : memref<80x128xf32, #tpu.memory_space<vmem_shared>>) target_semaphore(%run_scoped3A : memref<!tpu.dma_semaphore, #tpu.memory_space<semaphore_mem>>)
      %dma_wait3A_200 = arith.constant 0 : i32
      %dma_wait3A_201 = tpu.memref_slice %arg8[%add3A_112, %dma_wait3A_200] : memref<10240x128xf32, #tpu.memory_space<vmem_shared>> -> memref<80x128xf32, #tpu.memory_space<vmem_shared>>
      %dma_wait3A_202 = arith.constant 0 : i32
      %dma_wait3A_203 = tpu.memref_slice %arg8[%add3A_112, %dma_wait3A_202] : memref<10240x128xf32, #tpu.memory_space<vmem_shared>> -> memref<80x128xf32, #tpu.memory_space<vmem_shared>>
      tpu.wait_dma2 semaphore(%run_scoped3A : memref<!tpu.dma_semaphore, #tpu.memory_space<semaphore_mem>>) src(%arg14 : memref<80x128xf32, #tpu.memory_space<vmem>>) dst(%dma_wait3A_203 : memref<80x128xf32, #tpu.memory_space<vmem_shared>>)
      tpu.yield
    }) : () -> ()
    %barrier3A = arith.constant 0 : index
    tpu.barrier barrier_id(%barrier3A)
    %add3A_113 = arith.constant 0 : i32
    %add3A_114 = arith.addi %mul3A_4, %add3A_113 : i32
    %dma_start3A = tpu.memref_slice %arg4[%add3A_114] : memref<320000xi32, #tpu.memory_space<hbm>> -> memref<80xi32, #tpu.memory_space<hbm>>
    %dma_start3A_115 = tpu.memref_slice %arg4[%add3A_114] : memref<320000xi32, #tpu.memory_space<hbm>> -> memref<80xi32, #tpu.memory_space<hbm>>
    tpu.enqueue_dma source(%dma_start3A_115 : memref<80xi32, #tpu.memory_space<hbm>>) target(%arg11 : memref<80xi32, #tpu.memory_space<vmem>>) target_semaphore(%arg22 : memref<!tpu.dma_semaphore, #tpu.memory_space<semaphore_mem>>)
    %dma_start3A_116 = arith.constant 0 : i32
    %dma_start3A_117 = tpu.memref_slice %arg10[%dma_start3A_116] : memref<10000xi32, #tpu.memory_space<vmem>> -> memref<80xi32, #tpu.memory_space<vmem>>
    %dma_start3A_118 = arith.constant 0 : i32
    %dma_start3A_119 = arith.constant 0 : i32
    %dma_start3A_120 = tpu.memref_slice %arg2[%dma_start3A_118, %dma_start3A_119] : memref<10000x128xf32, #tpu.memory_space<hbm>> -> memref<10000x128xf32, #tpu.memory_space<hbm>>
    tpu.enqueue_indirect_dma source(%dma_start3A_120 : memref<10000x128xf32, #tpu.memory_space<hbm>>) target(%arg14 : memref<80x128xf32, #tpu.memory_space<vmem>>) offsets(%dma_start3A_117 : memref<80xi32, #tpu.memory_space<vmem>>) semaphore(%arg19 : memref<!tpu.dma_semaphore, #tpu.memory_space<semaphore_mem>>)
    %add3A_121 = arith.constant 80 : i32
    %add3A_122 = arith.addi %mul3A_4, %add3A_121 : i32
    %dma_start3A_123 = tpu.memref_slice %arg4[%add3A_122] : memref<320000xi32, #tpu.memory_space<hbm>> -> memref<80xi32, #tpu.memory_space<hbm>>
    %dma_start3A_124 = tpu.memref_slice %arg4[%add3A_122] : memref<320000xi32, #tpu.memory_space<hbm>> -> memref<80xi32, #tpu.memory_space<hbm>>
    tpu.enqueue_dma source(%dma_start3A_124 : memref<80xi32, #tpu.memory_space<hbm>>) target(%arg12 : memref<80xi32, #tpu.memory_space<vmem>>) target_semaphore(%arg23 : memref<!tpu.dma_semaphore, #tpu.memory_space<semaphore_mem>>)
    %dma_start3A_125 = arith.constant 80 : i32
    %dma_start3A_126 = tpu.memref_slice %arg10[%dma_start3A_125] : memref<10000xi32, #tpu.memory_space<vmem>> -> memref<80xi32, #tpu.memory_space<vmem>>
    %dma_start3A_127 = arith.constant 0 : i32
    %dma_start3A_128 = arith.constant 0 : i32
    %dma_start3A_129 = tpu.memref_slice %arg2[%dma_start3A_127, %dma_start3A_128] : memref<10000x128xf32, #tpu.memory_space<hbm>> -> memref<10000x128xf32, #tpu.memory_space<hbm>>
    tpu.enqueue_indirect_dma source(%dma_start3A_129 : memref<10000x128xf32, #tpu.memory_space<hbm>>) target(%arg15 : memref<80x128xf32, #tpu.memory_space<vmem>>) offsets(%dma_start3A_126 : memref<80xi32, #tpu.memory_space<vmem>>) semaphore(%arg20 : memref<!tpu.dma_semaphore, #tpu.memory_space<semaphore_mem>>)
    %add3A_130 = arith.constant 160 : i32
    %add3A_131 = arith.addi %mul3A_4, %add3A_130 : i32
    %dma_start3A_132 = tpu.memref_slice %arg4[%add3A_131] : memref<320000xi32, #tpu.memory_space<hbm>> -> memref<80xi32, #tpu.memory_space<hbm>>
    %dma_start3A_133 = tpu.memref_slice %arg4[%add3A_131] : memref<320000xi32, #tpu.memory_space<hbm>> -> memref<80xi32, #tpu.memory_space<hbm>>
    tpu.enqueue_dma source(%dma_start3A_133 : memref<80xi32, #tpu.memory_space<hbm>>) target(%arg13 : memref<80xi32, #tpu.memory_space<vmem>>) target_semaphore(%arg24 : memref<!tpu.dma_semaphore, #tpu.memory_space<semaphore_mem>>)
    %dma_start3A_134 = arith.constant 160 : i32
    %dma_start3A_135 = tpu.memref_slice %arg10[%dma_start3A_134] : memref<10000xi32, #tpu.memory_space<vmem>> -> memref<80xi32, #tpu.memory_space<vmem>>
    %dma_start3A_136 = arith.constant 0 : i32
    %dma_start3A_137 = arith.constant 0 : i32
    %dma_start3A_138 = tpu.memref_slice %arg2[%dma_start3A_136, %dma_start3A_137] : memref<10000x128xf32, #tpu.memory_space<hbm>> -> memref<10000x128xf32, #tpu.memory_space<hbm>>
    tpu.enqueue_indirect_dma source(%dma_start3A_138 : memref<10000x128xf32, #tpu.memory_space<hbm>>) target(%arg16 : memref<80x128xf32, #tpu.memory_space<vmem>>) offsets(%dma_start3A_135 : memref<80xi32, #tpu.memory_space<vmem>>) semaphore(%arg21 : memref<!tpu.dma_semaphore, #tpu.memory_space<semaphore_mem>>)
    %scan3A = arith.constant 0 : i32
    %scan3A_139 = arith.constant 0 : i32
    %scan3A_140 = arith.constant 41 : i32
    %scan3A_141 = arith.addi %scan3A_139, %scan3A_140 : i32
    %scan3A_142 = arith.constant 1 : i32
    scf.for %scan3A_196 = %scan3A_139 to %scan3A_141 step %scan3A_142  : i32 {
      %mul3A_197 = arith.constant 3 : i32
      %mul3A_198 = arith.muli %mul3A_197, %scan3A_196 : i32
      %add3A_199 = arith.constant 0 : i32
      %add3A_200 = arith.addi %mul3A_198, %add3A_199 : i32
      %dma_wait3A_201 = arith.constant 0 : i32
      %dma_wait3A_202 = tpu.memref_slice %arg4[%dma_wait3A_201] : memref<320000xi32, #tpu.memory_space<hbm>> -> memref<80xi32, #tpu.memory_space<hbm>>
      %dma_wait3A_203 = arith.constant 0 : i32
      %dma_wait3A_204 = tpu.memref_slice %arg4[%dma_wait3A_203] : memref<320000xi32, #tpu.memory_space<hbm>> -> memref<80xi32, #tpu.memory_space<hbm>>
      tpu.wait_dma2 semaphore(%arg22 : memref<!tpu.dma_semaphore, #tpu.memory_space<semaphore_mem>>) src(%dma_wait3A_204 : memref<80xi32, #tpu.memory_space<hbm>>) dst(%arg11 : memref<80xi32, #tpu.memory_space<vmem>>)
      %dma_wait3A_205 = arith.constant 0 : i32
      %dma_wait3A_206 = arith.constant 0 : i32
      %dma_wait3A_207 = tpu.memref_slice %arg2[%dma_wait3A_205, %dma_wait3A_206] : memref<10000x128xf32, #tpu.memory_space<hbm>> -> memref<80x128xf32, #tpu.memory_space<hbm>>
      %dma_wait3A_208 = arith.constant 0 : i32
      %dma_wait3A_209 = arith.constant 0 : i32
      %dma_wait3A_210 = tpu.memref_slice %arg2[%dma_wait3A_208, %dma_wait3A_209] : memref<10000x128xf32, #tpu.memory_space<hbm>> -> memref<80x128xf32, #tpu.memory_space<hbm>>
      tpu.wait_dma2 semaphore(%arg19 : memref<!tpu.dma_semaphore, #tpu.memory_space<semaphore_mem>>) src(%dma_wait3A_210 : memref<80x128xf32, #tpu.memory_space<hbm>>) dst(%arg14 : memref<80x128xf32, #tpu.memory_space<vmem>>)
      "tpu.region"() ({
        %run_scoped3A = tpu.sem_alloc : memref<!tpu.dma_semaphore, #tpu.memory_space<semaphore_mem>>
        %dma_start3A_257 = arith.constant 0 : i32
        %dma_start3A_258 = arith.constant 0 : i32
        %dma_start3A_259 = tpu.memref_slice %arg8[%dma_start3A_257, %dma_start3A_258] : memref<10240x128xf32, #tpu.memory_space<vmem_shared>> -> memref<10240x128xf32, #tpu.memory_space<vmem_shared>>
        tpu.enqueue_indirect_dma source(%arg14 : memref<80x128xf32, #tpu.memory_space<vmem>>) target(%dma_start3A_259 : memref<10240x128xf32, #tpu.memory_space<vmem_shared>>) offsets(%arg11 : memref<80xi32, #tpu.memory_space<vmem>>) semaphore(%run_scoped3A : memref<!tpu.dma_semaphore, #tpu.memory_space<semaphore_mem>>) {add = true}
        %dma_wait3A_260 = arith.constant 0 : i32
        %dma_wait3A_261 = arith.constant 0 : i32
        %dma_wait3A_262 = tpu.memref_slice %arg8[%dma_wait3A_260, %dma_wait3A_261] : memref<10240x128xf32, #tpu.memory_space<vmem_shared>> -> memref<10240x128xf32, #tpu.memory_space<vmem_shared>>
        tpu.wait_indirect_dma semaphore(%run_scoped3A : memref<!tpu.dma_semaphore, #tpu.memory_space<semaphore_mem>>) src(%arg14 : memref<80x128xf32, #tpu.memory_space<vmem>>) dst(%dma_wait3A_262 : memref<10240x128xf32, #tpu.memory_space<vmem_shared>>)
        tpu.yield
      }) : () -> ()
      "tpu.region"() ({
        %run_scoped3A = tpu.sem_alloc : memref<!tpu.dma_semaphore, #tpu.memory_space<semaphore_mem>>
        %dma_start3A_257 = arith.constant 0 : i32
        %dma_start3A_258 = tpu.memref_slice %arg9[%dma_start3A_257] : memref<10240xf32, #tpu.memory_space<vmem_shared>> -> memref<10240xf32, #tpu.memory_space<vmem_shared>>
        tpu.enqueue_indirect_dma source(%arg17 : memref<80xf32, #tpu.memory_space<vmem>>) target(%dma_start3A_258 : memref<10240xf32, #tpu.memory_space<vmem_shared>>) offsets(%arg11 : memref<80xi32, #tpu.memory_space<vmem>>) semaphore(%run_scoped3A : memref<!tpu.dma_semaphore, #tpu.memory_space<semaphore_mem>>) {add = true}
        %dma_wait3A_259 = arith.constant 0 : i32
        %dma_wait3A_260 = tpu.memref_slice %arg9[%dma_wait3A_259] : memref<10240xf32, #tpu.memory_space<vmem_shared>> -> memref<10240xf32, #tpu.memory_space<vmem_shared>>
        tpu.wait_indirect_dma semaphore(%run_scoped3A : memref<!tpu.dma_semaphore, #tpu.memory_space<semaphore_mem>>) src(%arg17 : memref<80xf32, #tpu.memory_space<vmem>>) dst(%dma_wait3A_260 : memref<10240xf32, #tpu.memory_space<vmem_shared>>)
        tpu.yield
      }) : () -> ()
      %add3A_211 = arith.constant 3 : i32
      %add3A_212 = arith.addi %add3A_200, %add3A_211 : i32
      %lt3A = arith.constant 125 : i32
      %lt3A_213 = arith.cmpi slt, %add3A_212, %lt3A : i32
      %convert_element_type3A = arith.extui %lt3A_213 : i1 to i32
      %cond3A = arith.constant 0 : i32
      %cond3A_214 = arith.cmpi ne, %convert_element_type3A, %cond3A : i32
      scf.if %cond3A_214 {
        %mul3A_257 = arith.constant 80 : i32
        %mul3A_258 = arith.muli %add3A_212, %mul3A_257 : i32
        %add3A_259 = arith.addi %mul3A_4, %mul3A_258 : i32
        %dma_start3A_260 = tpu.memref_slice %arg4[%add3A_259] : memref<320000xi32, #tpu.memory_space<hbm>> -> memref<80xi32, #tpu.memory_space<hbm>>
        %dma_start3A_261 = tpu.memref_slice %arg4[%add3A_259] : memref<320000xi32, #tpu.memory_space<hbm>> -> memref<80xi32, #tpu.memory_space<hbm>>
        tpu.enqueue_dma source(%dma_start3A_261 : memref<80xi32, #tpu.memory_space<hbm>>) target(%arg11 : memref<80xi32, #tpu.memory_space<vmem>>) target_semaphore(%arg22 : memref<!tpu.dma_semaphore, #tpu.memory_space<semaphore_mem>>)
        %mul3A_262 = arith.constant 80 : i32
        %mul3A_263 = arith.muli %add3A_212, %mul3A_262 : i32
        %dma_start3A_264 = tpu.memref_slice %arg10[%mul3A_263] : memref<10000xi32, #tpu.memory_space<vmem>> -> memref<80xi32, #tpu.memory_space<vmem>>
        %dma_start3A_265 = arith.constant 0 : i32
        %dma_start3A_266 = arith.constant 0 : i32
        %dma_start3A_267 = tpu.memref_slice %arg2[%dma_start3A_265, %dma_start3A_266] : memref<10000x128xf32, #tpu.memory_space<hbm>> -> memref<10000x128xf32, #tpu.memory_space<hbm>>
        tpu.enqueue_indirect_dma source(%dma_start3A_267 : memref<10000x128xf32, #tpu.memory_space<hbm>>) target(%arg14 : memref<80x128xf32, #tpu.memory_space<vmem>>) offsets(%dma_start3A_264 : memref<80xi32, #tpu.memory_space<vmem>>) semaphore(%arg19 : memref<!tpu.dma_semaphore, #tpu.memory_space<semaphore_mem>>)
      } else {
      }
      %mul3A_215 = arith.constant 3 : i32
      %mul3A_216 = arith.muli %mul3A_215, %scan3A_196 : i32
      %add3A_217 = arith.constant 1 : i32
      %add3A_218 = arith.addi %mul3A_216, %add3A_217 : i32
      %dma_wait3A_219 = arith.constant 0 : i32
      %dma_wait3A_220 = tpu.memref_slice %arg4[%dma_wait3A_219] : memref<320000xi32, #tpu.memory_space<hbm>> -> memref<80xi32, #tpu.memory_space<hbm>>
      %dma_wait3A_221 = arith.constant 0 : i32
      %dma_wait3A_222 = tpu.memref_slice %arg4[%dma_wait3A_221] : memref<320000xi32, #tpu.memory_space<hbm>> -> memref<80xi32, #tpu.memory_space<hbm>>
      tpu.wait_dma2 semaphore(%arg23 : memref<!tpu.dma_semaphore, #tpu.memory_space<semaphore_mem>>) src(%dma_wait3A_222 : memref<80xi32, #tpu.memory_space<hbm>>) dst(%arg12 : memref<80xi32, #tpu.memory_space<vmem>>)
      %dma_wait3A_223 = arith.constant 0 : i32
      %dma_wait3A_224 = arith.constant 0 : i32
      %dma_wait3A_225 = tpu.memref_slice %arg2[%dma_wait3A_223, %dma_wait3A_224] : memref<10000x128xf32, #tpu.memory_space<hbm>> -> memref<80x128xf32, #tpu.memory_space<hbm>>
      %dma_wait3A_226 = arith.constant 0 : i32
      %dma_wait3A_227 = arith.constant 0 : i32
      %dma_wait3A_228 = tpu.memref_slice %arg2[%dma_wait3A_226, %dma_wait3A_227] : memref<10000x128xf32, #tpu.memory_space<hbm>> -> memref<80x128xf32, #tpu.memory_space<hbm>>
      tpu.wait_dma2 semaphore(%arg20 : memref<!tpu.dma_semaphore, #tpu.memory_space<semaphore_mem>>) src(%dma_wait3A_228 : memref<80x128xf32, #tpu.memory_space<hbm>>) dst(%arg15 : memref<80x128xf32, #tpu.memory_space<vmem>>)
      "tpu.region"() ({
        %run_scoped3A = tpu.sem_alloc : memref<!tpu.dma_semaphore, #tpu.memory_space<semaphore_mem>>
        %dma_start3A_257 = arith.constant 0 : i32
        %dma_start3A_258 = arith.constant 0 : i32
        %dma_start3A_259 = tpu.memref_slice %arg8[%dma_start3A_257, %dma_start3A_258] : memref<10240x128xf32, #tpu.memory_space<vmem_shared>> -> memref<10240x128xf32, #tpu.memory_space<vmem_shared>>
        tpu.enqueue_indirect_dma source(%arg15 : memref<80x128xf32, #tpu.memory_space<vmem>>) target(%dma_start3A_259 : memref<10240x128xf32, #tpu.memory_space<vmem_shared>>) offsets(%arg12 : memref<80xi32, #tpu.memory_space<vmem>>) semaphore(%run_scoped3A : memref<!tpu.dma_semaphore, #tpu.memory_space<semaphore_mem>>) {add = true}
        %dma_wait3A_260 = arith.constant 0 : i32
        %dma_wait3A_261 = arith.constant 0 : i32
        %dma_wait3A_262 = tpu.memref_slice %arg8[%dma_wait3A_260, %dma_wait3A_261] : memref<10240x128xf32, #tpu.memory_space<vmem_shared>> -> memref<10240x128xf32, #tpu.memory_space<vmem_shared>>
        tpu.wait_indirect_dma semaphore(%run_scoped3A : memref<!tpu.dma_semaphore, #tpu.memory_space<semaphore_mem>>) src(%arg15 : memref<80x128xf32, #tpu.memory_space<vmem>>) dst(%dma_wait3A_262 : memref<10240x128xf32, #tpu.memory_space<vmem_shared>>)
        tpu.yield
      }) : () -> ()
      "tpu.region"() ({
        %run_scoped3A = tpu.sem_alloc : memref<!tpu.dma_semaphore, #tpu.memory_space<semaphore_mem>>
        %dma_start3A_257 = arith.constant 0 : i32
        %dma_start3A_258 = tpu.memref_slice %arg9[%dma_start3A_257] : memref<10240xf32, #tpu.memory_space<vmem_shared>> -> memref<10240xf32, #tpu.memory_space<vmem_shared>>
        tpu.enqueue_indirect_dma source(%arg17 : memref<80xf32, #tpu.memory_space<vmem>>) target(%dma_start3A_258 : memref<10240xf32, #tpu.memory_space<vmem_shared>>) offsets(%arg12 : memref<80xi32, #tpu.memory_space<vmem>>) semaphore(%run_scoped3A : memref<!tpu.dma_semaphore, #tpu.memory_space<semaphore_mem>>) {add = true}
        %dma_wait3A_259 = arith.constant 0 : i32
        %dma_wait3A_260 = tpu.memref_slice %arg9[%dma_wait3A_259] : memref<10240xf32, #tpu.memory_space<vmem_shared>> -> memref<10240xf32, #tpu.memory_space<vmem_shared>>
        tpu.wait_indirect_dma semaphore(%run_scoped3A : memref<!tpu.dma_semaphore, #tpu.memory_space<semaphore_mem>>) src(%arg17 : memref<80xf32, #tpu.memory_space<vmem>>) dst(%dma_wait3A_260 : memref<10240xf32, #tpu.memory_space<vmem_shared>>)
        tpu.yield
      }) : () -> ()
      %add3A_229 = arith.constant 3 : i32
      %add3A_230 = arith.addi %add3A_218, %add3A_229 : i32
      %lt3A_231 = arith.constant 125 : i32
      %lt3A_232 = arith.cmpi slt, %add3A_230, %lt3A_231 : i32
      %convert_element_type3A_233 = arith.extui %lt3A_232 : i1 to i32
      %cond3A_234 = arith.constant 0 : i32
      %cond3A_235 = arith.cmpi ne, %convert_element_type3A_233, %cond3A_234 : i32
      scf.if %cond3A_235 {
        %mul3A_257 = arith.constant 80 : i32
        %mul3A_258 = arith.muli %add3A_230, %mul3A_257 : i32
        %add3A_259 = arith.addi %mul3A_4, %mul3A_258 : i32
        %dma_start3A_260 = tpu.memref_slice %arg4[%add3A_259] : memref<320000xi32, #tpu.memory_space<hbm>> -> memref<80xi32, #tpu.memory_space<hbm>>
        %dma_start3A_261 = tpu.memref_slice %arg4[%add3A_259] : memref<320000xi32, #tpu.memory_space<hbm>> -> memref<80xi32, #tpu.memory_space<hbm>>
        tpu.enqueue_dma source(%dma_start3A_261 : memref<80xi32, #tpu.memory_space<hbm>>) target(%arg12 : memref<80xi32, #tpu.memory_space<vmem>>) target_semaphore(%arg23 : memref<!tpu.dma_semaphore, #tpu.memory_space<semaphore_mem>>)
        %mul3A_262 = arith.constant 80 : i32
        %mul3A_263 = arith.muli %add3A_230, %mul3A_262 : i32
        %dma_start3A_264 = tpu.memref_slice %arg10[%mul3A_263] : memref<10000xi32, #tpu.memory_space<vmem>> -> memref<80xi32, #tpu.memory_space<vmem>>
        %dma_start3A_265 = arith.constant 0 : i32
        %dma_start3A_266 = arith.constant 0 : i32
        %dma_start3A_267 = tpu.memref_slice %arg2[%dma_start3A_265, %dma_start3A_266] : memref<10000x128xf32, #tpu.memory_space<hbm>> -> memref<10000x128xf32, #tpu.memory_space<hbm>>
        tpu.enqueue_indirect_dma source(%dma_start3A_267 : memref<10000x128xf32, #tpu.memory_space<hbm>>) target(%arg15 : memref<80x128xf32, #tpu.memory_space<vmem>>) offsets(%dma_start3A_264 : memref<80xi32, #tpu.memory_space<vmem>>) semaphore(%arg20 : memref<!tpu.dma_semaphore, #tpu.memory_space<semaphore_mem>>)
      } else {
      }
      %mul3A_236 = arith.constant 3 : i32
      %mul3A_237 = arith.muli %mul3A_236, %scan3A_196 : i32
      %add3A_238 = arith.constant 2 : i32
      %add3A_239 = arith.addi %mul3A_237, %add3A_238 : i32
      %dma_wait3A_240 = arith.constant 0 : i32
      %dma_wait3A_241 = tpu.memref_slice %arg4[%dma_wait3A_240] : memref<320000xi32, #tpu.memory_space<hbm>> -> memref<80xi32, #tpu.memory_space<hbm>>
      %dma_wait3A_242 = arith.constant 0 : i32
      %dma_wait3A_243 = tpu.memref_slice %arg4[%dma_wait3A_242] : memref<320000xi32, #tpu.memory_space<hbm>> -> memref<80xi32, #tpu.memory_space<hbm>>
      tpu.wait_dma2 semaphore(%arg24 : memref<!tpu.dma_semaphore, #tpu.memory_space<semaphore_mem>>) src(%dma_wait3A_243 : memref<80xi32, #tpu.memory_space<hbm>>) dst(%arg13 : memref<80xi32, #tpu.memory_space<vmem>>)
      %dma_wait3A_244 = arith.constant 0 : i32
      %dma_wait3A_245 = arith.constant 0 : i32
      %dma_wait3A_246 = tpu.memref_slice %arg2[%dma_wait3A_244, %dma_wait3A_245] : memref<10000x128xf32, #tpu.memory_space<hbm>> -> memref<80x128xf32, #tpu.memory_space<hbm>>
      %dma_wait3A_247 = arith.constant 0 : i32
      %dma_wait3A_248 = arith.constant 0 : i32
      %dma_wait3A_249 = tpu.memref_slice %arg2[%dma_wait3A_247, %dma_wait3A_248] : memref<10000x128xf32, #tpu.memory_space<hbm>> -> memref<80x128xf32, #tpu.memory_space<hbm>>
      tpu.wait_dma2 semaphore(%arg21 : memref<!tpu.dma_semaphore, #tpu.memory_space<semaphore_mem>>) src(%dma_wait3A_249 : memref<80x128xf32, #tpu.memory_space<hbm>>) dst(%arg16 : memref<80x128xf32, #tpu.memory_space<vmem>>)
      "tpu.region"() ({
        %run_scoped3A = tpu.sem_alloc : memref<!tpu.dma_semaphore, #tpu.memory_space<semaphore_mem>>
        %dma_start3A_257 = arith.constant 0 : i32
        %dma_start3A_258 = arith.constant 0 : i32
        %dma_start3A_259 = tpu.memref_slice %arg8[%dma_start3A_257, %dma_start3A_258] : memref<10240x128xf32, #tpu.memory_space<vmem_shared>> -> memref<10240x128xf32, #tpu.memory_space<vmem_shared>>
        tpu.enqueue_indirect_dma source(%arg16 : memref<80x128xf32, #tpu.memory_space<vmem>>) target(%dma_start3A_259 : memref<10240x128xf32, #tpu.memory_space<vmem_shared>>) offsets(%arg13 : memref<80xi32, #tpu.memory_space<vmem>>) semaphore(%run_scoped3A : memref<!tpu.dma_semaphore, #tpu.memory_space<semaphore_mem>>) {add = true}
        %dma_wait3A_260 = arith.constant 0 : i32
        %dma_wait3A_261 = arith.constant 0 : i32
        %dma_wait3A_262 = tpu.memref_slice %arg8[%dma_wait3A_260, %dma_wait3A_261] : memref<10240x128xf32, #tpu.memory_space<vmem_shared>> -> memref<10240x128xf32, #tpu.memory_space<vmem_shared>>
        tpu.wait_indirect_dma semaphore(%run_scoped3A : memref<!tpu.dma_semaphore, #tpu.memory_space<semaphore_mem>>) src(%arg16 : memref<80x128xf32, #tpu.memory_space<vmem>>) dst(%dma_wait3A_262 : memref<10240x128xf32, #tpu.memory_space<vmem_shared>>)
        tpu.yield
      }) : () -> ()
      "tpu.region"() ({
        %run_scoped3A = tpu.sem_alloc : memref<!tpu.dma_semaphore, #tpu.memory_space<semaphore_mem>>
        %dma_start3A_257 = arith.constant 0 : i32
        %dma_start3A_258 = tpu.memref_slice %arg9[%dma_start3A_257] : memref<10240xf32, #tpu.memory_space<vmem_shared>> -> memref<10240xf32, #tpu.memory_space<vmem_shared>>
        tpu.enqueue_indirect_dma source(%arg17 : memref<80xf32, #tpu.memory_space<vmem>>) target(%dma_start3A_258 : memref<10240xf32, #tpu.memory_space<vmem_shared>>) offsets(%arg13 : memref<80xi32, #tpu.memory_space<vmem>>) semaphore(%run_scoped3A : memref<!tpu.dma_semaphore, #tpu.memory_space<semaphore_mem>>) {add = true}
        %dma_wait3A_259 = arith.constant 0 : i32
        %dma_wait3A_260 = tpu.memref_slice %arg9[%dma_wait3A_259] : memref<10240xf32, #tpu.memory_space<vmem_shared>> -> memref<10240xf32, #tpu.memory_space<vmem_shared>>
        tpu.wait_indirect_dma semaphore(%run_scoped3A : memref<!tpu.dma_semaphore, #tpu.memory_space<semaphore_mem>>) src(%arg17 : memref<80xf32, #tpu.memory_space<vmem>>) dst(%dma_wait3A_260 : memref<10240xf32, #tpu.memory_space<vmem_shared>>)
        tpu.yield
      }) : () -> ()
      %add3A_250 = arith.constant 3 : i32
      %add3A_251 = arith.addi %add3A_239, %add3A_250 : i32
      %lt3A_252 = arith.constant 125 : i32
      %lt3A_253 = arith.cmpi slt, %add3A_251, %lt3A_252 : i32
      %convert_element_type3A_254 = arith.extui %lt3A_253 : i1 to i32
      %cond3A_255 = arith.constant 0 : i32
      %cond3A_256 = arith.cmpi ne, %convert_element_type3A_254, %cond3A_255 : i32
      scf.if %cond3A_256 {
        %mul3A_257 = arith.constant 80 : i32
        %mul3A_258 = arith.muli %add3A_251, %mul3A_257 : i32
        %add3A_259 = arith.addi %mul3A_4, %mul3A_258 : i32
        %dma_start3A_260 = tpu.memref_slice %arg4[%add3A_259] : memref<320000xi32, #tpu.memory_space<hbm>> -> memref<80xi32, #tpu.memory_space<hbm>>
        %dma_start3A_261 = tpu.memref_slice %arg4[%add3A_259] : memref<320000xi32, #tpu.memory_space<hbm>> -> memref<80xi32, #tpu.memory_space<hbm>>
        tpu.enqueue_dma source(%dma_start3A_261 : memref<80xi32, #tpu.memory_space<hbm>>) target(%arg13 : memref<80xi32, #tpu.memory_space<vmem>>) target_semaphore(%arg24 : memref<!tpu.dma_semaphore, #tpu.memory_space<semaphore_mem>>)
        %mul3A_262 = arith.constant 80 : i32
        %mul3A_263 = arith.muli %add3A_251, %mul3A_262 : i32
        %dma_start3A_264 = tpu.memref_slice %arg10[%mul3A_263] : memref<10000xi32, #tpu.memory_space<vmem>> -> memref<80xi32, #tpu.memory_space<vmem>>
        %dma_start3A_265 = arith.constant 0 : i32
        %dma_start3A_266 = arith.constant 0 : i32
        %dma_start3A_267 = tpu.memref_slice %arg2[%dma_start3A_265, %dma_start3A_266] : memref<10000x128xf32, #tpu.memory_space<hbm>> -> memref<10000x128xf32, #tpu.memory_space<hbm>>
        tpu.enqueue_indirect_dma source(%dma_start3A_267 : memref<10000x128xf32, #tpu.memory_space<hbm>>) target(%arg16 : memref<80x128xf32, #tpu.memory_space<vmem>>) offsets(%dma_start3A_264 : memref<80xi32, #tpu.memory_space<vmem>>) semaphore(%arg21 : memref<!tpu.dma_semaphore, #tpu.memory_space<semaphore_mem>>)
      } else {
      }
    }
    %scan3A_143 = arith.constant 41 : i32
    %dma_wait3A = arith.constant 0 : i32
    %dma_wait3A_144 = tpu.memref_slice %arg4[%dma_wait3A] : memref<320000xi32, #tpu.memory_space<hbm>> -> memref<80xi32, #tpu.memory_space<hbm>>
    %dma_wait3A_145 = arith.constant 0 : i32
    %dma_wait3A_146 = tpu.memref_slice %arg4[%dma_wait3A_145] : memref<320000xi32, #tpu.memory_space<hbm>> -> memref<80xi32, #tpu.memory_space<hbm>>
    tpu.wait_dma2 semaphore(%arg22 : memref<!tpu.dma_semaphore, #tpu.memory_space<semaphore_mem>>) src(%dma_wait3A_146 : memref<80xi32, #tpu.memory_space<hbm>>) dst(%arg11 : memref<80xi32, #tpu.memory_space<vmem>>)
    %dma_wait3A_147 = arith.constant 0 : i32
    %dma_wait3A_148 = arith.constant 0 : i32
    %dma_wait3A_149 = tpu.memref_slice %arg2[%dma_wait3A_147, %dma_wait3A_148] : memref<10000x128xf32, #tpu.memory_space<hbm>> -> memref<80x128xf32, #tpu.memory_space<hbm>>
    %dma_wait3A_150 = arith.constant 0 : i32
    %dma_wait3A_151 = arith.constant 0 : i32
    %dma_wait3A_152 = tpu.memref_slice %arg2[%dma_wait3A_150, %dma_wait3A_151] : memref<10000x128xf32, #tpu.memory_space<hbm>> -> memref<80x128xf32, #tpu.memory_space<hbm>>
    tpu.wait_dma2 semaphore(%arg19 : memref<!tpu.dma_semaphore, #tpu.memory_space<semaphore_mem>>) src(%dma_wait3A_152 : memref<80x128xf32, #tpu.memory_space<hbm>>) dst(%arg14 : memref<80x128xf32, #tpu.memory_space<vmem>>)
    "tpu.region"() ({
      %run_scoped3A = tpu.sem_alloc : memref<!tpu.dma_semaphore, #tpu.memory_space<semaphore_mem>>
      %dma_start3A_196 = arith.constant 0 : i32
      %dma_start3A_197 = arith.constant 0 : i32
      %dma_start3A_198 = tpu.memref_slice %arg8[%dma_start3A_196, %dma_start3A_197] : memref<10240x128xf32, #tpu.memory_space<vmem_shared>> -> memref<10240x128xf32, #tpu.memory_space<vmem_shared>>
      tpu.enqueue_indirect_dma source(%arg14 : memref<80x128xf32, #tpu.memory_space<vmem>>) target(%dma_start3A_198 : memref<10240x128xf32, #tpu.memory_space<vmem_shared>>) offsets(%arg11 : memref<80xi32, #tpu.memory_space<vmem>>) semaphore(%run_scoped3A : memref<!tpu.dma_semaphore, #tpu.memory_space<semaphore_mem>>) {add = true}
      %dma_wait3A_199 = arith.constant 0 : i32
      %dma_wait3A_200 = arith.constant 0 : i32
      %dma_wait3A_201 = tpu.memref_slice %arg8[%dma_wait3A_199, %dma_wait3A_200] : memref<10240x128xf32, #tpu.memory_space<vmem_shared>> -> memref<10240x128xf32, #tpu.memory_space<vmem_shared>>
      tpu.wait_indirect_dma semaphore(%run_scoped3A : memref<!tpu.dma_semaphore, #tpu.memory_space<semaphore_mem>>) src(%arg14 : memref<80x128xf32, #tpu.memory_space<vmem>>) dst(%dma_wait3A_201 : memref<10240x128xf32, #tpu.memory_space<vmem_shared>>)
      tpu.yield
    }) : () -> ()
    "tpu.region"() ({
      %run_scoped3A = tpu.sem_alloc : memref<!tpu.dma_semaphore, #tpu.memory_space<semaphore_mem>>
      %dma_start3A_196 = arith.constant 0 : i32
      %dma_start3A_197 = tpu.memref_slice %arg9[%dma_start3A_196] : memref<10240xf32, #tpu.memory_space<vmem_shared>> -> memref<10240xf32, #tpu.memory_space<vmem_shared>>
      tpu.enqueue_indirect_dma source(%arg17 : memref<80xf32, #tpu.memory_space<vmem>>) target(%dma_start3A_197 : memref<10240xf32, #tpu.memory_space<vmem_shared>>) offsets(%arg11 : memref<80xi32, #tpu.memory_space<vmem>>) semaphore(%run_scoped3A : memref<!tpu.dma_semaphore, #tpu.memory_space<semaphore_mem>>) {add = true}
      %dma_wait3A_198 = arith.constant 0 : i32
      %dma_wait3A_199 = tpu.memref_slice %arg9[%dma_wait3A_198] : memref<10240xf32, #tpu.memory_space<vmem_shared>> -> memref<10240xf32, #tpu.memory_space<vmem_shared>>
      tpu.wait_indirect_dma semaphore(%run_scoped3A : memref<!tpu.dma_semaphore, #tpu.memory_space<semaphore_mem>>) src(%arg17 : memref<80xf32, #tpu.memory_space<vmem>>) dst(%dma_wait3A_199 : memref<10240xf32, #tpu.memory_space<vmem_shared>>)
      tpu.yield
    }) : () -> ()
    %dma_wait3A_153 = arith.constant 0 : i32
    %dma_wait3A_154 = tpu.memref_slice %arg4[%dma_wait3A_153] : memref<320000xi32, #tpu.memory_space<hbm>> -> memref<80xi32, #tpu.memory_space<hbm>>
    %dma_wait3A_155 = arith.constant 0 : i32
    %dma_wait3A_156 = tpu.memref_slice %arg4[%dma_wait3A_155] : memref<320000xi32, #tpu.memory_space<hbm>> -> memref<80xi32, #tpu.memory_space<hbm>>
    tpu.wait_dma2 semaphore(%arg23 : memref<!tpu.dma_semaphore, #tpu.memory_space<semaphore_mem>>) src(%dma_wait3A_156 : memref<80xi32, #tpu.memory_space<hbm>>) dst(%arg12 : memref<80xi32, #tpu.memory_space<vmem>>)
    %dma_wait3A_157 = arith.constant 0 : i32
    %dma_wait3A_158 = arith.constant 0 : i32
    %dma_wait3A_159 = tpu.memref_slice %arg2[%dma_wait3A_157, %dma_wait3A_158] : memref<10000x128xf32, #tpu.memory_space<hbm>> -> memref<80x128xf32, #tpu.memory_space<hbm>>
    %dma_wait3A_160 = arith.constant 0 : i32
    %dma_wait3A_161 = arith.constant 0 : i32
    %dma_wait3A_162 = tpu.memref_slice %arg2[%dma_wait3A_160, %dma_wait3A_161] : memref<10000x128xf32, #tpu.memory_space<hbm>> -> memref<80x128xf32, #tpu.memory_space<hbm>>
    tpu.wait_dma2 semaphore(%arg20 : memref<!tpu.dma_semaphore, #tpu.memory_space<semaphore_mem>>) src(%dma_wait3A_162 : memref<80x128xf32, #tpu.memory_space<hbm>>) dst(%arg15 : memref<80x128xf32, #tpu.memory_space<vmem>>)
    "tpu.region"() ({
      %run_scoped3A = tpu.sem_alloc : memref<!tpu.dma_semaphore, #tpu.memory_space<semaphore_mem>>
      %dma_start3A_196 = arith.constant 0 : i32
      %dma_start3A_197 = arith.constant 0 : i32
      %dma_start3A_198 = tpu.memref_slice %arg8[%dma_start3A_196, %dma_start3A_197] : memref<10240x128xf32, #tpu.memory_space<vmem_shared>> -> memref<10240x128xf32, #tpu.memory_space<vmem_shared>>
      tpu.enqueue_indirect_dma source(%arg15 : memref<80x128xf32, #tpu.memory_space<vmem>>) target(%dma_start3A_198 : memref<10240x128xf32, #tpu.memory_space<vmem_shared>>) offsets(%arg12 : memref<80xi32, #tpu.memory_space<vmem>>) semaphore(%run_scoped3A : memref<!tpu.dma_semaphore, #tpu.memory_space<semaphore_mem>>) {add = true}
      %dma_wait3A_199 = arith.constant 0 : i32
      %dma_wait3A_200 = arith.constant 0 : i32
      %dma_wait3A_201 = tpu.memref_slice %arg8[%dma_wait3A_199, %dma_wait3A_200] : memref<10240x128xf32, #tpu.memory_space<vmem_shared>> -> memref<10240x128xf32, #tpu.memory_space<vmem_shared>>
      tpu.wait_indirect_dma semaphore(%run_scoped3A : memref<!tpu.dma_semaphore, #tpu.memory_space<semaphore_mem>>) src(%arg15 : memref<80x128xf32, #tpu.memory_space<vmem>>) dst(%dma_wait3A_201 : memref<10240x128xf32, #tpu.memory_space<vmem_shared>>)
      tpu.yield
    }) : () -> ()
    "tpu.region"() ({
      %run_scoped3A = tpu.sem_alloc : memref<!tpu.dma_semaphore, #tpu.memory_space<semaphore_mem>>
      %dma_start3A_196 = arith.constant 0 : i32
      %dma_start3A_197 = tpu.memref_slice %arg9[%dma_start3A_196] : memref<10240xf32, #tpu.memory_space<vmem_shared>> -> memref<10240xf32, #tpu.memory_space<vmem_shared>>
      tpu.enqueue_indirect_dma source(%arg17 : memref<80xf32, #tpu.memory_space<vmem>>) target(%dma_start3A_197 : memref<10240xf32, #tpu.memory_space<vmem_shared>>) offsets(%arg12 : memref<80xi32, #tpu.memory_space<vmem>>) semaphore(%run_scoped3A : memref<!tpu.dma_semaphore, #tpu.memory_space<semaphore_mem>>) {add = true}
      %dma_wait3A_198 = arith.constant 0 : i32
      %dma_wait3A_199 = tpu.memref_slice %arg9[%dma_wait3A_198] : memref<10240xf32, #tpu.memory_space<vmem_shared>> -> memref<10240xf32, #tpu.memory_space<vmem_shared>>
      tpu.wait_indirect_dma semaphore(%run_scoped3A : memref<!tpu.dma_semaphore, #tpu.memory_space<semaphore_mem>>) src(%arg17 : memref<80xf32, #tpu.memory_space<vmem>>) dst(%dma_wait3A_199 : memref<10240xf32, #tpu.memory_space<vmem_shared>>)
      tpu.yield
    }) : () -> ()
    %barrier3A_163 = arith.constant 0 : index
    tpu.barrier barrier_id(%barrier3A_163)
    %add3A_164 = arith.constant 0 : i32
    %add3A_165 = arith.addi %mul3A_0, %add3A_164 : i32
    "tpu.region"() ({
      %run_scoped3A = tpu.sem_alloc : memref<!tpu.dma_semaphore, #tpu.memory_space<semaphore_mem>>
      %dma_start3A_196 = arith.constant 0 : i32
      %dma_start3A_197 = tpu.memref_slice %arg8[%add3A_165, %dma_start3A_196] : memref<10240x128xf32, #tpu.memory_space<vmem_shared>> -> memref<80x128xf32, #tpu.memory_space<vmem_shared>>
      %dma_start3A_198 = arith.constant 0 : i32
      %dma_start3A_199 = tpu.memref_slice %arg8[%add3A_165, %dma_start3A_198] : memref<10240x128xf32, #tpu.memory_space<vmem_shared>> -> memref<80x128xf32, #tpu.memory_space<vmem_shared>>
      tpu.enqueue_dma source(%dma_start3A_199 : memref<80x128xf32, #tpu.memory_space<vmem_shared>>) target(%arg14 : memref<80x128xf32, #tpu.memory_space<vmem>>) target_semaphore(%run_scoped3A : memref<!tpu.dma_semaphore, #tpu.memory_space<semaphore_mem>>)
      %dma_wait3A_200 = arith.constant 0 : i32
      %dma_wait3A_201 = tpu.memref_slice %arg8[%add3A_165, %dma_wait3A_200] : memref<10240x128xf32, #tpu.memory_space<vmem_shared>> -> memref<80x128xf32, #tpu.memory_space<vmem_shared>>
      %dma_wait3A_202 = arith.constant 0 : i32
      %dma_wait3A_203 = tpu.memref_slice %arg8[%add3A_165, %dma_wait3A_202] : memref<10240x128xf32, #tpu.memory_space<vmem_shared>> -> memref<80x128xf32, #tpu.memory_space<vmem_shared>>
      tpu.wait_dma2 semaphore(%run_scoped3A : memref<!tpu.dma_semaphore, #tpu.memory_space<semaphore_mem>>) src(%dma_wait3A_203 : memref<80x128xf32, #tpu.memory_space<vmem_shared>>) dst(%arg14 : memref<80x128xf32, #tpu.memory_space<vmem>>)
      tpu.yield
    }) : () -> ()
    %add3A_166 = arith.constant 0 : i32
    %add3A_167 = arith.addi %mul3A_0, %add3A_166 : i32
    "tpu.region"() ({
      %run_scoped3A = tpu.sem_alloc : memref<!tpu.dma_semaphore, #tpu.memory_space<semaphore_mem>>
      %dma_start3A_196 = arith.constant 0 : i32
      %dma_start3A_197 = tpu.memref_slice %arg6[%arg0, %add3A_167, %dma_start3A_196] : memref<2x10240x128xf32, #tpu.memory_space<hbm>> -> memref<1x80x128xf32, #tpu.memory_space<hbm>>
      %dma_start3A_198 = tpu.memref_squeeze %dma_start3A_197 : memref<1x80x128xf32, #tpu.memory_space<hbm>> -> memref<80x128xf32, #tpu.memory_space<hbm>>
      %dma_start3A_199 = arith.constant 0 : i32
      %dma_start3A_200 = tpu.memref_slice %arg6[%arg0, %add3A_167, %dma_start3A_199] : memref<2x10240x128xf32, #tpu.memory_space<hbm>> -> memref<1x80x128xf32, #tpu.memory_space<hbm>>
      %dma_start3A_201 = tpu.memref_squeeze %dma_start3A_200 : memref<1x80x128xf32, #tpu.memory_space<hbm>> -> memref<80x128xf32, #tpu.memory_space<hbm>>
      tpu.enqueue_dma source(%arg14 : memref<80x128xf32, #tpu.memory_space<vmem>>) target(%dma_start3A_201 : memref<80x128xf32, #tpu.memory_space<hbm>>) target_semaphore(%run_scoped3A : memref<!tpu.dma_semaphore, #tpu.memory_space<semaphore_mem>>)
      %dma_wait3A_202 = arith.constant 0 : i32
      %dma_wait3A_203 = tpu.memref_slice %arg6[%arg0, %add3A_167, %dma_wait3A_202] : memref<2x10240x128xf32, #tpu.memory_space<hbm>> -> memref<1x80x128xf32, #tpu.memory_space<hbm>>
      %dma_wait3A_204 = tpu.memref_squeeze %dma_wait3A_203 : memref<1x80x128xf32, #tpu.memory_space<hbm>> -> memref<80x128xf32, #tpu.memory_space<hbm>>
      %dma_wait3A_205 = arith.constant 0 : i32
      %dma_wait3A_206 = tpu.memref_slice %arg6[%arg0, %add3A_167, %dma_wait3A_205] : memref<2x10240x128xf32, #tpu.memory_space<hbm>> -> memref<1x80x128xf32, #tpu.memory_space<hbm>>
      %dma_wait3A_207 = tpu.memref_squeeze %dma_wait3A_206 : memref<1x80x128xf32, #tpu.memory_space<hbm>> -> memref<80x128xf32, #tpu.memory_space<hbm>>
      tpu.wait_dma2 semaphore(%run_scoped3A : memref<!tpu.dma_semaphore, #tpu.memory_space<semaphore_mem>>) src(%arg14 : memref<80x128xf32, #tpu.memory_space<vmem>>) dst(%dma_wait3A_207 : memref<80x128xf32, #tpu.memory_space<hbm>>)
      tpu.yield
    }) : () -> ()
    %add3A_168 = arith.constant 80 : i32
    %add3A_169 = arith.addi %mul3A_0, %add3A_168 : i32
    "tpu.region"() ({
      %run_scoped3A = tpu.sem_alloc : memref<!tpu.dma_semaphore, #tpu.memory_space<semaphore_mem>>
      %dma_start3A_196 = arith.constant 0 : i32
      %dma_start3A_197 = tpu.memref_slice %arg8[%add3A_169, %dma_start3A_196] : memref<10240x128xf32, #tpu.memory_space<vmem_shared>> -> memref<80x128xf32, #tpu.memory_space<vmem_shared>>
      %dma_start3A_198 = arith.constant 0 : i32
      %dma_start3A_199 = tpu.memref_slice %arg8[%add3A_169, %dma_start3A_198] : memref<10240x128xf32, #tpu.memory_space<vmem_shared>> -> memref<80x128xf32, #tpu.memory_space<vmem_shared>>
      tpu.enqueue_dma source(%dma_start3A_199 : memref<80x128xf32, #tpu.memory_space<vmem_shared>>) target(%arg14 : memref<80x128xf32, #tpu.memory_space<vmem>>) target_semaphore(%run_scoped3A : memref<!tpu.dma_semaphore, #tpu.memory_space<semaphore_mem>>)
      %dma_wait3A_200 = arith.constant 0 : i32
      %dma_wait3A_201 = tpu.memref_slice %arg8[%add3A_169, %dma_wait3A_200] : memref<10240x128xf32, #tpu.memory_space<vmem_shared>> -> memref<80x128xf32, #tpu.memory_space<vmem_shared>>
      %dma_wait3A_202 = arith.constant 0 : i32
      %dma_wait3A_203 = tpu.memref_slice %arg8[%add3A_169, %dma_wait3A_202] : memref<10240x128xf32, #tpu.memory_space<vmem_shared>> -> memref<80x128xf32, #tpu.memory_space<vmem_shared>>
      tpu.wait_dma2 semaphore(%run_scoped3A : memref<!tpu.dma_semaphore, #tpu.memory_space<semaphore_mem>>) src(%dma_wait3A_203 : memref<80x128xf32, #tpu.memory_space<vmem_shared>>) dst(%arg14 : memref<80x128xf32, #tpu.memory_space<vmem>>)
      tpu.yield
    }) : () -> ()
    %add3A_170 = arith.constant 80 : i32
    %add3A_171 = arith.addi %mul3A_0, %add3A_170 : i32
    "tpu.region"() ({
      %run_scoped3A = tpu.sem_alloc : memref<!tpu.dma_semaphore, #tpu.memory_space<semaphore_mem>>
      %dma_start3A_196 = arith.constant 0 : i32
      %dma_start3A_197 = tpu.memref_slice %arg6[%arg0, %add3A_171, %dma_start3A_196] : memref<2x10240x128xf32, #tpu.memory_space<hbm>> -> memref<1x80x128xf32, #tpu.memory_space<hbm>>
      %dma_start3A_198 = tpu.memref_squeeze %dma_start3A_197 : memref<1x80x128xf32, #tpu.memory_space<hbm>> -> memref<80x128xf32, #tpu.memory_space<hbm>>
      %dma_start3A_199 = arith.constant 0 : i32
      %dma_start3A_200 = tpu.memref_slice %arg6[%arg0, %add3A_171, %dma_start3A_199] : memref<2x10240x128xf32, #tpu.memory_space<hbm>> -> memref<1x80x128xf32, #tpu.memory_space<hbm>>
      %dma_start3A_201 = tpu.memref_squeeze %dma_start3A_200 : memref<1x80x128xf32, #tpu.memory_space<hbm>> -> memref<80x128xf32, #tpu.memory_space<hbm>>
      tpu.enqueue_dma source(%arg14 : memref<80x128xf32, #tpu.memory_space<vmem>>) target(%dma_start3A_201 : memref<80x128xf32, #tpu.memory_space<hbm>>) target_semaphore(%run_scoped3A : memref<!tpu.dma_semaphore, #tpu.memory_space<semaphore_mem>>)
      %dma_wait3A_202 = arith.constant 0 : i32
      %dma_wait3A_203 = tpu.memref_slice %arg6[%arg0, %add3A_171, %dma_wait3A_202] : memref<2x10240x128xf32, #tpu.memory_space<hbm>> -> memref<1x80x128xf32, #tpu.memory_space<hbm>>
      %dma_wait3A_204 = tpu.memref_squeeze %dma_wait3A_203 : memref<1x80x128xf32, #tpu.memory_space<hbm>> -> memref<80x128xf32, #tpu.memory_space<hbm>>
      %dma_wait3A_205 = arith.constant 0 : i32
      %dma_wait3A_206 = tpu.memref_slice %arg6[%arg0, %add3A_171, %dma_wait3A_205] : memref<2x10240x128xf32, #tpu.memory_space<hbm>> -> memref<1x80x128xf32, #tpu.memory_space<hbm>>
      %dma_wait3A_207 = tpu.memref_squeeze %dma_wait3A_206 : memref<1x80x128xf32, #tpu.memory_space<hbm>> -> memref<80x128xf32, #tpu.memory_space<hbm>>
      tpu.wait_dma2 semaphore(%run_scoped3A : memref<!tpu.dma_semaphore, #tpu.memory_space<semaphore_mem>>) src(%arg14 : memref<80x128xf32, #tpu.memory_space<vmem>>) dst(%dma_wait3A_207 : memref<80x128xf32, #tpu.memory_space<hbm>>)
      tpu.yield
    }) : () -> ()
    %add3A_172 = arith.constant 160 : i32
    %add3A_173 = arith.addi %mul3A_0, %add3A_172 : i32
    "tpu.region"() ({
      %run_scoped3A = tpu.sem_alloc : memref<!tpu.dma_semaphore, #tpu.memory_space<semaphore_mem>>
      %dma_start3A_196 = arith.constant 0 : i32
      %dma_start3A_197 = tpu.memref_slice %arg8[%add3A_173, %dma_start3A_196] : memref<10240x128xf32, #tpu.memory_space<vmem_shared>> -> memref<80x128xf32, #tpu.memory_space<vmem_shared>>
      %dma_start3A_198 = arith.constant 0 : i32
      %dma_start3A_199 = tpu.memref_slice %arg8[%add3A_173, %dma_start3A_198] : memref<10240x128xf32, #tpu.memory_space<vmem_shared>> -> memref<80x128xf32, #tpu.memory_space<vmem_shared>>
      tpu.enqueue_dma source(%dma_start3A_199 : memref<80x128xf32, #tpu.memory_space<vmem_shared>>) target(%arg14 : memref<80x128xf32, #tpu.memory_space<vmem>>) target_semaphore(%run_scoped3A : memref<!tpu.dma_semaphore, #tpu.memory_space<semaphore_mem>>)
      %dma_wait3A_200 = arith.constant 0 : i32
      %dma_wait3A_201 = tpu.memref_slice %arg8[%add3A_173, %dma_wait3A_200] : memref<10240x128xf32, #tpu.memory_space<vmem_shared>> -> memref<80x128xf32, #tpu.memory_space<vmem_shared>>
      %dma_wait3A_202 = arith.constant 0 : i32
      %dma_wait3A_203 = tpu.memref_slice %arg8[%add3A_173, %dma_wait3A_202] : memref<10240x128xf32, #tpu.memory_space<vmem_shared>> -> memref<80x128xf32, #tpu.memory_space<vmem_shared>>
      tpu.wait_dma2 semaphore(%run_scoped3A : memref<!tpu.dma_semaphore, #tpu.memory_space<semaphore_mem>>) src(%dma_wait3A_203 : memref<80x128xf32, #tpu.memory_space<vmem_shared>>) dst(%arg14 : memref<80x128xf32, #tpu.memory_space<vmem>>)
      tpu.yield
    }) : () -> ()
    %add3A_174 = arith.constant 160 : i32
    %add3A_175 = arith.addi %mul3A_0, %add3A_174 : i32
    "tpu.region"() ({
      %run_scoped3A = tpu.sem_alloc : memref<!tpu.dma_semaphore, #tpu.memory_space<semaphore_mem>>
      %dma_start3A_196 = arith.constant 0 : i32
      %dma_start3A_197 = tpu.memref_slice %arg6[%arg0, %add3A_175, %dma_start3A_196] : memref<2x10240x128xf32, #tpu.memory_space<hbm>> -> memref<1x80x128xf32, #tpu.memory_space<hbm>>
      %dma_start3A_198 = tpu.memref_squeeze %dma_start3A_197 : memref<1x80x128xf32, #tpu.memory_space<hbm>> -> memref<80x128xf32, #tpu.memory_space<hbm>>
      %dma_start3A_199 = arith.constant 0 : i32
      %dma_start3A_200 = tpu.memref_slice %arg6[%arg0, %add3A_175, %dma_start3A_199] : memref<2x10240x128xf32, #tpu.memory_space<hbm>> -> memref<1x80x128xf32, #tpu.memory_space<hbm>>
      %dma_start3A_201 = tpu.memref_squeeze %dma_start3A_200 : memref<1x80x128xf32, #tpu.memory_space<hbm>> -> memref<80x128xf32, #tpu.memory_space<hbm>>
      tpu.enqueue_dma source(%arg14 : memref<80x128xf32, #tpu.memory_space<vmem>>) target(%dma_start3A_201 : memref<80x128xf32, #tpu.memory_space<hbm>>) target_semaphore(%run_scoped3A : memref<!tpu.dma_semaphore, #tpu.memory_space<semaphore_mem>>)
      %dma_wait3A_202 = arith.constant 0 : i32
      %dma_wait3A_203 = tpu.memref_slice %arg6[%arg0, %add3A_175, %dma_wait3A_202] : memref<2x10240x128xf32, #tpu.memory_space<hbm>> -> memref<1x80x128xf32, #tpu.memory_space<hbm>>
      %dma_wait3A_204 = tpu.memref_squeeze %dma_wait3A_203 : memref<1x80x128xf32, #tpu.memory_space<hbm>> -> memref<80x128xf32, #tpu.memory_space<hbm>>
      %dma_wait3A_205 = arith.constant 0 : i32
      %dma_wait3A_206 = tpu.memref_slice %arg6[%arg0, %add3A_175, %dma_wait3A_205] : memref<2x10240x128xf32, #tpu.memory_space<hbm>> -> memref<1x80x128xf32, #tpu.memory_space<hbm>>
      %dma_wait3A_207 = tpu.memref_squeeze %dma_wait3A_206 : memref<1x80x128xf32, #tpu.memory_space<hbm>> -> memref<80x128xf32, #tpu.memory_space<hbm>>
      tpu.wait_dma2 semaphore(%run_scoped3A : memref<!tpu.dma_semaphore, #tpu.memory_space<semaphore_mem>>) src(%arg14 : memref<80x128xf32, #tpu.memory_space<vmem>>) dst(%dma_wait3A_207 : memref<80x128xf32, #tpu.memory_space<hbm>>)
      tpu.yield
    }) : () -> ()
    %add3A_176 = arith.constant 240 : i32
    %add3A_177 = arith.addi %mul3A_0, %add3A_176 : i32
    "tpu.region"() ({
      %run_scoped3A = tpu.sem_alloc : memref<!tpu.dma_semaphore, #tpu.memory_space<semaphore_mem>>
      %dma_start3A_196 = arith.constant 0 : i32
      %dma_start3A_197 = tpu.memref_slice %arg8[%add3A_177, %dma_start3A_196] : memref<10240x128xf32, #tpu.memory_space<vmem_shared>> -> memref<80x128xf32, #tpu.memory_space<vmem_shared>>
      %dma_start3A_198 = arith.constant 0 : i32
      %dma_start3A_199 = tpu.memref_slice %arg8[%add3A_177, %dma_start3A_198] : memref<10240x128xf32, #tpu.memory_space<vmem_shared>> -> memref<80x128xf32, #tpu.memory_space<vmem_shared>>
      tpu.enqueue_dma source(%dma_start3A_199 : memref<80x128xf32, #tpu.memory_space<vmem_shared>>) target(%arg14 : memref<80x128xf32, #tpu.memory_space<vmem>>) target_semaphore(%run_scoped3A : memref<!tpu.dma_semaphore, #tpu.memory_space<semaphore_mem>>)
      %dma_wait3A_200 = arith.constant 0 : i32
      %dma_wait3A_201 = tpu.memref_slice %arg8[%add3A_177, %dma_wait3A_200] : memref<10240x128xf32, #tpu.memory_space<vmem_shared>> -> memref<80x128xf32, #tpu.memory_space<vmem_shared>>
      %dma_wait3A_202 = arith.constant 0 : i32
      %dma_wait3A_203 = tpu.memref_slice %arg8[%add3A_177, %dma_wait3A_202] : memref<10240x128xf32, #tpu.memory_space<vmem_shared>> -> memref<80x128xf32, #tpu.memory_space<vmem_shared>>
      tpu.wait_dma2 semaphore(%run_scoped3A : memref<!tpu.dma_semaphore, #tpu.memory_space<semaphore_mem>>) src(%dma_wait3A_203 : memref<80x128xf32, #tpu.memory_space<vmem_shared>>) dst(%arg14 : memref<80x128xf32, #tpu.memory_space<vmem>>)
      tpu.yield
    }) : () -> ()
    %add3A_178 = arith.constant 240 : i32
    %add3A_179 = arith.addi %mul3A_0, %add3A_178 : i32
    "tpu.region"() ({
      %run_scoped3A = tpu.sem_alloc : memref<!tpu.dma_semaphore, #tpu.memory_space<semaphore_mem>>
      %dma_start3A_196 = arith.constant 0 : i32
      %dma_start3A_197 = tpu.memref_slice %arg6[%arg0, %add3A_179, %dma_start3A_196] : memref<2x10240x128xf32, #tpu.memory_space<hbm>> -> memref<1x80x128xf32, #tpu.memory_space<hbm>>
      %dma_start3A_198 = tpu.memref_squeeze %dma_start3A_197 : memref<1x80x128xf32, #tpu.memory_space<hbm>> -> memref<80x128xf32, #tpu.memory_space<hbm>>
      %dma_start3A_199 = arith.constant 0 : i32
      %dma_start3A_200 = tpu.memref_slice %arg6[%arg0, %add3A_179, %dma_start3A_199] : memref<2x10240x128xf32, #tpu.memory_space<hbm>> -> memref<1x80x128xf32, #tpu.memory_space<hbm>>
      %dma_start3A_201 = tpu.memref_squeeze %dma_start3A_200 : memref<1x80x128xf32, #tpu.memory_space<hbm>> -> memref<80x128xf32, #tpu.memory_space<hbm>>
      tpu.enqueue_dma source(%arg14 : memref<80x128xf32, #tpu.memory_space<vmem>>) target(%dma_start3A_201 : memref<80x128xf32, #tpu.memory_space<hbm>>) target_semaphore(%run_scoped3A : memref<!tpu.dma_semaphore, #tpu.memory_space<semaphore_mem>>)
      %dma_wait3A_202 = arith.constant 0 : i32
      %dma_wait3A_203 = tpu.memref_slice %arg6[%arg0, %add3A_179, %dma_wait3A_202] : memref<2x10240x128xf32, #tpu.memory_space<hbm>> -> memref<1x80x128xf32, #tpu.memory_space<hbm>>
      %dma_wait3A_204 = tpu.memref_squeeze %dma_wait3A_203 : memref<1x80x128xf32, #tpu.memory_space<hbm>> -> memref<80x128xf32, #tpu.memory_space<hbm>>
      %dma_wait3A_205 = arith.constant 0 : i32
      %dma_wait3A_206 = tpu.memref_slice %arg6[%arg0, %add3A_179, %dma_wait3A_205] : memref<2x10240x128xf32, #tpu.memory_space<hbm>> -> memref<1x80x128xf32, #tpu.memory_space<hbm>>
      %dma_wait3A_207 = tpu.memref_squeeze %dma_wait3A_206 : memref<1x80x128xf32, #tpu.memory_space<hbm>> -> memref<80x128xf32, #tpu.memory_space<hbm>>
      tpu.wait_dma2 semaphore(%run_scoped3A : memref<!tpu.dma_semaphore, #tpu.memory_space<semaphore_mem>>) src(%arg14 : memref<80x128xf32, #tpu.memory_space<vmem>>) dst(%dma_wait3A_207 : memref<80x128xf32, #tpu.memory_space<hbm>>)
      tpu.yield
    }) : () -> ()
    %add3A_180 = arith.constant 320 : i32
    %add3A_181 = arith.addi %mul3A_0, %add3A_180 : i32
    "tpu.region"() ({
      %run_scoped3A = tpu.sem_alloc : memref<!tpu.dma_semaphore, #tpu.memory_space<semaphore_mem>>
      %dma_start3A_196 = arith.constant 0 : i32
      %dma_start3A_197 = tpu.memref_slice %arg8[%add3A_181, %dma_start3A_196] : memref<10240x128xf32, #tpu.memory_space<vmem_shared>> -> memref<80x128xf32, #tpu.memory_space<vmem_shared>>
      %dma_start3A_198 = arith.constant 0 : i32
      %dma_start3A_199 = tpu.memref_slice %arg8[%add3A_181, %dma_start3A_198] : memref<10240x128xf32, #tpu.memory_space<vmem_shared>> -> memref<80x128xf32, #tpu.memory_space<vmem_shared>>
      tpu.enqueue_dma source(%dma_start3A_199 : memref<80x128xf32, #tpu.memory_space<vmem_shared>>) target(%arg14 : memref<80x128xf32, #tpu.memory_space<vmem>>) target_semaphore(%run_scoped3A : memref<!tpu.dma_semaphore, #tpu.memory_space<semaphore_mem>>)
      %dma_wait3A_200 = arith.constant 0 : i32
      %dma_wait3A_201 = tpu.memref_slice %arg8[%add3A_181, %dma_wait3A_200] : memref<10240x128xf32, #tpu.memory_space<vmem_shared>> -> memref<80x128xf32, #tpu.memory_space<vmem_shared>>
      %dma_wait3A_202 = arith.constant 0 : i32
      %dma_wait3A_203 = tpu.memref_slice %arg8[%add3A_181, %dma_wait3A_202] : memref<10240x128xf32, #tpu.memory_space<vmem_shared>> -> memref<80x128xf32, #tpu.memory_space<vmem_shared>>
      tpu.wait_dma2 semaphore(%run_scoped3A : memref<!tpu.dma_semaphore, #tpu.memory_space<semaphore_mem>>) src(%dma_wait3A_203 : memref<80x128xf32, #tpu.memory_space<vmem_shared>>) dst(%arg14 : memref<80x128xf32, #tpu.memory_space<vmem>>)
      tpu.yield
    }) : () -> ()
    %add3A_182 = arith.constant 320 : i32
    %add3A_183 = arith.addi %mul3A_0, %add3A_182 : i32
    "tpu.region"() ({
      %run_scoped3A = tpu.sem_alloc : memref<!tpu.dma_semaphore, #tpu.memory_space<semaphore_mem>>
      %dma_start3A_196 = arith.constant 0 : i32
      %dma_start3A_197 = tpu.memref_slice %arg6[%arg0, %add3A_183, %dma_start3A_196] : memref<2x10240x128xf32, #tpu.memory_space<hbm>> -> memref<1x80x128xf32, #tpu.memory_space<hbm>>
      %dma_start3A_198 = tpu.memref_squeeze %dma_start3A_197 : memref<1x80x128xf32, #tpu.memory_space<hbm>> -> memref<80x128xf32, #tpu.memory_space<hbm>>
      %dma_start3A_199 = arith.constant 0 : i32
      %dma_start3A_200 = tpu.memref_slice %arg6[%arg0, %add3A_183, %dma_start3A_199] : memref<2x10240x128xf32, #tpu.memory_space<hbm>> -> memref<1x80x128xf32, #tpu.memory_space<hbm>>
      %dma_start3A_201 = tpu.memref_squeeze %dma_start3A_200 : memref<1x80x128xf32, #tpu.memory_space<hbm>> -> memref<80x128xf32, #tpu.memory_space<hbm>>
      tpu.enqueue_dma source(%arg14 : memref<80x128xf32, #tpu.memory_space<vmem>>) target(%dma_start3A_201 : memref<80x128xf32, #tpu.memory_space<hbm>>) target_semaphore(%run_scoped3A : memref<!tpu.dma_semaphore, #tpu.memory_space<semaphore_mem>>)
      %dma_wait3A_202 = arith.constant 0 : i32
      %dma_wait3A_203 = tpu.memref_slice %arg6[%arg0, %add3A_183, %dma_wait3A_202] : memref<2x10240x128xf32, #tpu.memory_space<hbm>> -> memref<1x80x128xf32, #tpu.memory_space<hbm>>
      %dma_wait3A_204 = tpu.memref_squeeze %dma_wait3A_203 : memref<1x80x128xf32, #tpu.memory_space<hbm>> -> memref<80x128xf32, #tpu.memory_space<hbm>>
      %dma_wait3A_205 = arith.constant 0 : i32
      %dma_wait3A_206 = tpu.memref_slice %arg6[%arg0, %add3A_183, %dma_wait3A_205] : memref<2x10240x128xf32, #tpu.memory_space<hbm>> -> memref<1x80x128xf32, #tpu.memory_space<hbm>>
      %dma_wait3A_207 = tpu.memref_squeeze %dma_wait3A_206 : memref<1x80x128xf32, #tpu.memory_space<hbm>> -> memref<80x128xf32, #tpu.memory_space<hbm>>
      tpu.wait_dma2 semaphore(%run_scoped3A : memref<!tpu.dma_semaphore, #tpu.memory_space<semaphore_mem>>) src(%arg14 : memref<80x128xf32, #tpu.memory_space<vmem>>) dst(%dma_wait3A_207 : memref<80x128xf32, #tpu.memory_space<hbm>>)
      tpu.yield
    }) : () -> ()
    %add3A_184 = arith.constant 400 : i32
    %add3A_185 = arith.addi %mul3A_0, %add3A_184 : i32
    "tpu.region"() ({
      %run_scoped3A = tpu.sem_alloc : memref<!tpu.dma_semaphore, #tpu.memory_space<semaphore_mem>>
      %dma_start3A_196 = arith.constant 0 : i32
      %dma_start3A_197 = tpu.memref_slice %arg8[%add3A_185, %dma_start3A_196] : memref<10240x128xf32, #tpu.memory_space<vmem_shared>> -> memref<80x128xf32, #tpu.memory_space<vmem_shared>>
      %dma_start3A_198 = arith.constant 0 : i32
      %dma_start3A_199 = tpu.memref_slice %arg8[%add3A_185, %dma_start3A_198] : memref<10240x128xf32, #tpu.memory_space<vmem_shared>> -> memref<80x128xf32, #tpu.memory_space<vmem_shared>>
      tpu.enqueue_dma source(%dma_start3A_199 : memref<80x128xf32, #tpu.memory_space<vmem_shared>>) target(%arg14 : memref<80x128xf32, #tpu.memory_space<vmem>>) target_semaphore(%run_scoped3A : memref<!tpu.dma_semaphore, #tpu.memory_space<semaphore_mem>>)
      %dma_wait3A_200 = arith.constant 0 : i32
      %dma_wait3A_201 = tpu.memref_slice %arg8[%add3A_185, %dma_wait3A_200] : memref<10240x128xf32, #tpu.memory_space<vmem_shared>> -> memref<80x128xf32, #tpu.memory_space<vmem_shared>>
      %dma_wait3A_202 = arith.constant 0 : i32
      %dma_wait3A_203 = tpu.memref_slice %arg8[%add3A_185, %dma_wait3A_202] : memref<10240x128xf32, #tpu.memory_space<vmem_shared>> -> memref<80x128xf32, #tpu.memory_space<vmem_shared>>
      tpu.wait_dma2 semaphore(%run_scoped3A : memref<!tpu.dma_semaphore, #tpu.memory_space<semaphore_mem>>) src(%dma_wait3A_203 : memref<80x128xf32, #tpu.memory_space<vmem_shared>>) dst(%arg14 : memref<80x128xf32, #tpu.memory_space<vmem>>)
      tpu.yield
    }) : () -> ()
    %add3A_186 = arith.constant 400 : i32
    %add3A_187 = arith.addi %mul3A_0, %add3A_186 : i32
    "tpu.region"() ({
      %run_scoped3A = tpu.sem_alloc : memref<!tpu.dma_semaphore, #tpu.memory_space<semaphore_mem>>
      %dma_start3A_196 = arith.constant 0 : i32
      %dma_start3A_197 = tpu.memref_slice %arg6[%arg0, %add3A_187, %dma_start3A_196] : memref<2x10240x128xf32, #tpu.memory_space<hbm>> -> memref<1x80x128xf32, #tpu.memory_space<hbm>>
      %dma_start3A_198 = tpu.memref_squeeze %dma_start3A_197 : memref<1x80x128xf32, #tpu.memory_space<hbm>> -> memref<80x128xf32, #tpu.memory_space<hbm>>
      %dma_start3A_199 = arith.constant 0 : i32
      %dma_start3A_200 = tpu.memref_slice %arg6[%arg0, %add3A_187, %dma_start3A_199] : memref<2x10240x128xf32, #tpu.memory_space<hbm>> -> memref<1x80x128xf32, #tpu.memory_space<hbm>>
      %dma_start3A_201 = tpu.memref_squeeze %dma_start3A_200 : memref<1x80x128xf32, #tpu.memory_space<hbm>> -> memref<80x128xf32, #tpu.memory_space<hbm>>
      tpu.enqueue_dma source(%arg14 : memref<80x128xf32, #tpu.memory_space<vmem>>) target(%dma_start3A_201 : memref<80x128xf32, #tpu.memory_space<hbm>>) target_semaphore(%run_scoped3A : memref<!tpu.dma_semaphore, #tpu.memory_space<semaphore_mem>>)
      %dma_wait3A_202 = arith.constant 0 : i32
      %dma_wait3A_203 = tpu.memref_slice %arg6[%arg0, %add3A_187, %dma_wait3A_202] : memref<2x10240x128xf32, #tpu.memory_space<hbm>> -> memref<1x80x128xf32, #tpu.memory_space<hbm>>
      %dma_wait3A_204 = tpu.memref_squeeze %dma_wait3A_203 : memref<1x80x128xf32, #tpu.memory_space<hbm>> -> memref<80x128xf32, #tpu.memory_space<hbm>>
      %dma_wait3A_205 = arith.constant 0 : i32
      %dma_wait3A_206 = tpu.memref_slice %arg6[%arg0, %add3A_187, %dma_wait3A_205] : memref<2x10240x128xf32, #tpu.memory_space<hbm>> -> memref<1x80x128xf32, #tpu.memory_space<hbm>>
      %dma_wait3A_207 = tpu.memref_squeeze %dma_wait3A_206 : memref<1x80x128xf32, #tpu.memory_space<hbm>> -> memref<80x128xf32, #tpu.memory_space<hbm>>
      tpu.wait_dma2 semaphore(%run_scoped3A : memref<!tpu.dma_semaphore, #tpu.memory_space<semaphore_mem>>) src(%arg14 : memref<80x128xf32, #tpu.memory_space<vmem>>) dst(%dma_wait3A_207 : memref<80x128xf32, #tpu.memory_space<hbm>>)
      tpu.yield
    }) : () -> ()
    %add3A_188 = arith.constant 480 : i32
    %add3A_189 = arith.addi %mul3A_0, %add3A_188 : i32
    "tpu.region"() ({
      %run_scoped3A = tpu.sem_alloc : memref<!tpu.dma_semaphore, #tpu.memory_space<semaphore_mem>>
      %dma_start3A_196 = arith.constant 0 : i32
      %dma_start3A_197 = tpu.memref_slice %arg8[%add3A_189, %dma_start3A_196] : memref<10240x128xf32, #tpu.memory_space<vmem_shared>> -> memref<80x128xf32, #tpu.memory_space<vmem_shared>>
      %dma_start3A_198 = arith.constant 0 : i32
      %dma_start3A_199 = tpu.memref_slice %arg8[%add3A_189, %dma_start3A_198] : memref<10240x128xf32, #tpu.memory_space<vmem_shared>> -> memref<80x128xf32, #tpu.memory_space<vmem_shared>>
      tpu.enqueue_dma source(%dma_start3A_199 : memref<80x128xf32, #tpu.memory_space<vmem_shared>>) target(%arg14 : memref<80x128xf32, #tpu.memory_space<vmem>>) target_semaphore(%run_scoped3A : memref<!tpu.dma_semaphore, #tpu.memory_space<semaphore_mem>>)
      %dma_wait3A_200 = arith.constant 0 : i32
      %dma_wait3A_201 = tpu.memref_slice %arg8[%add3A_189, %dma_wait3A_200] : memref<10240x128xf32, #tpu.memory_space<vmem_shared>> -> memref<80x128xf32, #tpu.memory_space<vmem_shared>>
      %dma_wait3A_202 = arith.constant 0 : i32
      %dma_wait3A_203 = tpu.memref_slice %arg8[%add3A_189, %dma_wait3A_202] : memref<10240x128xf32, #tpu.memory_space<vmem_shared>> -> memref<80x128xf32, #tpu.memory_space<vmem_shared>>
      tpu.wait_dma2 semaphore(%run_scoped3A : memref<!tpu.dma_semaphore, #tpu.memory_space<semaphore_mem>>) src(%dma_wait3A_203 : memref<80x128xf32, #tpu.memory_space<vmem_shared>>) dst(%arg14 : memref<80x128xf32, #tpu.memory_space<vmem>>)
      tpu.yield
    }) : () -> ()
    %add3A_190 = arith.constant 480 : i32
    %add3A_191 = arith.addi %mul3A_0, %add3A_190 : i32
    "tpu.region"() ({
      %run_scoped3A = tpu.sem_alloc : memref<!tpu.dma_semaphore, #tpu.memory_space<semaphore_mem>>
      %dma_start3A_196 = arith.constant 0 : i32
      %dma_start3A_197 = tpu.memref_slice %arg6[%arg0, %add3A_191, %dma_start3A_196] : memref<2x10240x128xf32, #tpu.memory_space<hbm>> -> memref<1x80x128xf32, #tpu.memory_space<hbm>>
      %dma_start3A_198 = tpu.memref_squeeze %dma_start3A_197 : memref<1x80x128xf32, #tpu.memory_space<hbm>> -> memref<80x128xf32, #tpu.memory_space<hbm>>
      %dma_start3A_199 = arith.constant 0 : i32
      %dma_start3A_200 = tpu.memref_slice %arg6[%arg0, %add3A_191, %dma_start3A_199] : memref<2x10240x128xf32, #tpu.memory_space<hbm>> -> memref<1x80x128xf32, #tpu.memory_space<hbm>>
      %dma_start3A_201 = tpu.memref_squeeze %dma_start3A_200 : memref<1x80x128xf32, #tpu.memory_space<hbm>> -> memref<80x128xf32, #tpu.memory_space<hbm>>
      tpu.enqueue_dma source(%arg14 : memref<80x128xf32, #tpu.memory_space<vmem>>) target(%dma_start3A_201 : memref<80x128xf32, #tpu.memory_space<hbm>>) target_semaphore(%run_scoped3A : memref<!tpu.dma_semaphore, #tpu.memory_space<semaphore_mem>>)
      %dma_wait3A_202 = arith.constant 0 : i32
      %dma_wait3A_203 = tpu.memref_slice %arg6[%arg0, %add3A_191, %dma_wait3A_202] : memref<2x10240x128xf32, #tpu.memory_space<hbm>> -> memref<1x80x128xf32, #tpu.memory_space<hbm>>
      %dma_wait3A_204 = tpu.memref_squeeze %dma_wait3A_203 : memref<1x80x128xf32, #tpu.memory_space<hbm>> -> memref<80x128xf32, #tpu.memory_space<hbm>>
      %dma_wait3A_205 = arith.constant 0 : i32
      %dma_wait3A_206 = tpu.memref_slice %arg6[%arg0, %add3A_191, %dma_wait3A_205] : memref<2x10240x128xf32, #tpu.memory_space<hbm>> -> memref<1x80x128xf32, #tpu.memory_space<hbm>>
      %dma_wait3A_207 = tpu.memref_squeeze %dma_wait3A_206 : memref<1x80x128xf32, #tpu.memory_space<hbm>> -> memref<80x128xf32, #tpu.memory_space<hbm>>
      tpu.wait_dma2 semaphore(%run_scoped3A : memref<!tpu.dma_semaphore, #tpu.memory_space<semaphore_mem>>) src(%arg14 : memref<80x128xf32, #tpu.memory_space<vmem>>) dst(%dma_wait3A_207 : memref<80x128xf32, #tpu.memory_space<hbm>>)
      tpu.yield
    }) : () -> ()
    %add3A_192 = arith.constant 560 : i32
    %add3A_193 = arith.addi %mul3A_0, %add3A_192 : i32
    "tpu.region"() ({
      %run_scoped3A = tpu.sem_alloc : memref<!tpu.dma_semaphore, #tpu.memory_space<semaphore_mem>>
      %dma_start3A_196 = arith.constant 0 : i32
      %dma_start3A_197 = tpu.memref_slice %arg8[%add3A_193, %dma_start3A_196] : memref<10240x128xf32, #tpu.memory_space<vmem_shared>> -> memref<80x128xf32, #tpu.memory_space<vmem_shared>>
      %dma_start3A_198 = arith.constant 0 : i32
      %dma_start3A_199 = tpu.memref_slice %arg8[%add3A_193, %dma_start3A_198] : memref<10240x128xf32, #tpu.memory_space<vmem_shared>> -> memref<80x128xf32, #tpu.memory_space<vmem_shared>>
      tpu.enqueue_dma source(%dma_start3A_199 : memref<80x128xf32, #tpu.memory_space<vmem_shared>>) target(%arg14 : memref<80x128xf32, #tpu.memory_space<vmem>>) target_semaphore(%run_scoped3A : memref<!tpu.dma_semaphore, #tpu.memory_space<semaphore_mem>>)
      %dma_wait3A_200 = arith.constant 0 : i32
      %dma_wait3A_201 = tpu.memref_slice %arg8[%add3A_193, %dma_wait3A_200] : memref<10240x128xf32, #tpu.memory_space<vmem_shared>> -> memref<80x128xf32, #tpu.memory_space<vmem_shared>>
      %dma_wait3A_202 = arith.constant 0 : i32
      %dma_wait3A_203 = tpu.memref_slice %arg8[%add3A_193, %dma_wait3A_202] : memref<10240x128xf32, #tpu.memory_space<vmem_shared>> -> memref<80x128xf32, #tpu.memory_space<vmem_shared>>
      tpu.wait_dma2 semaphore(%run_scoped3A : memref<!tpu.dma_semaphore, #tpu.memory_space<semaphore_mem>>) src(%dma_wait3A_203 : memref<80x128xf32, #tpu.memory_space<vmem_shared>>) dst(%arg14 : memref<80x128xf32, #tpu.memory_space<vmem>>)
      tpu.yield
    }) : () -> ()
    %add3A_194 = arith.constant 560 : i32
    %add3A_195 = arith.addi %mul3A_0, %add3A_194 : i32
    "tpu.region"() ({
      %run_scoped3A = tpu.sem_alloc : memref<!tpu.dma_semaphore, #tpu.memory_space<semaphore_mem>>
      %dma_start3A_196 = arith.constant 0 : i32
      %dma_start3A_197 = tpu.memref_slice %arg6[%arg0, %add3A_195, %dma_start3A_196] : memref<2x10240x128xf32, #tpu.memory_space<hbm>> -> memref<1x80x128xf32, #tpu.memory_space<hbm>>
      %dma_start3A_198 = tpu.memref_squeeze %dma_start3A_197 : memref<1x80x128xf32, #tpu.memory_space<hbm>> -> memref<80x128xf32, #tpu.memory_space<hbm>>
      %dma_start3A_199 = arith.constant 0 : i32
      %dma_start3A_200 = tpu.memref_slice %arg6[%arg0, %add3A_195, %dma_start3A_199] : memref<2x10240x128xf32, #tpu.memory_space<hbm>> -> memref<1x80x128xf32, #tpu.memory_space<hbm>>
      %dma_start3A_201 = tpu.memref_squeeze %dma_start3A_200 : memref<1x80x128xf32, #tpu.memory_space<hbm>> -> memref<80x128xf32, #tpu.memory_space<hbm>>
      tpu.enqueue_dma source(%arg14 : memref<80x128xf32, #tpu.memory_space<vmem>>) target(%dma_start3A_201 : memref<80x128xf32, #tpu.memory_space<hbm>>) target_semaphore(%run_scoped3A : memref<!tpu.dma_semaphore, #tpu.memory_space<semaphore_mem>>)
      %dma_wait3A_202 = arith.constant 0 : i32
      %dma_wait3A_203 = tpu.memref_slice %arg6[%arg0, %add3A_195, %dma_wait3A_202] : memref<2x10240x128xf32, #tpu.memory_space<hbm>> -> memref<1x80x128xf32, #tpu.memory_space<hbm>>
      %dma_wait3A_204 = tpu.memref_squeeze %dma_wait3A_203 : memref<1x80x128xf32, #tpu.memory_space<hbm>> -> memref<80x128xf32, #tpu.memory_space<hbm>>
      %dma_wait3A_205 = arith.constant 0 : i32
      %dma_wait3A_206 = tpu.memref_slice %arg6[%arg0, %add3A_195, %dma_wait3A_205] : memref<2x10240x128xf32, #tpu.memory_space<hbm>> -> memref<1x80x128xf32, #tpu.memory_space<hbm>>
      %dma_wait3A_207 = tpu.memref_squeeze %dma_wait3A_206 : memref<1x80x128xf32, #tpu.memory_space<hbm>> -> memref<80x128xf32, #tpu.memory_space<hbm>>
      tpu.wait_dma2 semaphore(%run_scoped3A : memref<!tpu.dma_semaphore, #tpu.memory_space<semaphore_mem>>) src(%arg14 : memref<80x128xf32, #tpu.memory_space<vmem>>) dst(%dma_wait3A_207 : memref<80x128xf32, #tpu.memory_space<hbm>>)
      tpu.yield
    }) : () -> ()
    "tpu.region"() ({
      %run_scoped3A = tpu.sem_alloc : memref<!tpu.dma_semaphore, #tpu.memory_space<semaphore_mem>>
      %dma_start3A_196 = tpu.memref_slice %arg9[%mul3A_0] : memref<10240xf32, #tpu.memory_space<vmem_shared>> -> memref<640xf32, #tpu.memory_space<vmem_shared>>
      %dma_start3A_197 = tpu.memref_slice %arg9[%mul3A_0] : memref<10240xf32, #tpu.memory_space<vmem_shared>> -> memref<640xf32, #tpu.memory_space<vmem_shared>>
      tpu.enqueue_dma source(%dma_start3A_197 : memref<640xf32, #tpu.memory_space<vmem_shared>>) target(%arg18 : memref<640xf32, #tpu.memory_space<vmem>>) target_semaphore(%run_scoped3A : memref<!tpu.dma_semaphore, #tpu.memory_space<semaphore_mem>>)
      %dma_wait3A_198 = tpu.memref_slice %arg9[%mul3A_0] : memref<10240xf32, #tpu.memory_space<vmem_shared>> -> memref<640xf32, #tpu.memory_space<vmem_shared>>
      %dma_wait3A_199 = tpu.memref_slice %arg9[%mul3A_0] : memref<10240xf32, #tpu.memory_space<vmem_shared>> -> memref<640xf32, #tpu.memory_space<vmem_shared>>
      tpu.wait_dma2 semaphore(%run_scoped3A : memref<!tpu.dma_semaphore, #tpu.memory_space<semaphore_mem>>) src(%dma_wait3A_199 : memref<640xf32, #tpu.memory_space<vmem_shared>>) dst(%arg18 : memref<640xf32, #tpu.memory_space<vmem>>)
      tpu.yield
    }) : () -> ()
    "tpu.region"() ({
      %run_scoped3A = tpu.sem_alloc : memref<!tpu.dma_semaphore, #tpu.memory_space<semaphore_mem>>
      %dma_start3A_196 = tpu.memref_slice %arg7[%arg0, %mul3A_0] : memref<2x10240xf32, #tpu.memory_space<hbm>> -> memref<1x640xf32, #tpu.memory_space<hbm>>
      %dma_start3A_197 = tpu.memref_squeeze %dma_start3A_196 : memref<1x640xf32, #tpu.memory_space<hbm>> -> memref<640xf32, #tpu.memory_space<hbm>>
      %dma_start3A_198 = tpu.memref_slice %arg7[%arg0, %mul3A_0] : memref<2x10240xf32, #tpu.memory_space<hbm>> -> memref<1x640xf32, #tpu.memory_space<hbm>>
      %dma_start3A_199 = tpu.memref_squeeze %dma_start3A_198 : memref<1x640xf32, #tpu.memory_space<hbm>> -> memref<640xf32, #tpu.memory_space<hbm>>
      tpu.enqueue_dma source(%arg18 : memref<640xf32, #tpu.memory_space<vmem>>) target(%dma_start3A_199 : memref<640xf32, #tpu.memory_space<hbm>>) target_semaphore(%run_scoped3A : memref<!tpu.dma_semaphore, #tpu.memory_space<semaphore_mem>>)
      %dma_wait3A_200 = tpu.memref_slice %arg7[%arg0, %mul3A_0] : memref<2x10240xf32, #tpu.memory_space<hbm>> -> memref<1x640xf32, #tpu.memory_space<hbm>>
      %dma_wait3A_201 = tpu.memref_squeeze %dma_wait3A_200 : memref<1x640xf32, #tpu.memory_space<hbm>> -> memref<640xf32, #tpu.memory_space<hbm>>
      %dma_wait3A_202 = tpu.memref_slice %arg7[%arg0, %mul3A_0] : memref<2x10240xf32, #tpu.memory_space<hbm>> -> memref<1x640xf32, #tpu.memory_space<hbm>>
      %dma_wait3A_203 = tpu.memref_squeeze %dma_wait3A_202 : memref<1x640xf32, #tpu.memory_space<hbm>> -> memref<640xf32, #tpu.memory_space<hbm>>
      tpu.wait_dma2 semaphore(%run_scoped3A : memref<!tpu.dma_semaphore, #tpu.memory_space<semaphore_mem>>) src(%arg18 : memref<640xf32, #tpu.memory_space<vmem>>) dst(%dma_wait3A_203 : memref<640xf32, #tpu.memory_space<hbm>>)
      tpu.yield
    }) : () -> ()
    return
  }
}

#map = affine_map<(d0, d1) -> (0, 0)>
#map1 = affine_map<(d0, d1) -> (0)>
#map2 = affine_map<(d0, d1) -> (0, 0, 0)>
module attributes {stable_mosaic.version = 14 : i64} {
  func.func @seg_sum(%arg0: i32, %arg1: i32, %arg2: memref<10000x128xf32, #tpu.memory_space<hbm>>, %arg3: memref<320000xi32, #tpu.memory_space<hbm>>, %arg4: memref<320000xi32, #tpu.memory_space<hbm>>, %arg5: memref<80x128xf32, #tpu.memory_space<hbm>>, %arg6: memref<2x10240x128xf32, #tpu.memory_space<hbm>>, %arg7: memref<2x10240xf32, #tpu.memory_space<hbm>>, %arg8: memref<10240x128xf32, #tpu.memory_space<vmem_shared>>, %arg9: memref<10240xf32, #tpu.memory_space<vmem_shared>>, %arg10: memref<10000xi32, #tpu.memory_space<vmem>>, %arg11: memref<80xi32, #tpu.memory_space<vmem>>, %arg12: memref<80xi32, #tpu.memory_space<vmem>>, %arg13: memref<80xi32, #tpu.memory_space<vmem>>, %arg14: memref<80x128xf32, #tpu.memory_space<vmem>>, %arg15: memref<80x128xf32, #tpu.memory_space<vmem>>, %arg16: memref<80x128xf32, #tpu.memory_space<vmem>>, %arg17: memref<80xf32, #tpu.memory_space<vmem>>, %arg18: memref<640xf32, #tpu.memory_space<vmem>>, %arg19: memref<!tpu.dma_semaphore, #tpu.memory_space<semaphore_mem>>, %arg20: memref<!tpu.dma_semaphore, #tpu.memory_space<semaphore_mem>>, %arg21: memref<!tpu.dma_semaphore, #tpu.memory_space<semaphore_mem>>, %arg22: memref<!tpu.dma_semaphore, #tpu.memory_space<semaphore_mem>>, %arg23: memref<!tpu.dma_semaphore, #tpu.memory_space<semaphore_mem>>, %arg24: memref<!tpu.dma_semaphore, #tpu.memory_space<semaphore_mem>>) attributes {dimension_semantics = [#tpu.dimension_semantics<core_parallel>, #tpu.dimension_semantics<subcore_parallel>], iteration_bounds = array<i64: 2, 16>, scalar_prefetch = 0 : i64, scratch_operands = 17 : i64, tpu.core_type = #tpu.core_type<sc_vector_subcore>, window_params = [{transform_indices = #map}, {transform_indices = #map1}, {transform_indices = #map1}, {transform_indices = #map}, {transform_indices = #map2}, {transform_indices = #map}]} {
    %mul3A = arith.constant 640 : i32
    %mul3A_0 = arith.muli %arg1, %mul3A : i32
    %mul3A_1 = arith.constant 16 : i32
    %mul3A_2 = arith.muli %arg0, %mul3A_1 : i32
    %add3A = arith.addi %mul3A_2, %arg1 : i32
    %mul3A_3 = arith.constant 10000 : i32
    %mul3A_4 = arith.muli %add3A, %mul3A_3 : i32
    "tpu.region"() ({
      %run_scoped3A = tpu.sem_alloc : memref<!tpu.dma_semaphore, #tpu.memory_space<semaphore_mem>>
      %dma_start3A_196 = tpu.memref_slice %arg3[%mul3A_4] : memref<320000xi32, #tpu.memory_space<hbm>> -> memref<10000xi32, #tpu.memory_space<hbm>>
      %dma_start3A_197 = tpu.memref_slice %arg3[%mul3A_4] : memref<320000xi32, #tpu.memory_space<hbm>> -> memref<10000xi32, #tpu.memory_space<hbm>>
      tpu.enqueue_dma source(%dma_start3A_197 : memref<10000xi32, #tpu.memory_space<hbm>>) target(%arg10 : memref<10000xi32, #tpu.memory_space<vmem>>) target_semaphore(%run_scoped3A : memref<!tpu.dma_semaphore, #tpu.memory_space<semaphore_mem>>)
      %dma_wait3A_198 = tpu.memref_slice %arg3[%mul3A_4] : memref<320000xi32, #tpu.memory_space<hbm>> -> memref<10000xi32, #tpu.memory_space<hbm>>
      %dma_wait3A_199 = tpu.memref_slice %arg3[%mul3A_4] : memref<320000xi32, #tpu.memory_space<hbm>> -> memref<10000xi32, #tpu.memory_space<hbm>>
      tpu.wait_dma2 semaphore(%run_scoped3A : memref<!tpu.dma_semaphore, #tpu.memory_space<semaphore_mem>>) src(%dma_wait3A_199 : memref<10000xi32, #tpu.memory_space<hbm>>) dst(%arg10 : memref<10000xi32, #tpu.memory_space<vmem>>)
      tpu.yield
    }) : () -> ()
    %broadcast_in_dim3A = arith.constant 0.000000e+00 : f32
    %broadcast_in_dim3A_5 = vector.broadcast %broadcast_in_dim3A : f32 to vector<16xf32>
    %broadcast_in_dim3A_6 = arith.constant 1.000000e+00 : f32
    %broadcast_in_dim3A_7 = vector.broadcast %broadcast_in_dim3A_6 : f32 to vector<16xf32>
    %swap3A = arith.constant 0 : index
    %swap3A_8 = tpu.vector_load %arg17[%swap3A] {strides = array<i32>} : memref<80xf32, #tpu.memory_space<vmem>>, vector<16xf32>,
    tpu.vector_store %arg17[%swap3A], %broadcast_in_dim3A_7 {strides = array<i32>} : memref<80xf32, #tpu.memory_space<vmem>>, vector<16xf32>,
    %swap3A_9 = arith.constant 16 : index
    %swap3A_10 = tpu.vector_load %arg17[%swap3A_9] {strides = array<i32>} : memref<80xf32, #tpu.memory_space<vmem>>, vector<16xf32>,
    tpu.vector_store %arg17[%swap3A_9], %broadcast_in_dim3A_7 {strides = array<i32>} : memref<80xf32, #tpu.memory_space<vmem>>, vector<16xf32>,
    %swap3A_11 = arith.constant 32 : index
    %swap3A_12 = tpu.vector_load %arg17[%swap3A_11] {strides = array<i32>} : memref<80xf32, #tpu.memory_space<vmem>>, vector<16xf32>,
    tpu.vector_store %arg17[%swap3A_11], %broadcast_in_dim3A_7 {strides = array<i32>} : memref<80xf32, #tpu.memory_space<vmem>>, vector<16xf32>,
    %swap3A_13 = arith.constant 48 : index
    %swap3A_14 = tpu.vector_load %arg17[%swap3A_13] {strides = array<i32>} : memref<80xf32, #tpu.memory_space<vmem>>, vector<16xf32>,
    tpu.vector_store %arg17[%swap3A_13], %broadcast_in_dim3A_7 {strides = array<i32>} : memref<80xf32, #tpu.memory_space<vmem>>, vector<16xf32>,
    %swap3A_15 = arith.constant 64 : index
    %swap3A_16 = tpu.vector_load %arg17[%swap3A_15] {strides = array<i32>} : memref<80xf32, #tpu.memory_space<vmem>>, vector<16xf32>,
    tpu.vector_store %arg17[%swap3A_15], %broadcast_in_dim3A_7 {strides = array<i32>} : memref<80xf32, #tpu.memory_space<vmem>>, vector<16xf32>,
    %swap3A_17 = arith.constant 0 : index
    %swap3A_18 = tpu.vector_load %arg18[%swap3A_17] {strides = array<i32>} : memref<640xf32, #tpu.memory_space<vmem>>, vector<16xf32>,
    tpu.vector_store %arg18[%swap3A_17], %broadcast_in_dim3A_5 {strides = array<i32>} : memref<640xf32, #tpu.memory_space<vmem>>, vector<16xf32>,
    %swap3A_19 = arith.constant 16 : index
    %swap3A_20 = tpu.vector_load %arg18[%swap3A_19] {strides = array<i32>} : memref<640xf32, #tpu.memory_space<vmem>>, vector<16xf32>,
    tpu.vector_store %arg18[%swap3A_19], %broadcast_in_dim3A_5 {strides = array<i32>} : memref<640xf32, #tpu.memory_space<vmem>>, vector<16xf32>,
    %swap3A_21 = arith.constant 32 : index
    %swap3A_22 = tpu.vector_load %arg18[%swap3A_21] {strides = array<i32>} : memref<640xf32, #tpu.memory_space<vmem>>, vector<16xf32>,
    tpu.vector_store %arg18[%swap3A_21], %broadcast_in_dim3A_5 {strides = array<i32>} : memref<640xf32, #tpu.memory_space<vmem>>, vector<16xf32>,
    %swap3A_23 = arith.constant 48 : index
    %swap3A_24 = tpu.vector_load %arg18[%swap3A_23] {strides = array<i32>} : memref<640xf32, #tpu.memory_space<vmem>>, vector<16xf32>,
    tpu.vector_store %arg18[%swap3A_23], %broadcast_in_dim3A_5 {strides = array<i32>} : memref<640xf32, #tpu.memory_space<vmem>>, vector<16xf32>,
    %swap3A_25 = arith.constant 64 : index
    %swap3A_26 = tpu.vector_load %arg18[%swap3A_25] {strides = array<i32>} : memref<640xf32, #tpu.memory_space<vmem>>, vector<16xf32>,
    tpu.vector_store %arg18[%swap3A_25], %broadcast_in_dim3A_5 {strides = array<i32>} : memref<640xf32, #tpu.memory_space<vmem>>, vector<16xf32>,
    %swap3A_27 = arith.constant 80 : index
    %swap3A_28 = tpu.vector_load %arg18[%swap3A_27] {strides = array<i32>} : memref<640xf32, #tpu.memory_space<vmem>>, vector<16xf32>,
    tpu.vector_store %arg18[%swap3A_27], %broadcast_in_dim3A_5 {strides = array<i32>} : memref<640xf32, #tpu.memory_space<vmem>>, vector<16xf32>,
    %swap3A_29 = arith.constant 96 : index
    %swap3A_30 = tpu.vector_load %arg18[%swap3A_29] {strides = array<i32>} : memref<640xf32, #tpu.memory_space<vmem>>, vector<16xf32>,
    tpu.vector_store %arg18[%swap3A_29], %broadcast_in_dim3A_5 {strides = array<i32>} : memref<640xf32, #tpu.memory_space<vmem>>, vector<16xf32>,
    %swap3A_31 = arith.constant 112 : index
    %swap3A_32 = tpu.vector_load %arg18[%swap3A_31] {strides = array<i32>} : memref<640xf32, #tpu.memory_space<vmem>>, vector<16xf32>,
    tpu.vector_store %arg18[%swap3A_31], %broadcast_in_dim3A_5 {strides = array<i32>} : memref<640xf32, #tpu.memory_space<vmem>>, vector<16xf32>,
    %swap3A_33 = arith.constant 128 : index
    %swap3A_34 = tpu.vector_load %arg18[%swap3A_33] {strides = array<i32>} : memref<640xf32, #tpu.memory_space<vmem>>, vector<16xf32>,
    tpu.vector_store %arg18[%swap3A_33], %broadcast_in_dim3A_5 {strides = array<i32>} : memref<640xf32, #tpu.memory_space<vmem>>, vector<16xf32>,
    %swap3A_35 = arith.constant 144 : index
    %swap3A_36 = tpu.vector_load %arg18[%swap3A_35] {strides = array<i32>} : memref<640xf32, #tpu.memory_space<vmem>>, vector<16xf32>,
    tpu.vector_store %arg18[%swap3A_35], %broadcast_in_dim3A_5 {strides = array<i32>} : memref<640xf32, #tpu.memory_space<vmem>>, vector<16xf32>,
    %swap3A_37 = arith.constant 160 : index
    %swap3A_38 = tpu.vector_load %arg18[%swap3A_37] {strides = array<i32>} : memref<640xf32, #tpu.memory_space<vmem>>, vector<16xf32>,
    tpu.vector_store %arg18[%swap3A_37], %broadcast_in_dim3A_5 {strides = array<i32>} : memref<640xf32, #tpu.memory_space<vmem>>, vector<16xf32>,
    %swap3A_39 = arith.constant 176 : index
    %swap3A_40 = tpu.vector_load %arg18[%swap3A_39] {strides = array<i32>} : memref<640xf32, #tpu.memory_space<vmem>>, vector<16xf32>,
    tpu.vector_store %arg18[%swap3A_39], %broadcast_in_dim3A_5 {strides = array<i32>} : memref<640xf32, #tpu.memory_space<vmem>>, vector<16xf32>,
    %swap3A_41 = arith.constant 192 : index
    %swap3A_42 = tpu.vector_load %arg18[%swap3A_41] {strides = array<i32>} : memref<640xf32, #tpu.memory_space<vmem>>, vector<16xf32>,
    tpu.vector_store %arg18[%swap3A_41], %broadcast_in_dim3A_5 {strides = array<i32>} : memref<640xf32, #tpu.memory_space<vmem>>, vector<16xf32>,
    %swap3A_43 = arith.constant 208 : index
    %swap3A_44 = tpu.vector_load %arg18[%swap3A_43] {strides = array<i32>} : memref<640xf32, #tpu.memory_space<vmem>>, vector<16xf32>,
    tpu.vector_store %arg18[%swap3A_43], %broadcast_in_dim3A_5 {strides = array<i32>} : memref<640xf32, #tpu.memory_space<vmem>>, vector<16xf32>,
    %swap3A_45 = arith.constant 224 : index
    %swap3A_46 = tpu.vector_load %arg18[%swap3A_45] {strides = array<i32>} : memref<640xf32, #tpu.memory_space<vmem>>, vector<16xf32>,
    tpu.vector_store %arg18[%swap3A_45], %broadcast_in_dim3A_5 {strides = array<i32>} : memref<640xf32, #tpu.memory_space<vmem>>, vector<16xf32>,
    %swap3A_47 = arith.constant 240 : index
    %swap3A_48 = tpu.vector_load %arg18[%swap3A_47] {strides = array<i32>} : memref<640xf32, #tpu.memory_space<vmem>>, vector<16xf32>,
    tpu.vector_store %arg18[%swap3A_47], %broadcast_in_dim3A_5 {strides = array<i32>} : memref<640xf32, #tpu.memory_space<vmem>>, vector<16xf32>,
    %swap3A_49 = arith.constant 256 : index
    %swap3A_50 = tpu.vector_load %arg18[%swap3A_49] {strides = array<i32>} : memref<640xf32, #tpu.memory_space<vmem>>, vector<16xf32>,
    tpu.vector_store %arg18[%swap3A_49], %broadcast_in_dim3A_5 {strides = array<i32>} : memref<640xf32, #tpu.memory_space<vmem>>, vector<16xf32>,
    %swap3A_51 = arith.constant 272 : index
    %swap3A_52 = tpu.vector_load %arg18[%swap3A_51] {strides = array<i32>} : memref<640xf32, #tpu.memory_space<vmem>>, vector<16xf32>,
    tpu.vector_store %arg18[%swap3A_51], %broadcast_in_dim3A_5 {strides = array<i32>} : memref<640xf32, #tpu.memory_space<vmem>>, vector<16xf32>,
    %swap3A_53 = arith.constant 288 : index
    %swap3A_54 = tpu.vector_load %arg18[%swap3A_53] {strides = array<i32>} : memref<640xf32, #tpu.memory_space<vmem>>, vector<16xf32>,
    tpu.vector_store %arg18[%swap3A_53], %broadcast_in_dim3A_5 {strides = array<i32>} : memref<640xf32, #tpu.memory_space<vmem>>, vector<16xf32>,
    %swap3A_55 = arith.constant 304 : index
    %swap3A_56 = tpu.vector_load %arg18[%swap3A_55] {strides = array<i32>} : memref<640xf32, #tpu.memory_space<vmem>>, vector<16xf32>,
    tpu.vector_store %arg18[%swap3A_55], %broadcast_in_dim3A_5 {strides = array<i32>} : memref<640xf32, #tpu.memory_space<vmem>>, vector<16xf32>,
    %swap3A_57 = arith.constant 320 : index
    %swap3A_58 = tpu.vector_load %arg18[%swap3A_57] {strides = array<i32>} : memref<640xf32, #tpu.memory_space<vmem>>, vector<16xf32>,
    tpu.vector_store %arg18[%swap3A_57], %broadcast_in_dim3A_5 {strides = array<i32>} : memref<640xf32, #tpu.memory_space<vmem>>, vector<16xf32>,
    %swap3A_59 = arith.constant 336 : index
    %swap3A_60 = tpu.vector_load %arg18[%swap3A_59] {strides = array<i32>} : memref<640xf32, #tpu.memory_space<vmem>>, vector<16xf32>,
    tpu.vector_store %arg18[%swap3A_59], %broadcast_in_dim3A_5 {strides = array<i32>} : memref<640xf32, #tpu.memory_space<vmem>>, vector<16xf32>,
    %swap3A_61 = arith.constant 352 : index
    %swap3A_62 = tpu.vector_load %arg18[%swap3A_61] {strides = array<i32>} : memref<640xf32, #tpu.memory_space<vmem>>, vector<16xf32>,
    tpu.vector_store %arg18[%swap3A_61], %broadcast_in_dim3A_5 {strides = array<i32>} : memref<640xf32, #tpu.memory_space<vmem>>, vector<16xf32>,
    %swap3A_63 = arith.constant 368 : index
    %swap3A_64 = tpu.vector_load %arg18[%swap3A_63] {strides = array<i32>} : memref<640xf32, #tpu.memory_space<vmem>>, vector<16xf32>,
    tpu.vector_store %arg18[%swap3A_63], %broadcast_in_dim3A_5 {strides = array<i32>} : memref<640xf32, #tpu.memory_space<vmem>>, vector<16xf32>,
    %swap3A_65 = arith.constant 384 : index
    %swap3A_66 = tpu.vector_load %arg18[%swap3A_65] {strides = array<i32>} : memref<640xf32, #tpu.memory_space<vmem>>, vector<16xf32>,
    tpu.vector_store %arg18[%swap3A_65], %broadcast_in_dim3A_5 {strides = array<i32>} : memref<640xf32, #tpu.memory_space<vmem>>, vector<16xf32>,
    %swap3A_67 = arith.constant 400 : index
    %swap3A_68 = tpu.vector_load %arg18[%swap3A_67] {strides = array<i32>} : memref<640xf32, #tpu.memory_space<vmem>>, vector<16xf32>,
    tpu.vector_store %arg18[%swap3A_67], %broadcast_in_dim3A_5 {strides = array<i32>} : memref<640xf32, #tpu.memory_space<vmem>>, vector<16xf32>,
    %swap3A_69 = arith.constant 416 : index
    %swap3A_70 = tpu.vector_load %arg18[%swap3A_69] {strides = array<i32>} : memref<640xf32, #tpu.memory_space<vmem>>, vector<16xf32>,
    tpu.vector_store %arg18[%swap3A_69], %broadcast_in_dim3A_5 {strides = array<i32>} : memref<640xf32, #tpu.memory_space<vmem>>, vector<16xf32>,
    %swap3A_71 = arith.constant 432 : index
    %swap3A_72 = tpu.vector_load %arg18[%swap3A_71] {strides = array<i32>} : memref<640xf32, #tpu.memory_space<vmem>>, vector<16xf32>,
    tpu.vector_store %arg18[%swap3A_71], %broadcast_in_dim3A_5 {strides = array<i32>} : memref<640xf32, #tpu.memory_space<vmem>>, vector<16xf32>,
    %swap3A_73 = arith.constant 448 : index
    %swap3A_74 = tpu.vector_load %arg18[%swap3A_73] {strides = array<i32>} : memref<640xf32, #tpu.memory_space<vmem>>, vector<16xf32>,
    tpu.vector_store %arg18[%swap3A_73], %broadcast_in_dim3A_5 {strides = array<i32>} : memref<640xf32, #tpu.memory_space<vmem>>, vector<16xf32>,
    %swap3A_75 = arith.constant 464 : index
    %swap3A_76 = tpu.vector_load %arg18[%swap3A_75] {strides = array<i32>} : memref<640xf32, #tpu.memory_space<vmem>>, vector<16xf32>,
    tpu.vector_store %arg18[%swap3A_75], %broadcast_in_dim3A_5 {strides = array<i32>} : memref<640xf32, #tpu.memory_space<vmem>>, vector<16xf32>,
    %swap3A_77 = arith.constant 480 : index
    %swap3A_78 = tpu.vector_load %arg18[%swap3A_77] {strides = array<i32>} : memref<640xf32, #tpu.memory_space<vmem>>, vector<16xf32>,
    tpu.vector_store %arg18[%swap3A_77], %broadcast_in_dim3A_5 {strides = array<i32>} : memref<640xf32, #tpu.memory_space<vmem>>, vector<16xf32>,
    %swap3A_79 = arith.constant 496 : index
    %swap3A_80 = tpu.vector_load %arg18[%swap3A_79] {strides = array<i32>} : memref<640xf32, #tpu.memory_space<vmem>>, vector<16xf32>,
    tpu.vector_store %arg18[%swap3A_79], %broadcast_in_dim3A_5 {strides = array<i32>} : memref<640xf32, #tpu.memory_space<vmem>>, vector<16xf32>,
    %swap3A_81 = arith.constant 512 : index
    %swap3A_82 = tpu.vector_load %arg18[%swap3A_81] {strides = array<i32>} : memref<640xf32, #tpu.memory_space<vmem>>, vector<16xf32>,
    tpu.vector_store %arg18[%swap3A_81], %broadcast_in_dim3A_5 {strides = array<i32>} : memref<640xf32, #tpu.memory_space<vmem>>, vector<16xf32>,
    %swap3A_83 = arith.constant 528 : index
    %swap3A_84 = tpu.vector_load %arg18[%swap3A_83] {strides = array<i32>} : memref<640xf32, #tpu.memory_space<vmem>>, vector<16xf32>,
    tpu.vector_store %arg18[%swap3A_83], %broadcast_in_dim3A_5 {strides = array<i32>} : memref<640xf32, #tpu.memory_space<vmem>>, vector<16xf32>,
    %swap3A_85 = arith.constant 544 : index
    %swap3A_86 = tpu.vector_load %arg18[%swap3A_85] {strides = array<i32>} : memref<640xf32, #tpu.memory_space<vmem>>, vector<16xf32>,
    tpu.vector_store %arg18[%swap3A_85], %broadcast_in_dim3A_5 {strides = array<i32>} : memref<640xf32, #tpu.memory_space<vmem>>, vector<16xf32>,
    %swap3A_87 = arith.constant 560 : index
    %swap3A_88 = tpu.vector_load %arg18[%swap3A_87] {strides = array<i32>} : memref<640xf32, #tpu.memory_space<vmem>>, vector<16xf32>,
    tpu.vector_store %arg18[%swap3A_87], %broadcast_in_dim3A_5 {strides = array<i32>} : memref<640xf32, #tpu.memory_space<vmem>>, vector<16xf32>,
    %swap3A_89 = arith.constant 576 : index
    %swap3A_90 = tpu.vector_load %arg18[%swap3A_89] {strides = array<i32>} : memref<640xf32, #tpu.memory_space<vmem>>, vector<16xf32>,
    tpu.vector_store %arg18[%swap3A_89], %broadcast_in_dim3A_5 {strides = array<i32>} : memref<640xf32, #tpu.memory_space<vmem>>, vector<16xf32>,
    %swap3A_91 = arith.constant 592 : index
    %swap3A_92 = tpu.vector_load %arg18[%swap3A_91] {strides = array<i32>} : memref<640xf32, #tpu.memory_space<vmem>>, vector<16xf32>,
    tpu.vector_store %arg18[%swap3A_91], %broadcast_in_dim3A_5 {strides = array<i32>} : memref<640xf32, #tpu.memory_space<vmem>>, vector<16xf32>,
    %swap3A_93 = arith.constant 608 : index
    %swap3A_94 = tpu.vector_load %arg18[%swap3A_93] {strides = array<i32>} : memref<640xf32, #tpu.memory_space<vmem>>, vector<16xf32>,
    tpu.vector_store %arg18[%swap3A_93], %broadcast_in_dim3A_5 {strides = array<i32>} : memref<640xf32, #tpu.memory_space<vmem>>, vector<16xf32>,
    %swap3A_95 = arith.constant 624 : index
    %swap3A_96 = tpu.vector_load %arg18[%swap3A_95] {strides = array<i32>} : memref<640xf32, #tpu.memory_space<vmem>>, vector<16xf32>,
    tpu.vector_store %arg18[%swap3A_95], %broadcast_in_dim3A_5 {strides = array<i32>} : memref<640xf32, #tpu.memory_space<vmem>>, vector<16xf32>,
    "tpu.region"() ({
      %run_scoped3A = tpu.sem_alloc : memref<!tpu.dma_semaphore, #tpu.memory_space<semaphore_mem>>
      %dma_start3A_196 = tpu.memref_slice %arg9[%mul3A_0] : memref<10240xf32, #tpu.memory_space<vmem_shared>> -> memref<640xf32, #tpu.memory_space<vmem_shared>>
      %dma_start3A_197 = tpu.memref_slice %arg9[%mul3A_0] : memref<10240xf32, #tpu.memory_space<vmem_shared>> -> memref<640xf32, #tpu.memory_space<vmem_shared>>
      tpu.enqueue_dma source(%arg18 : memref<640xf32, #tpu.memory_space<vmem>>) target(%dma_start3A_197 : memref<640xf32, #tpu.memory_space<vmem_shared>>) target_semaphore(%run_scoped3A : memref<!tpu.dma_semaphore, #tpu.memory_space<semaphore_mem>>)
      %dma_wait3A_198 = tpu.memref_slice %arg9[%mul3A_0] : memref<10240xf32, #tpu.memory_space<vmem_shared>> -> memref<640xf32, #tpu.memory_space<vmem_shared>>
      %dma_wait3A_199 = tpu.memref_slice %arg9[%mul3A_0] : memref<10240xf32, #tpu.memory_space<vmem_shared>> -> memref<640xf32, #tpu.memory_space<vmem_shared>>
      tpu.wait_dma2 semaphore(%run_scoped3A : memref<!tpu.dma_semaphore, #tpu.memory_space<semaphore_mem>>) src(%arg18 : memref<640xf32, #tpu.memory_space<vmem>>) dst(%dma_wait3A_199 : memref<640xf32, #tpu.memory_space<vmem_shared>>)
      tpu.yield
    }) : () -> ()
    "tpu.region"() ({
      %run_scoped3A = tpu.sem_alloc : memref<!tpu.dma_semaphore, #tpu.memory_space<semaphore_mem>>
      tpu.enqueue_dma source(%arg5 : memref<80x128xf32, #tpu.memory_space<hbm>>) target(%arg14 : memref<80x128xf32, #tpu.memory_space<vmem>>) target_semaphore(%run_scoped3A : memref<!tpu.dma_semaphore, #tpu.memory_space<semaphore_mem>>)
      tpu.wait_dma2 semaphore(%run_scoped3A : memref<!tpu.dma_semaphore, #tpu.memory_space<semaphore_mem>>) src(%arg5 : memref<80x128xf32, #tpu.memory_space<hbm>>) dst(%arg14 : memref<80x128xf32, #tpu.memory_space<vmem>>)
      tpu.yield
    }) : () -> ()
    %add3A_97 = arith.constant 0 : i32
    %add3A_98 = arith.addi %mul3A_0, %add3A_97 : i32
    "tpu.region"() ({
      %run_scoped3A = tpu.sem_alloc : memref<!tpu.dma_semaphore, #tpu.memory_space<semaphore_mem>>
      %dma_start3A_196 = arith.constant 0 : i32
      %dma_start3A_197 = tpu.memref_slice %arg8[%add3A_98, %dma_start3A_196] : memref<10240x128xf32, #tpu.memory_space<vmem_shared>> -> memref<80x128xf32, #tpu.memory_space<vmem_shared>>
      %dma_start3A_198 = arith.constant 0 : i32
      %dma_start3A_199 = tpu.memref_slice %arg8[%add3A_98, %dma_start3A_198] : memref<10240x128xf32, #tpu.memory_space<vmem_shared>> -> memref<80x128xf32, #tpu.memory_space<vmem_shared>>
      tpu.enqueue_dma source(%arg14 : memref<80x128xf32, #tpu.memory_space<vmem>>) target(%dma_start3A_199 : memref<80x128xf32, #tpu.memory_space<vmem_shared>>) target_semaphore(%run_scoped3A : memref<!tpu.dma_semaphore, #tpu.memory_space<semaphore_mem>>)
      %dma_wait3A_200 = arith.constant 0 : i32
      %dma_wait3A_201 = tpu.memref_slice %arg8[%add3A_98, %dma_wait3A_200] : memref<10240x128xf32, #tpu.memory_space<vmem_shared>> -> memref<80x128xf32, #tpu.memory_space<vmem_shared>>
      %dma_wait3A_202 = arith.constant 0 : i32
      %dma_wait3A_203 = tpu.memref_slice %arg8[%add3A_98, %dma_wait3A_202] : memref<10240x128xf32, #tpu.memory_space<vmem_shared>> -> memref<80x128xf32, #tpu.memory_space<vmem_shared>>
      tpu.wait_dma2 semaphore(%run_scoped3A : memref<!tpu.dma_semaphore, #tpu.memory_space<semaphore_mem>>) src(%arg14 : memref<80x128xf32, #tpu.memory_space<vmem>>) dst(%dma_wait3A_203 : memref<80x128xf32, #tpu.memory_space<vmem_shared>>)
      tpu.yield
    }) : () -> ()
    %add3A_99 = arith.constant 80 : i32
    %add3A_100 = arith.addi %mul3A_0, %add3A_99 : i32
    "tpu.region"() ({
      %run_scoped3A = tpu.sem_alloc : memref<!tpu.dma_semaphore, #tpu.memory_space<semaphore_mem>>
      %dma_start3A_196 = arith.constant 0 : i32
      %dma_start3A_197 = tpu.memref_slice %arg8[%add3A_100, %dma_start3A_196] : memref<10240x128xf32, #tpu.memory_space<vmem_shared>> -> memref<80x128xf32, #tpu.memory_space<vmem_shared>>
      %dma_start3A_198 = arith.constant 0 : i32
      %dma_start3A_199 = tpu.memref_slice %arg8[%add3A_100, %dma_start3A_198] : memref<10240x128xf32, #tpu.memory_space<vmem_shared>> -> memref<80x128xf32, #tpu.memory_space<vmem_shared>>
      tpu.enqueue_dma source(%arg14 : memref<80x128xf32, #tpu.memory_space<vmem>>) target(%dma_start3A_199 : memref<80x128xf32, #tpu.memory_space<vmem_shared>>) target_semaphore(%run_scoped3A : memref<!tpu.dma_semaphore, #tpu.memory_space<semaphore_mem>>)
      %dma_wait3A_200 = arith.constant 0 : i32
      %dma_wait3A_201 = tpu.memref_slice %arg8[%add3A_100, %dma_wait3A_200] : memref<10240x128xf32, #tpu.memory_space<vmem_shared>> -> memref<80x128xf32, #tpu.memory_space<vmem_shared>>
      %dma_wait3A_202 = arith.constant 0 : i32
      %dma_wait3A_203 = tpu.memref_slice %arg8[%add3A_100, %dma_wait3A_202] : memref<10240x128xf32, #tpu.memory_space<vmem_shared>> -> memref<80x128xf32, #tpu.memory_space<vmem_shared>>
      tpu.wait_dma2 semaphore(%run_scoped3A : memref<!tpu.dma_semaphore, #tpu.memory_space<semaphore_mem>>) src(%arg14 : memref<80x128xf32, #tpu.memory_space<vmem>>) dst(%dma_wait3A_203 : memref<80x128xf32, #tpu.memory_space<vmem_shared>>)
      tpu.yield
    }) : () -> ()
    %add3A_101 = arith.constant 160 : i32
    %add3A_102 = arith.addi %mul3A_0, %add3A_101 : i32
    "tpu.region"() ({
      %run_scoped3A = tpu.sem_alloc : memref<!tpu.dma_semaphore, #tpu.memory_space<semaphore_mem>>
      %dma_start3A_196 = arith.constant 0 : i32
      %dma_start3A_197 = tpu.memref_slice %arg8[%add3A_102, %dma_start3A_196] : memref<10240x128xf32, #tpu.memory_space<vmem_shared>> -> memref<80x128xf32, #tpu.memory_space<vmem_shared>>
      %dma_start3A_198 = arith.constant 0 : i32
      %dma_start3A_199 = tpu.memref_slice %arg8[%add3A_102, %dma_start3A_198] : memref<10240x128xf32, #tpu.memory_space<vmem_shared>> -> memref<80x128xf32, #tpu.memory_space<vmem_shared>>
      tpu.enqueue_dma source(%arg14 : memref<80x128xf32, #tpu.memory_space<vmem>>) target(%dma_start3A_199 : memref<80x128xf32, #tpu.memory_space<vmem_shared>>) target_semaphore(%run_scoped3A : memref<!tpu.dma_semaphore, #tpu.memory_space<semaphore_mem>>)
      %dma_wait3A_200 = arith.constant 0 : i32
      %dma_wait3A_201 = tpu.memref_slice %arg8[%add3A_102, %dma_wait3A_200] : memref<10240x128xf32, #tpu.memory_space<vmem_shared>> -> memref<80x128xf32, #tpu.memory_space<vmem_shared>>
      %dma_wait3A_202 = arith.constant 0 : i32
      %dma_wait3A_203 = tpu.memref_slice %arg8[%add3A_102, %dma_wait3A_202] : memref<10240x128xf32, #tpu.memory_space<vmem_shared>> -> memref<80x128xf32, #tpu.memory_space<vmem_shared>>
      tpu.wait_dma2 semaphore(%run_scoped3A : memref<!tpu.dma_semaphore, #tpu.memory_space<semaphore_mem>>) src(%arg14 : memref<80x128xf32, #tpu.memory_space<vmem>>) dst(%dma_wait3A_203 : memref<80x128xf32, #tpu.memory_space<vmem_shared>>)
      tpu.yield
    }) : () -> ()
    %add3A_103 = arith.constant 240 : i32
    %add3A_104 = arith.addi %mul3A_0, %add3A_103 : i32
    "tpu.region"() ({
      %run_scoped3A = tpu.sem_alloc : memref<!tpu.dma_semaphore, #tpu.memory_space<semaphore_mem>>
      %dma_start3A_196 = arith.constant 0 : i32
      %dma_start3A_197 = tpu.memref_slice %arg8[%add3A_104, %dma_start3A_196] : memref<10240x128xf32, #tpu.memory_space<vmem_shared>> -> memref<80x128xf32, #tpu.memory_space<vmem_shared>>
      %dma_start3A_198 = arith.constant 0 : i32
      %dma_start3A_199 = tpu.memref_slice %arg8[%add3A_104, %dma_start3A_198] : memref<10240x128xf32, #tpu.memory_space<vmem_shared>> -> memref<80x128xf32, #tpu.memory_space<vmem_shared>>
      tpu.enqueue_dma source(%arg14 : memref<80x128xf32, #tpu.memory_space<vmem>>) target(%dma_start3A_199 : memref<80x128xf32, #tpu.memory_space<vmem_shared>>) target_semaphore(%run_scoped3A : memref<!tpu.dma_semaphore, #tpu.memory_space<semaphore_mem>>)
      %dma_wait3A_200 = arith.constant 0 : i32
      %dma_wait3A_201 = tpu.memref_slice %arg8[%add3A_104, %dma_wait3A_200] : memref<10240x128xf32, #tpu.memory_space<vmem_shared>> -> memref<80x128xf32, #tpu.memory_space<vmem_shared>>
      %dma_wait3A_202 = arith.constant 0 : i32
      %dma_wait3A_203 = tpu.memref_slice %arg8[%add3A_104, %dma_wait3A_202] : memref<10240x128xf32, #tpu.memory_space<vmem_shared>> -> memref<80x128xf32, #tpu.memory_space<vmem_shared>>
      tpu.wait_dma2 semaphore(%run_scoped3A : memref<!tpu.dma_semaphore, #tpu.memory_space<semaphore_mem>>) src(%arg14 : memref<80x128xf32, #tpu.memory_space<vmem>>) dst(%dma_wait3A_203 : memref<80x128xf32, #tpu.memory_space<vmem_shared>>)
      tpu.yield
    }) : () -> ()
    %add3A_105 = arith.constant 320 : i32
    %add3A_106 = arith.addi %mul3A_0, %add3A_105 : i32
    "tpu.region"() ({
      %run_scoped3A = tpu.sem_alloc : memref<!tpu.dma_semaphore, #tpu.memory_space<semaphore_mem>>
      %dma_start3A_196 = arith.constant 0 : i32
      %dma_start3A_197 = tpu.memref_slice %arg8[%add3A_106, %dma_start3A_196] : memref<10240x128xf32, #tpu.memory_space<vmem_shared>> -> memref<80x128xf32, #tpu.memory_space<vmem_shared>>
      %dma_start3A_198 = arith.constant 0 : i32
      %dma_start3A_199 = tpu.memref_slice %arg8[%add3A_106, %dma_start3A_198] : memref<10240x128xf32, #tpu.memory_space<vmem_shared>> -> memref<80x128xf32, #tpu.memory_space<vmem_shared>>
      tpu.enqueue_dma source(%arg14 : memref<80x128xf32, #tpu.memory_space<vmem>>) target(%dma_start3A_199 : memref<80x128xf32, #tpu.memory_space<vmem_shared>>) target_semaphore(%run_scoped3A : memref<!tpu.dma_semaphore, #tpu.memory_space<semaphore_mem>>)
      %dma_wait3A_200 = arith.constant 0 : i32
      %dma_wait3A_201 = tpu.memref_slice %arg8[%add3A_106, %dma_wait3A_200] : memref<10240x128xf32, #tpu.memory_space<vmem_shared>> -> memref<80x128xf32, #tpu.memory_space<vmem_shared>>
      %dma_wait3A_202 = arith.constant 0 : i32
      %dma_wait3A_203 = tpu.memref_slice %arg8[%add3A_106, %dma_wait3A_202] : memref<10240x128xf32, #tpu.memory_space<vmem_shared>> -> memref<80x128xf32, #tpu.memory_space<vmem_shared>>
      tpu.wait_dma2 semaphore(%run_scoped3A : memref<!tpu.dma_semaphore, #tpu.memory_space<semaphore_mem>>) src(%arg14 : memref<80x128xf32, #tpu.memory_space<vmem>>) dst(%dma_wait3A_203 : memref<80x128xf32, #tpu.memory_space<vmem_shared>>)
      tpu.yield
    }) : () -> ()
    %add3A_107 = arith.constant 400 : i32
    %add3A_108 = arith.addi %mul3A_0, %add3A_107 : i32
    "tpu.region"() ({
      %run_scoped3A = tpu.sem_alloc : memref<!tpu.dma_semaphore, #tpu.memory_space<semaphore_mem>>
      %dma_start3A_196 = arith.constant 0 : i32
      %dma_start3A_197 = tpu.memref_slice %arg8[%add3A_108, %dma_start3A_196] : memref<10240x128xf32, #tpu.memory_space<vmem_shared>> -> memref<80x128xf32, #tpu.memory_space<vmem_shared>>
      %dma_start3A_198 = arith.constant 0 : i32
      %dma_start3A_199 = tpu.memref_slice %arg8[%add3A_108, %dma_start3A_198] : memref<10240x128xf32, #tpu.memory_space<vmem_shared>> -> memref<80x128xf32, #tpu.memory_space<vmem_shared>>
      tpu.enqueue_dma source(%arg14 : memref<80x128xf32, #tpu.memory_space<vmem>>) target(%dma_start3A_199 : memref<80x128xf32, #tpu.memory_space<vmem_shared>>) target_semaphore(%run_scoped3A : memref<!tpu.dma_semaphore, #tpu.memory_space<semaphore_mem>>)
      %dma_wait3A_200 = arith.constant 0 : i32
      %dma_wait3A_201 = tpu.memref_slice %arg8[%add3A_108, %dma_wait3A_200] : memref<10240x128xf32, #tpu.memory_space<vmem_shared>> -> memref<80x128xf32, #tpu.memory_space<vmem_shared>>
      %dma_wait3A_202 = arith.constant 0 : i32
      %dma_wait3A_203 = tpu.memref_slice %arg8[%add3A_108, %dma_wait3A_202] : memref<10240x128xf32, #tpu.memory_space<vmem_shared>> -> memref<80x128xf32, #tpu.memory_space<vmem_shared>>
      tpu.wait_dma2 semaphore(%run_scoped3A : memref<!tpu.dma_semaphore, #tpu.memory_space<semaphore_mem>>) src(%arg14 : memref<80x128xf32, #tpu.memory_space<vmem>>) dst(%dma_wait3A_203 : memref<80x128xf32, #tpu.memory_space<vmem_shared>>)
      tpu.yield
    }) : () -> ()
    %add3A_109 = arith.constant 480 : i32
    %add3A_110 = arith.addi %mul3A_0, %add3A_109 : i32
    "tpu.region"() ({
      %run_scoped3A = tpu.sem_alloc : memref<!tpu.dma_semaphore, #tpu.memory_space<semaphore_mem>>
      %dma_start3A_196 = arith.constant 0 : i32
      %dma_start3A_197 = tpu.memref_slice %arg8[%add3A_110, %dma_start3A_196] : memref<10240x128xf32, #tpu.memory_space<vmem_shared>> -> memref<80x128xf32, #tpu.memory_space<vmem_shared>>
      %dma_start3A_198 = arith.constant 0 : i32
      %dma_start3A_199 = tpu.memref_slice %arg8[%add3A_110, %dma_start3A_198] : memref<10240x128xf32, #tpu.memory_space<vmem_shared>> -> memref<80x128xf32, #tpu.memory_space<vmem_shared>>
      tpu.enqueue_dma source(%arg14 : memref<80x128xf32, #tpu.memory_space<vmem>>) target(%dma_start3A_199 : memref<80x128xf32, #tpu.memory_space<vmem_shared>>) target_semaphore(%run_scoped3A : memref<!tpu.dma_semaphore, #tpu.memory_space<semaphore_mem>>)
      %dma_wait3A_200 = arith.constant 0 : i32
      %dma_wait3A_201 = tpu.memref_slice %arg8[%add3A_110, %dma_wait3A_200] : memref<10240x128xf32, #tpu.memory_space<vmem_shared>> -> memref<80x128xf32, #tpu.memory_space<vmem_shared>>
      %dma_wait3A_202 = arith.constant 0 : i32
      %dma_wait3A_203 = tpu.memref_slice %arg8[%add3A_110, %dma_wait3A_202] : memref<10240x128xf32, #tpu.memory_space<vmem_shared>> -> memref<80x128xf32, #tpu.memory_space<vmem_shared>>
      tpu.wait_dma2 semaphore(%run_scoped3A : memref<!tpu.dma_semaphore, #tpu.memory_space<semaphore_mem>>) src(%arg14 : memref<80x128xf32, #tpu.memory_space<vmem>>) dst(%dma_wait3A_203 : memref<80x128xf32, #tpu.memory_space<vmem_shared>>)
      tpu.yield
    }) : () -> ()
    %add3A_111 = arith.constant 560 : i32
    %add3A_112 = arith.addi %mul3A_0, %add3A_111 : i32
    "tpu.region"() ({
      %run_scoped3A = tpu.sem_alloc : memref<!tpu.dma_semaphore, #tpu.memory_space<semaphore_mem>>
      %dma_start3A_196 = arith.constant 0 : i32
      %dma_start3A_197 = tpu.memref_slice %arg8[%add3A_112, %dma_start3A_196] : memref<10240x128xf32, #tpu.memory_space<vmem_shared>> -> memref<80x128xf32, #tpu.memory_space<vmem_shared>>
      %dma_start3A_198 = arith.constant 0 : i32
      %dma_start3A_199 = tpu.memref_slice %arg8[%add3A_112, %dma_start3A_198] : memref<10240x128xf32, #tpu.memory_space<vmem_shared>> -> memref<80x128xf32, #tpu.memory_space<vmem_shared>>
      tpu.enqueue_dma source(%arg14 : memref<80x128xf32, #tpu.memory_space<vmem>>) target(%dma_start3A_199 : memref<80x128xf32, #tpu.memory_space<vmem_shared>>) target_semaphore(%run_scoped3A : memref<!tpu.dma_semaphore, #tpu.memory_space<semaphore_mem>>)
      %dma_wait3A_200 = arith.constant 0 : i32
      %dma_wait3A_201 = tpu.memref_slice %arg8[%add3A_112, %dma_wait3A_200] : memref<10240x128xf32, #tpu.memory_space<vmem_shared>> -> memref<80x128xf32, #tpu.memory_space<vmem_shared>>
      %dma_wait3A_202 = arith.constant 0 : i32
      %dma_wait3A_203 = tpu.memref_slice %arg8[%add3A_112, %dma_wait3A_202] : memref<10240x128xf32, #tpu.memory_space<vmem_shared>> -> memref<80x128xf32, #tpu.memory_space<vmem_shared>>
      tpu.wait_dma2 semaphore(%run_scoped3A : memref<!tpu.dma_semaphore, #tpu.memory_space<semaphore_mem>>) src(%arg14 : memref<80x128xf32, #tpu.memory_space<vmem>>) dst(%dma_wait3A_203 : memref<80x128xf32, #tpu.memory_space<vmem_shared>>)
      tpu.yield
    }) : () -> ()
    %barrier3A = arith.constant 0 : index
    tpu.barrier barrier_id(%barrier3A)
    %add3A_113 = arith.constant 0 : i32
    %add3A_114 = arith.addi %mul3A_4, %add3A_113 : i32
    %dma_start3A = tpu.memref_slice %arg4[%add3A_114] : memref<320000xi32, #tpu.memory_space<hbm>> -> memref<80xi32, #tpu.memory_space<hbm>>
    %dma_start3A_115 = tpu.memref_slice %arg4[%add3A_114] : memref<320000xi32, #tpu.memory_space<hbm>> -> memref<80xi32, #tpu.memory_space<hbm>>
    tpu.enqueue_dma source(%dma_start3A_115 : memref<80xi32, #tpu.memory_space<hbm>>) target(%arg11 : memref<80xi32, #tpu.memory_space<vmem>>) target_semaphore(%arg22 : memref<!tpu.dma_semaphore, #tpu.memory_space<semaphore_mem>>)
    %dma_start3A_116 = arith.constant 0 : i32
    %dma_start3A_117 = tpu.memref_slice %arg10[%dma_start3A_116] : memref<10000xi32, #tpu.memory_space<vmem>> -> memref<80xi32, #tpu.memory_space<vmem>>
    %dma_start3A_118 = arith.constant 0 : i32
    %dma_start3A_119 = arith.constant 0 : i32
    %dma_start3A_120 = tpu.memref_slice %arg2[%dma_start3A_118, %dma_start3A_119] : memref<10000x128xf32, #tpu.memory_space<hbm>> -> memref<10000x128xf32, #tpu.memory_space<hbm>>
    tpu.enqueue_indirect_dma source(%dma_start3A_120 : memref<10000x128xf32, #tpu.memory_space<hbm>>) target(%arg14 : memref<80x128xf32, #tpu.memory_space<vmem>>) offsets(%dma_start3A_117 : memref<80xi32, #tpu.memory_space<vmem>>) semaphore(%arg19 : memref<!tpu.dma_semaphore, #tpu.memory_space<semaphore_mem>>)
    %add3A_121 = arith.constant 80 : i32
    %add3A_122 = arith.addi %mul3A_4, %add3A_121 : i32
    %dma_start3A_123 = tpu.memref_slice %arg4[%add3A_122] : memref<320000xi32, #tpu.memory_space<hbm>> -> memref<80xi32, #tpu.memory_space<hbm>>
    %dma_start3A_124 = tpu.memref_slice %arg4[%add3A_122] : memref<320000xi32, #tpu.memory_space<hbm>> -> memref<80xi32, #tpu.memory_space<hbm>>
    tpu.enqueue_dma source(%dma_start3A_124 : memref<80xi32, #tpu.memory_space<hbm>>) target(%arg12 : memref<80xi32, #tpu.memory_space<vmem>>) target_semaphore(%arg23 : memref<!tpu.dma_semaphore, #tpu.memory_space<semaphore_mem>>)
    %dma_start3A_125 = arith.constant 80 : i32
    %dma_start3A_126 = tpu.memref_slice %arg10[%dma_start3A_125] : memref<10000xi32, #tpu.memory_space<vmem>> -> memref<80xi32, #tpu.memory_space<vmem>>
    %dma_start3A_127 = arith.constant 0 : i32
    %dma_start3A_128 = arith.constant 0 : i32
    %dma_start3A_129 = tpu.memref_slice %arg2[%dma_start3A_127, %dma_start3A_128] : memref<10000x128xf32, #tpu.memory_space<hbm>> -> memref<10000x128xf32, #tpu.memory_space<hbm>>
    tpu.enqueue_indirect_dma source(%dma_start3A_129 : memref<10000x128xf32, #tpu.memory_space<hbm>>) target(%arg15 : memref<80x128xf32, #tpu.memory_space<vmem>>) offsets(%dma_start3A_126 : memref<80xi32, #tpu.memory_space<vmem>>) semaphore(%arg20 : memref<!tpu.dma_semaphore, #tpu.memory_space<semaphore_mem>>)
    %add3A_130 = arith.constant 160 : i32
    %add3A_131 = arith.addi %mul3A_4, %add3A_130 : i32
    %dma_start3A_132 = tpu.memref_slice %arg4[%add3A_131] : memref<320000xi32, #tpu.memory_space<hbm>> -> memref<80xi32, #tpu.memory_space<hbm>>
    %dma_start3A_133 = tpu.memref_slice %arg4[%add3A_131] : memref<320000xi32, #tpu.memory_space<hbm>> -> memref<80xi32, #tpu.memory_space<hbm>>
    tpu.enqueue_dma source(%dma_start3A_133 : memref<80xi32, #tpu.memory_space<hbm>>) target(%arg13 : memref<80xi32, #tpu.memory_space<vmem>>) target_semaphore(%arg24 : memref<!tpu.dma_semaphore, #tpu.memory_space<semaphore_mem>>)
    %dma_start3A_134 = arith.constant 160 : i32
    %dma_start3A_135 = tpu.memref_slice %arg10[%dma_start3A_134] : memref<10000xi32, #tpu.memory_space<vmem>> -> memref<80xi32, #tpu.memory_space<vmem>>
    %dma_start3A_136 = arith.constant 0 : i32
    %dma_start3A_137 = arith.constant 0 : i32
    %dma_start3A_138 = tpu.memref_slice %arg2[%dma_start3A_136, %dma_start3A_137] : memref<10000x128xf32, #tpu.memory_space<hbm>> -> memref<10000x128xf32, #tpu.memory_space<hbm>>
    tpu.enqueue_indirect_dma source(%dma_start3A_138 : memref<10000x128xf32, #tpu.memory_space<hbm>>) target(%arg16 : memref<80x128xf32, #tpu.memory_space<vmem>>) offsets(%dma_start3A_135 : memref<80xi32, #tpu.memory_space<vmem>>) semaphore(%arg21 : memref<!tpu.dma_semaphore, #tpu.memory_space<semaphore_mem>>)
    %scan3A = arith.constant 0 : i32
    %scan3A_139 = arith.constant 0 : i32
    %scan3A_140 = arith.constant 41 : i32
    %scan3A_141 = arith.addi %scan3A_139, %scan3A_140 : i32
    %scan3A_142 = arith.constant 1 : i32
    scf.for %scan3A_196 = %scan3A_139 to %scan3A_141 step %scan3A_142  : i32 {
      %mul3A_197 = arith.constant 3 : i32
      %mul3A_198 = arith.muli %mul3A_197, %scan3A_196 : i32
      %add3A_199 = arith.constant 0 : i32
      %add3A_200 = arith.addi %mul3A_198, %add3A_199 : i32
      %dma_wait3A_201 = arith.constant 0 : i32
      %dma_wait3A_202 = tpu.memref_slice %arg4[%dma_wait3A_201] : memref<320000xi32, #tpu.memory_space<hbm>> -> memref<80xi32, #tpu.memory_space<hbm>>
      %dma_wait3A_203 = arith.constant 0 : i32
      %dma_wait3A_204 = tpu.memref_slice %arg4[%dma_wait3A_203] : memref<320000xi32, #tpu.memory_space<hbm>> -> memref<80xi32, #tpu.memory_space<hbm>>
      tpu.wait_dma2 semaphore(%arg22 : memref<!tpu.dma_semaphore, #tpu.memory_space<semaphore_mem>>) src(%dma_wait3A_204 : memref<80xi32, #tpu.memory_space<hbm>>) dst(%arg11 : memref<80xi32, #tpu.memory_space<vmem>>)
      %dma_wait3A_205 = arith.constant 0 : i32
      %dma_wait3A_206 = arith.constant 0 : i32
      %dma_wait3A_207 = tpu.memref_slice %arg2[%dma_wait3A_205, %dma_wait3A_206] : memref<10000x128xf32, #tpu.memory_space<hbm>> -> memref<80x128xf32, #tpu.memory_space<hbm>>
      %dma_wait3A_208 = arith.constant 0 : i32
      %dma_wait3A_209 = arith.constant 0 : i32
      %dma_wait3A_210 = tpu.memref_slice %arg2[%dma_wait3A_208, %dma_wait3A_209] : memref<10000x128xf32, #tpu.memory_space<hbm>> -> memref<80x128xf32, #tpu.memory_space<hbm>>
      tpu.wait_dma2 semaphore(%arg19 : memref<!tpu.dma_semaphore, #tpu.memory_space<semaphore_mem>>) src(%dma_wait3A_210 : memref<80x128xf32, #tpu.memory_space<hbm>>) dst(%arg14 : memref<80x128xf32, #tpu.memory_space<vmem>>)
      "tpu.region"() ({
        %run_scoped3A = tpu.sem_alloc : memref<!tpu.dma_semaphore, #tpu.memory_space<semaphore_mem>>
        %dma_start3A_257 = arith.constant 0 : i32
        %dma_start3A_258 = arith.constant 0 : i32
        %dma_start3A_259 = tpu.memref_slice %arg8[%dma_start3A_257, %dma_start3A_258] : memref<10240x128xf32, #tpu.memory_space<vmem_shared>> -> memref<10240x128xf32, #tpu.memory_space<vmem_shared>>
        tpu.enqueue_indirect_dma source(%arg14 : memref<80x128xf32, #tpu.memory_space<vmem>>) target(%dma_start3A_259 : memref<10240x128xf32, #tpu.memory_space<vmem_shared>>) offsets(%arg11 : memref<80xi32, #tpu.memory_space<vmem>>) semaphore(%run_scoped3A : memref<!tpu.dma_semaphore, #tpu.memory_space<semaphore_mem>>) {add = true}
        %dma_wait3A_260 = arith.constant 0 : i32
        %dma_wait3A_261 = arith.constant 0 : i32
        %dma_wait3A_262 = tpu.memref_slice %arg8[%dma_wait3A_260, %dma_wait3A_261] : memref<10240x128xf32, #tpu.memory_space<vmem_shared>> -> memref<10240x128xf32, #tpu.memory_space<vmem_shared>>
        tpu.wait_indirect_dma semaphore(%run_scoped3A : memref<!tpu.dma_semaphore, #tpu.memory_space<semaphore_mem>>) src(%arg14 : memref<80x128xf32, #tpu.memory_space<vmem>>) dst(%dma_wait3A_262 : memref<10240x128xf32, #tpu.memory_space<vmem_shared>>)
        tpu.yield
      }) : () -> ()
      "tpu.region"() ({
        %run_scoped3A = tpu.sem_alloc : memref<!tpu.dma_semaphore, #tpu.memory_space<semaphore_mem>>
        %dma_start3A_257 = arith.constant 0 : i32
        %dma_start3A_258 = tpu.memref_slice %arg9[%dma_start3A_257] : memref<10240xf32, #tpu.memory_space<vmem_shared>> -> memref<10240xf32, #tpu.memory_space<vmem_shared>>
        tpu.enqueue_indirect_dma source(%arg17 : memref<80xf32, #tpu.memory_space<vmem>>) target(%dma_start3A_258 : memref<10240xf32, #tpu.memory_space<vmem_shared>>) offsets(%arg11 : memref<80xi32, #tpu.memory_space<vmem>>) semaphore(%run_scoped3A : memref<!tpu.dma_semaphore, #tpu.memory_space<semaphore_mem>>) {add = true}
        %dma_wait3A_259 = arith.constant 0 : i32
        %dma_wait3A_260 = tpu.memref_slice %arg9[%dma_wait3A_259] : memref<10240xf32, #tpu.memory_space<vmem_shared>> -> memref<10240xf32, #tpu.memory_space<vmem_shared>>
        tpu.wait_indirect_dma semaphore(%run_scoped3A : memref<!tpu.dma_semaphore, #tpu.memory_space<semaphore_mem>>) src(%arg17 : memref<80xf32, #tpu.memory_space<vmem>>) dst(%dma_wait3A_260 : memref<10240xf32, #tpu.memory_space<vmem_shared>>)
        tpu.yield
      }) : () -> ()
      %add3A_211 = arith.constant 3 : i32
      %add3A_212 = arith.addi %add3A_200, %add3A_211 : i32
      %lt3A = arith.constant 125 : i32
      %lt3A_213 = arith.cmpi slt, %add3A_212, %lt3A : i32
      %convert_element_type3A = arith.extui %lt3A_213 : i1 to i32
      %cond3A = arith.constant 0 : i32
      %cond3A_214 = arith.cmpi ne, %convert_element_type3A, %cond3A : i32
      scf.if %cond3A_214 {
        %mul3A_257 = arith.constant 80 : i32
        %mul3A_258 = arith.muli %add3A_212, %mul3A_257 : i32
        %add3A_259 = arith.addi %mul3A_4, %mul3A_258 : i32
        %dma_start3A_260 = tpu.memref_slice %arg4[%add3A_259] : memref<320000xi32, #tpu.memory_space<hbm>> -> memref<80xi32, #tpu.memory_space<hbm>>
        %dma_start3A_261 = tpu.memref_slice %arg4[%add3A_259] : memref<320000xi32, #tpu.memory_space<hbm>> -> memref<80xi32, #tpu.memory_space<hbm>>
        tpu.enqueue_dma source(%dma_start3A_261 : memref<80xi32, #tpu.memory_space<hbm>>) target(%arg11 : memref<80xi32, #tpu.memory_space<vmem>>) target_semaphore(%arg22 : memref<!tpu.dma_semaphore, #tpu.memory_space<semaphore_mem>>)
        %mul3A_262 = arith.constant 80 : i32
        %mul3A_263 = arith.muli %add3A_212, %mul3A_262 : i32
        %dma_start3A_264 = tpu.memref_slice %arg10[%mul3A_263] : memref<10000xi32, #tpu.memory_space<vmem>> -> memref<80xi32, #tpu.memory_space<vmem>>
        %dma_start3A_265 = arith.constant 0 : i32
        %dma_start3A_266 = arith.constant 0 : i32
        %dma_start3A_267 = tpu.memref_slice %arg2[%dma_start3A_265, %dma_start3A_266] : memref<10000x128xf32, #tpu.memory_space<hbm>> -> memref<10000x128xf32, #tpu.memory_space<hbm>>
        tpu.enqueue_indirect_dma source(%dma_start3A_267 : memref<10000x128xf32, #tpu.memory_space<hbm>>) target(%arg14 : memref<80x128xf32, #tpu.memory_space<vmem>>) offsets(%dma_start3A_264 : memref<80xi32, #tpu.memory_space<vmem>>) semaphore(%arg19 : memref<!tpu.dma_semaphore, #tpu.memory_space<semaphore_mem>>)
      } else {
      }
      %mul3A_215 = arith.constant 3 : i32
      %mul3A_216 = arith.muli %mul3A_215, %scan3A_196 : i32
      %add3A_217 = arith.constant 1 : i32
      %add3A_218 = arith.addi %mul3A_216, %add3A_217 : i32
      %dma_wait3A_219 = arith.constant 0 : i32
      %dma_wait3A_220 = tpu.memref_slice %arg4[%dma_wait3A_219] : memref<320000xi32, #tpu.memory_space<hbm>> -> memref<80xi32, #tpu.memory_space<hbm>>
      %dma_wait3A_221 = arith.constant 0 : i32
      %dma_wait3A_222 = tpu.memref_slice %arg4[%dma_wait3A_221] : memref<320000xi32, #tpu.memory_space<hbm>> -> memref<80xi32, #tpu.memory_space<hbm>>
      tpu.wait_dma2 semaphore(%arg23 : memref<!tpu.dma_semaphore, #tpu.memory_space<semaphore_mem>>) src(%dma_wait3A_222 : memref<80xi32, #tpu.memory_space<hbm>>) dst(%arg12 : memref<80xi32, #tpu.memory_space<vmem>>)
      %dma_wait3A_223 = arith.constant 0 : i32
      %dma_wait3A_224 = arith.constant 0 : i32
      %dma_wait3A_225 = tpu.memref_slice %arg2[%dma_wait3A_223, %dma_wait3A_224] : memref<10000x128xf32, #tpu.memory_space<hbm>> -> memref<80x128xf32, #tpu.memory_space<hbm>>
      %dma_wait3A_226 = arith.constant 0 : i32
      %dma_wait3A_227 = arith.constant 0 : i32
      %dma_wait3A_228 = tpu.memref_slice %arg2[%dma_wait3A_226, %dma_wait3A_227] : memref<10000x128xf32, #tpu.memory_space<hbm>> -> memref<80x128xf32, #tpu.memory_space<hbm>>
      tpu.wait_dma2 semaphore(%arg20 : memref<!tpu.dma_semaphore, #tpu.memory_space<semaphore_mem>>) src(%dma_wait3A_228 : memref<80x128xf32, #tpu.memory_space<hbm>>) dst(%arg15 : memref<80x128xf32, #tpu.memory_space<vmem>>)
      "tpu.region"() ({
        %run_scoped3A = tpu.sem_alloc : memref<!tpu.dma_semaphore, #tpu.memory_space<semaphore_mem>>
        %dma_start3A_257 = arith.constant 0 : i32
        %dma_start3A_258 = arith.constant 0 : i32
        %dma_start3A_259 = tpu.memref_slice %arg8[%dma_start3A_257, %dma_start3A_258] : memref<10240x128xf32, #tpu.memory_space<vmem_shared>> -> memref<10240x128xf32, #tpu.memory_space<vmem_shared>>
        tpu.enqueue_indirect_dma source(%arg15 : memref<80x128xf32, #tpu.memory_space<vmem>>) target(%dma_start3A_259 : memref<10240x128xf32, #tpu.memory_space<vmem_shared>>) offsets(%arg12 : memref<80xi32, #tpu.memory_space<vmem>>) semaphore(%run_scoped3A : memref<!tpu.dma_semaphore, #tpu.memory_space<semaphore_mem>>) {add = true}
        %dma_wait3A_260 = arith.constant 0 : i32
        %dma_wait3A_261 = arith.constant 0 : i32
        %dma_wait3A_262 = tpu.memref_slice %arg8[%dma_wait3A_260, %dma_wait3A_261] : memref<10240x128xf32, #tpu.memory_space<vmem_shared>> -> memref<10240x128xf32, #tpu.memory_space<vmem_shared>>
        tpu.wait_indirect_dma semaphore(%run_scoped3A : memref<!tpu.dma_semaphore, #tpu.memory_space<semaphore_mem>>) src(%arg15 : memref<80x128xf32, #tpu.memory_space<vmem>>) dst(%dma_wait3A_262 : memref<10240x128xf32, #tpu.memory_space<vmem_shared>>)
        tpu.yield
      }) : () -> ()
      "tpu.region"() ({
        %run_scoped3A = tpu.sem_alloc : memref<!tpu.dma_semaphore, #tpu.memory_space<semaphore_mem>>
        %dma_start3A_257 = arith.constant 0 : i32
        %dma_start3A_258 = tpu.memref_slice %arg9[%dma_start3A_257] : memref<10240xf32, #tpu.memory_space<vmem_shared>> -> memref<10240xf32, #tpu.memory_space<vmem_shared>>
        tpu.enqueue_indirect_dma source(%arg17 : memref<80xf32, #tpu.memory_space<vmem>>) target(%dma_start3A_258 : memref<10240xf32, #tpu.memory_space<vmem_shared>>) offsets(%arg12 : memref<80xi32, #tpu.memory_space<vmem>>) semaphore(%run_scoped3A : memref<!tpu.dma_semaphore, #tpu.memory_space<semaphore_mem>>) {add = true}
        %dma_wait3A_259 = arith.constant 0 : i32
        %dma_wait3A_260 = tpu.memref_slice %arg9[%dma_wait3A_259] : memref<10240xf32, #tpu.memory_space<vmem_shared>> -> memref<10240xf32, #tpu.memory_space<vmem_shared>>
        tpu.wait_indirect_dma semaphore(%run_scoped3A : memref<!tpu.dma_semaphore, #tpu.memory_space<semaphore_mem>>) src(%arg17 : memref<80xf32, #tpu.memory_space<vmem>>) dst(%dma_wait3A_260 : memref<10240xf32, #tpu.memory_space<vmem_shared>>)
        tpu.yield
      }) : () -> ()
      %add3A_229 = arith.constant 3 : i32
      %add3A_230 = arith.addi %add3A_218, %add3A_229 : i32
      %lt3A_231 = arith.constant 125 : i32
      %lt3A_232 = arith.cmpi slt, %add3A_230, %lt3A_231 : i32
      %convert_element_type3A_233 = arith.extui %lt3A_232 : i1 to i32
      %cond3A_234 = arith.constant 0 : i32
      %cond3A_235 = arith.cmpi ne, %convert_element_type3A_233, %cond3A_234 : i32
      scf.if %cond3A_235 {
        %mul3A_257 = arith.constant 80 : i32
        %mul3A_258 = arith.muli %add3A_230, %mul3A_257 : i32
        %add3A_259 = arith.addi %mul3A_4, %mul3A_258 : i32
        %dma_start3A_260 = tpu.memref_slice %arg4[%add3A_259] : memref<320000xi32, #tpu.memory_space<hbm>> -> memref<80xi32, #tpu.memory_space<hbm>>
        %dma_start3A_261 = tpu.memref_slice %arg4[%add3A_259] : memref<320000xi32, #tpu.memory_space<hbm>> -> memref<80xi32, #tpu.memory_space<hbm>>
        tpu.enqueue_dma source(%dma_start3A_261 : memref<80xi32, #tpu.memory_space<hbm>>) target(%arg12 : memref<80xi32, #tpu.memory_space<vmem>>) target_semaphore(%arg23 : memref<!tpu.dma_semaphore, #tpu.memory_space<semaphore_mem>>)
        %mul3A_262 = arith.constant 80 : i32
        %mul3A_263 = arith.muli %add3A_230, %mul3A_262 : i32
        %dma_start3A_264 = tpu.memref_slice %arg10[%mul3A_263] : memref<10000xi32, #tpu.memory_space<vmem>> -> memref<80xi32, #tpu.memory_space<vmem>>
        %dma_start3A_265 = arith.constant 0 : i32
        %dma_start3A_266 = arith.constant 0 : i32
        %dma_start3A_267 = tpu.memref_slice %arg2[%dma_start3A_265, %dma_start3A_266] : memref<10000x128xf32, #tpu.memory_space<hbm>> -> memref<10000x128xf32, #tpu.memory_space<hbm>>
        tpu.enqueue_indirect_dma source(%dma_start3A_267 : memref<10000x128xf32, #tpu.memory_space<hbm>>) target(%arg15 : memref<80x128xf32, #tpu.memory_space<vmem>>) offsets(%dma_start3A_264 : memref<80xi32, #tpu.memory_space<vmem>>) semaphore(%arg20 : memref<!tpu.dma_semaphore, #tpu.memory_space<semaphore_mem>>)
      } else {
      }
      %mul3A_236 = arith.constant 3 : i32
      %mul3A_237 = arith.muli %mul3A_236, %scan3A_196 : i32
      %add3A_238 = arith.constant 2 : i32
      %add3A_239 = arith.addi %mul3A_237, %add3A_238 : i32
      %dma_wait3A_240 = arith.constant 0 : i32
      %dma_wait3A_241 = tpu.memref_slice %arg4[%dma_wait3A_240] : memref<320000xi32, #tpu.memory_space<hbm>> -> memref<80xi32, #tpu.memory_space<hbm>>
      %dma_wait3A_242 = arith.constant 0 : i32
      %dma_wait3A_243 = tpu.memref_slice %arg4[%dma_wait3A_242] : memref<320000xi32, #tpu.memory_space<hbm>> -> memref<80xi32, #tpu.memory_space<hbm>>
      tpu.wait_dma2 semaphore(%arg24 : memref<!tpu.dma_semaphore, #tpu.memory_space<semaphore_mem>>) src(%dma_wait3A_243 : memref<80xi32, #tpu.memory_space<hbm>>) dst(%arg13 : memref<80xi32, #tpu.memory_space<vmem>>)
      %dma_wait3A_244 = arith.constant 0 : i32
      %dma_wait3A_245 = arith.constant 0 : i32
      %dma_wait3A_246 = tpu.memref_slice %arg2[%dma_wait3A_244, %dma_wait3A_245] : memref<10000x128xf32, #tpu.memory_space<hbm>> -> memref<80x128xf32, #tpu.memory_space<hbm>>
      %dma_wait3A_247 = arith.constant 0 : i32
      %dma_wait3A_248 = arith.constant 0 : i32
      %dma_wait3A_249 = tpu.memref_slice %arg2[%dma_wait3A_247, %dma_wait3A_248] : memref<10000x128xf32, #tpu.memory_space<hbm>> -> memref<80x128xf32, #tpu.memory_space<hbm>>
      tpu.wait_dma2 semaphore(%arg21 : memref<!tpu.dma_semaphore, #tpu.memory_space<semaphore_mem>>) src(%dma_wait3A_249 : memref<80x128xf32, #tpu.memory_space<hbm>>) dst(%arg16 : memref<80x128xf32, #tpu.memory_space<vmem>>)
      "tpu.region"() ({
        %run_scoped3A = tpu.sem_alloc : memref<!tpu.dma_semaphore, #tpu.memory_space<semaphore_mem>>
        %dma_start3A_257 = arith.constant 0 : i32
        %dma_start3A_258 = arith.constant 0 : i32
        %dma_start3A_259 = tpu.memref_slice %arg8[%dma_start3A_257, %dma_start3A_258] : memref<10240x128xf32, #tpu.memory_space<vmem_shared>> -> memref<10240x128xf32, #tpu.memory_space<vmem_shared>>
        tpu.enqueue_indirect_dma source(%arg16 : memref<80x128xf32, #tpu.memory_space<vmem>>) target(%dma_start3A_259 : memref<10240x128xf32, #tpu.memory_space<vmem_shared>>) offsets(%arg13 : memref<80xi32, #tpu.memory_space<vmem>>) semaphore(%run_scoped3A : memref<!tpu.dma_semaphore, #tpu.memory_space<semaphore_mem>>) {add = true}
        %dma_wait3A_260 = arith.constant 0 : i32
        %dma_wait3A_261 = arith.constant 0 : i32
        %dma_wait3A_262 = tpu.memref_slice %arg8[%dma_wait3A_260, %dma_wait3A_261] : memref<10240x128xf32, #tpu.memory_space<vmem_shared>> -> memref<10240x128xf32, #tpu.memory_space<vmem_shared>>
        tpu.wait_indirect_dma semaphore(%run_scoped3A : memref<!tpu.dma_semaphore, #tpu.memory_space<semaphore_mem>>) src(%arg16 : memref<80x128xf32, #tpu.memory_space<vmem>>) dst(%dma_wait3A_262 : memref<10240x128xf32, #tpu.memory_space<vmem_shared>>)
        tpu.yield
      }) : () -> ()
      "tpu.region"() ({
        %run_scoped3A = tpu.sem_alloc : memref<!tpu.dma_semaphore, #tpu.memory_space<semaphore_mem>>
        %dma_start3A_257 = arith.constant 0 : i32
        %dma_start3A_258 = tpu.memref_slice %arg9[%dma_start3A_257] : memref<10240xf32, #tpu.memory_space<vmem_shared>> -> memref<10240xf32, #tpu.memory_space<vmem_shared>>
        tpu.enqueue_indirect_dma source(%arg17 : memref<80xf32, #tpu.memory_space<vmem>>) target(%dma_start3A_258 : memref<10240xf32, #tpu.memory_space<vmem_shared>>) offsets(%arg13 : memref<80xi32, #tpu.memory_space<vmem>>) semaphore(%run_scoped3A : memref<!tpu.dma_semaphore, #tpu.memory_space<semaphore_mem>>) {add = true}
        %dma_wait3A_259 = arith.constant 0 : i32
        %dma_wait3A_260 = tpu.memref_slice %arg9[%dma_wait3A_259] : memref<10240xf32, #tpu.memory_space<vmem_shared>> -> memref<10240xf32, #tpu.memory_space<vmem_shared>>
        tpu.wait_indirect_dma semaphore(%run_scoped3A : memref<!tpu.dma_semaphore, #tpu.memory_space<semaphore_mem>>) src(%arg17 : memref<80xf32, #tpu.memory_space<vmem>>) dst(%dma_wait3A_260 : memref<10240xf32, #tpu.memory_space<vmem_shared>>)
        tpu.yield
      }) : () -> ()
      %add3A_250 = arith.constant 3 : i32
      %add3A_251 = arith.addi %add3A_239, %add3A_250 : i32
      %lt3A_252 = arith.constant 125 : i32
      %lt3A_253 = arith.cmpi slt, %add3A_251, %lt3A_252 : i32
      %convert_element_type3A_254 = arith.extui %lt3A_253 : i1 to i32
      %cond3A_255 = arith.constant 0 : i32
      %cond3A_256 = arith.cmpi ne, %convert_element_type3A_254, %cond3A_255 : i32
      scf.if %cond3A_256 {
        %mul3A_257 = arith.constant 80 : i32
        %mul3A_258 = arith.muli %add3A_251, %mul3A_257 : i32
        %add3A_259 = arith.addi %mul3A_4, %mul3A_258 : i32
        %dma_start3A_260 = tpu.memref_slice %arg4[%add3A_259] : memref<320000xi32, #tpu.memory_space<hbm>> -> memref<80xi32, #tpu.memory_space<hbm>>
        %dma_start3A_261 = tpu.memref_slice %arg4[%add3A_259] : memref<320000xi32, #tpu.memory_space<hbm>> -> memref<80xi32, #tpu.memory_space<hbm>>
        tpu.enqueue_dma source(%dma_start3A_261 : memref<80xi32, #tpu.memory_space<hbm>>) target(%arg13 : memref<80xi32, #tpu.memory_space<vmem>>) target_semaphore(%arg24 : memref<!tpu.dma_semaphore, #tpu.memory_space<semaphore_mem>>)
        %mul3A_262 = arith.constant 80 : i32
        %mul3A_263 = arith.muli %add3A_251, %mul3A_262 : i32
        %dma_start3A_264 = tpu.memref_slice %arg10[%mul3A_263] : memref<10000xi32, #tpu.memory_space<vmem>> -> memref<80xi32, #tpu.memory_space<vmem>>
        %dma_start3A_265 = arith.constant 0 : i32
        %dma_start3A_266 = arith.constant 0 : i32
        %dma_start3A_267 = tpu.memref_slice %arg2[%dma_start3A_265, %dma_start3A_266] : memref<10000x128xf32, #tpu.memory_space<hbm>> -> memref<10000x128xf32, #tpu.memory_space<hbm>>
        tpu.enqueue_indirect_dma source(%dma_start3A_267 : memref<10000x128xf32, #tpu.memory_space<hbm>>) target(%arg16 : memref<80x128xf32, #tpu.memory_space<vmem>>) offsets(%dma_start3A_264 : memref<80xi32, #tpu.memory_space<vmem>>) semaphore(%arg21 : memref<!tpu.dma_semaphore, #tpu.memory_space<semaphore_mem>>)
      } else {
      }
    }
    %scan3A_143 = arith.constant 41 : i32
    %dma_wait3A = arith.constant 0 : i32
    %dma_wait3A_144 = tpu.memref_slice %arg4[%dma_wait3A] : memref<320000xi32, #tpu.memory_space<hbm>> -> memref<80xi32, #tpu.memory_space<hbm>>
    %dma_wait3A_145 = arith.constant 0 : i32
    %dma_wait3A_146 = tpu.memref_slice %arg4[%dma_wait3A_145] : memref<320000xi32, #tpu.memory_space<hbm>> -> memref<80xi32, #tpu.memory_space<hbm>>
    tpu.wait_dma2 semaphore(%arg22 : memref<!tpu.dma_semaphore, #tpu.memory_space<semaphore_mem>>) src(%dma_wait3A_146 : memref<80xi32, #tpu.memory_space<hbm>>) dst(%arg11 : memref<80xi32, #tpu.memory_space<vmem>>)
    %dma_wait3A_147 = arith.constant 0 : i32
    %dma_wait3A_148 = arith.constant 0 : i32
    %dma_wait3A_149 = tpu.memref_slice %arg2[%dma_wait3A_147, %dma_wait3A_148] : memref<10000x128xf32, #tpu.memory_space<hbm>> -> memref<80x128xf32, #tpu.memory_space<hbm>>
    %dma_wait3A_150 = arith.constant 0 : i32
    %dma_wait3A_151 = arith.constant 0 : i32
    %dma_wait3A_152 = tpu.memref_slice %arg2[%dma_wait3A_150, %dma_wait3A_151] : memref<10000x128xf32, #tpu.memory_space<hbm>> -> memref<80x128xf32, #tpu.memory_space<hbm>>
    tpu.wait_dma2 semaphore(%arg19 : memref<!tpu.dma_semaphore, #tpu.memory_space<semaphore_mem>>) src(%dma_wait3A_152 : memref<80x128xf32, #tpu.memory_space<hbm>>) dst(%arg14 : memref<80x128xf32, #tpu.memory_space<vmem>>)
    "tpu.region"() ({
      %run_scoped3A = tpu.sem_alloc : memref<!tpu.dma_semaphore, #tpu.memory_space<semaphore_mem>>
      %dma_start3A_196 = arith.constant 0 : i32
      %dma_start3A_197 = arith.constant 0 : i32
      %dma_start3A_198 = tpu.memref_slice %arg8[%dma_start3A_196, %dma_start3A_197] : memref<10240x128xf32, #tpu.memory_space<vmem_shared>> -> memref<10240x128xf32, #tpu.memory_space<vmem_shared>>
      tpu.enqueue_indirect_dma source(%arg14 : memref<80x128xf32, #tpu.memory_space<vmem>>) target(%dma_start3A_198 : memref<10240x128xf32, #tpu.memory_space<vmem_shared>>) offsets(%arg11 : memref<80xi32, #tpu.memory_space<vmem>>) semaphore(%run_scoped3A : memref<!tpu.dma_semaphore, #tpu.memory_space<semaphore_mem>>) {add = true}
      %dma_wait3A_199 = arith.constant 0 : i32
      %dma_wait3A_200 = arith.constant 0 : i32
      %dma_wait3A_201 = tpu.memref_slice %arg8[%dma_wait3A_199, %dma_wait3A_200] : memref<10240x128xf32, #tpu.memory_space<vmem_shared>> -> memref<10240x128xf32, #tpu.memory_space<vmem_shared>>
      tpu.wait_indirect_dma semaphore(%run_scoped3A : memref<!tpu.dma_semaphore, #tpu.memory_space<semaphore_mem>>) src(%arg14 : memref<80x128xf32, #tpu.memory_space<vmem>>) dst(%dma_wait3A_201 : memref<10240x128xf32, #tpu.memory_space<vmem_shared>>)
      tpu.yield
    }) : () -> ()
    "tpu.region"() ({
      %run_scoped3A = tpu.sem_alloc : memref<!tpu.dma_semaphore, #tpu.memory_space<semaphore_mem>>
      %dma_start3A_196 = arith.constant 0 : i32
      %dma_start3A_197 = tpu.memref_slice %arg9[%dma_start3A_196] : memref<10240xf32, #tpu.memory_space<vmem_shared>> -> memref<10240xf32, #tpu.memory_space<vmem_shared>>
      tpu.enqueue_indirect_dma source(%arg17 : memref<80xf32, #tpu.memory_space<vmem>>) target(%dma_start3A_197 : memref<10240xf32, #tpu.memory_space<vmem_shared>>) offsets(%arg11 : memref<80xi32, #tpu.memory_space<vmem>>) semaphore(%run_scoped3A : memref<!tpu.dma_semaphore, #tpu.memory_space<semaphore_mem>>) {add = true}
      %dma_wait3A_198 = arith.constant 0 : i32
      %dma_wait3A_199 = tpu.memref_slice %arg9[%dma_wait3A_198] : memref<10240xf32, #tpu.memory_space<vmem_shared>> -> memref<10240xf32, #tpu.memory_space<vmem_shared>>
      tpu.wait_indirect_dma semaphore(%run_scoped3A : memref<!tpu.dma_semaphore, #tpu.memory_space<semaphore_mem>>) src(%arg17 : memref<80xf32, #tpu.memory_space<vmem>>) dst(%dma_wait3A_199 : memref<10240xf32, #tpu.memory_space<vmem_shared>>)
      tpu.yield
    }) : () -> ()
    %dma_wait3A_153 = arith.constant 0 : i32
    %dma_wait3A_154 = tpu.memref_slice %arg4[%dma_wait3A_153] : memref<320000xi32, #tpu.memory_space<hbm>> -> memref<80xi32, #tpu.memory_space<hbm>>
    %dma_wait3A_155 = arith.constant 0 : i32
    %dma_wait3A_156 = tpu.memref_slice %arg4[%dma_wait3A_155] : memref<320000xi32, #tpu.memory_space<hbm>> -> memref<80xi32, #tpu.memory_space<hbm>>
    tpu.wait_dma2 semaphore(%arg23 : memref<!tpu.dma_semaphore, #tpu.memory_space<semaphore_mem>>) src(%dma_wait3A_156 : memref<80xi32, #tpu.memory_space<hbm>>) dst(%arg12 : memref<80xi32, #tpu.memory_space<vmem>>)
    %dma_wait3A_157 = arith.constant 0 : i32
    %dma_wait3A_158 = arith.constant 0 : i32
    %dma_wait3A_159 = tpu.memref_slice %arg2[%dma_wait3A_157, %dma_wait3A_158] : memref<10000x128xf32, #tpu.memory_space<hbm>> -> memref<80x128xf32, #tpu.memory_space<hbm>>
    %dma_wait3A_160 = arith.constant 0 : i32
    %dma_wait3A_161 = arith.constant 0 : i32
    %dma_wait3A_162 = tpu.memref_slice %arg2[%dma_wait3A_160, %dma_wait3A_161] : memref<10000x128xf32, #tpu.memory_space<hbm>> -> memref<80x128xf32, #tpu.memory_space<hbm>>
    tpu.wait_dma2 semaphore(%arg20 : memref<!tpu.dma_semaphore, #tpu.memory_space<semaphore_mem>>) src(%dma_wait3A_162 : memref<80x128xf32, #tpu.memory_space<hbm>>) dst(%arg15 : memref<80x128xf32, #tpu.memory_space<vmem>>)
    "tpu.region"() ({
      %run_scoped3A = tpu.sem_alloc : memref<!tpu.dma_semaphore, #tpu.memory_space<semaphore_mem>>
      %dma_start3A_196 = arith.constant 0 : i32
      %dma_start3A_197 = arith.constant 0 : i32
      %dma_start3A_198 = tpu.memref_slice %arg8[%dma_start3A_196, %dma_start3A_197] : memref<10240x128xf32, #tpu.memory_space<vmem_shared>> -> memref<10240x128xf32, #tpu.memory_space<vmem_shared>>
      tpu.enqueue_indirect_dma source(%arg15 : memref<80x128xf32, #tpu.memory_space<vmem>>) target(%dma_start3A_198 : memref<10240x128xf32, #tpu.memory_space<vmem_shared>>) offsets(%arg12 : memref<80xi32, #tpu.memory_space<vmem>>) semaphore(%run_scoped3A : memref<!tpu.dma_semaphore, #tpu.memory_space<semaphore_mem>>) {add = true}
      %dma_wait3A_199 = arith.constant 0 : i32
      %dma_wait3A_200 = arith.constant 0 : i32
      %dma_wait3A_201 = tpu.memref_slice %arg8[%dma_wait3A_199, %dma_wait3A_200] : memref<10240x128xf32, #tpu.memory_space<vmem_shared>> -> memref<10240x128xf32, #tpu.memory_space<vmem_shared>>
      tpu.wait_indirect_dma semaphore(%run_scoped3A : memref<!tpu.dma_semaphore, #tpu.memory_space<semaphore_mem>>) src(%arg15 : memref<80x128xf32, #tpu.memory_space<vmem>>) dst(%dma_wait3A_201 : memref<10240x128xf32, #tpu.memory_space<vmem_shared>>)
      tpu.yield
    }) : () -> ()
    "tpu.region"() ({
      %run_scoped3A = tpu.sem_alloc : memref<!tpu.dma_semaphore, #tpu.memory_space<semaphore_mem>>
      %dma_start3A_196 = arith.constant 0 : i32
      %dma_start3A_197 = tpu.memref_slice %arg9[%dma_start3A_196] : memref<10240xf32, #tpu.memory_space<vmem_shared>> -> memref<10240xf32, #tpu.memory_space<vmem_shared>>
      tpu.enqueue_indirect_dma source(%arg17 : memref<80xf32, #tpu.memory_space<vmem>>) target(%dma_start3A_197 : memref<10240xf32, #tpu.memory_space<vmem_shared>>) offsets(%arg12 : memref<80xi32, #tpu.memory_space<vmem>>) semaphore(%run_scoped3A : memref<!tpu.dma_semaphore, #tpu.memory_space<semaphore_mem>>) {add = true}
      %dma_wait3A_198 = arith.constant 0 : i32
      %dma_wait3A_199 = tpu.memref_slice %arg9[%dma_wait3A_198] : memref<10240xf32, #tpu.memory_space<vmem_shared>> -> memref<10240xf32, #tpu.memory_space<vmem_shared>>
      tpu.wait_indirect_dma semaphore(%run_scoped3A : memref<!tpu.dma_semaphore, #tpu.memory_space<semaphore_mem>>) src(%arg17 : memref<80xf32, #tpu.memory_space<vmem>>) dst(%dma_wait3A_199 : memref<10240xf32, #tpu.memory_space<vmem_shared>>)
      tpu.yield
    }) : () -> ()
    %barrier3A_163 = arith.constant 0 : index
    tpu.barrier barrier_id(%barrier3A_163)
    %add3A_164 = arith.constant 0 : i32
    %add3A_165 = arith.addi %mul3A_0, %add3A_164 : i32
    "tpu.region"() ({
      %run_scoped3A = tpu.sem_alloc : memref<!tpu.dma_semaphore, #tpu.memory_space<semaphore_mem>>
      %dma_start3A_196 = arith.constant 0 : i32
      %dma_start3A_197 = tpu.memref_slice %arg8[%add3A_165, %dma_start3A_196] : memref<10240x128xf32, #tpu.memory_space<vmem_shared>> -> memref<80x128xf32, #tpu.memory_space<vmem_shared>>
      %dma_start3A_198 = arith.constant 0 : i32
      %dma_start3A_199 = tpu.memref_slice %arg8[%add3A_165, %dma_start3A_198] : memref<10240x128xf32, #tpu.memory_space<vmem_shared>> -> memref<80x128xf32, #tpu.memory_space<vmem_shared>>
      tpu.enqueue_dma source(%dma_start3A_199 : memref<80x128xf32, #tpu.memory_space<vmem_shared>>) target(%arg14 : memref<80x128xf32, #tpu.memory_space<vmem>>) target_semaphore(%run_scoped3A : memref<!tpu.dma_semaphore, #tpu.memory_space<semaphore_mem>>)
      %dma_wait3A_200 = arith.constant 0 : i32
      %dma_wait3A_201 = tpu.memref_slice %arg8[%add3A_165, %dma_wait3A_200] : memref<10240x128xf32, #tpu.memory_space<vmem_shared>> -> memref<80x128xf32, #tpu.memory_space<vmem_shared>>
      %dma_wait3A_202 = arith.constant 0 : i32
      %dma_wait3A_203 = tpu.memref_slice %arg8[%add3A_165, %dma_wait3A_202] : memref<10240x128xf32, #tpu.memory_space<vmem_shared>> -> memref<80x128xf32, #tpu.memory_space<vmem_shared>>
      tpu.wait_dma2 semaphore(%run_scoped3A : memref<!tpu.dma_semaphore, #tpu.memory_space<semaphore_mem>>) src(%dma_wait3A_203 : memref<80x128xf32, #tpu.memory_space<vmem_shared>>) dst(%arg14 : memref<80x128xf32, #tpu.memory_space<vmem>>)
      tpu.yield
    }) : () -> ()
    %add3A_166 = arith.constant 0 : i32
    %add3A_167 = arith.addi %mul3A_0, %add3A_166 : i32
    "tpu.region"() ({
      %run_scoped3A = tpu.sem_alloc : memref<!tpu.dma_semaphore, #tpu.memory_space<semaphore_mem>>
      %dma_start3A_196 = arith.constant 0 : i32
      %dma_start3A_197 = tpu.memref_slice %arg6[%arg0, %add3A_167, %dma_start3A_196] : memref<2x10240x128xf32, #tpu.memory_space<hbm>> -> memref<1x80x128xf32, #tpu.memory_space<hbm>>
      %dma_start3A_198 = tpu.memref_squeeze %dma_start3A_197 : memref<1x80x128xf32, #tpu.memory_space<hbm>> -> memref<80x128xf32, #tpu.memory_space<hbm>>
      %dma_start3A_199 = arith.constant 0 : i32
      %dma_start3A_200 = tpu.memref_slice %arg6[%arg0, %add3A_167, %dma_start3A_199] : memref<2x10240x128xf32, #tpu.memory_space<hbm>> -> memref<1x80x128xf32, #tpu.memory_space<hbm>>
      %dma_start3A_201 = tpu.memref_squeeze %dma_start3A_200 : memref<1x80x128xf32, #tpu.memory_space<hbm>> -> memref<80x128xf32, #tpu.memory_space<hbm>>
      tpu.enqueue_dma source(%arg14 : memref<80x128xf32, #tpu.memory_space<vmem>>) target(%dma_start3A_201 : memref<80x128xf32, #tpu.memory_space<hbm>>) target_semaphore(%run_scoped3A : memref<!tpu.dma_semaphore, #tpu.memory_space<semaphore_mem>>)
      %dma_wait3A_202 = arith.constant 0 : i32
      %dma_wait3A_203 = tpu.memref_slice %arg6[%arg0, %add3A_167, %dma_wait3A_202] : memref<2x10240x128xf32, #tpu.memory_space<hbm>> -> memref<1x80x128xf32, #tpu.memory_space<hbm>>
      %dma_wait3A_204 = tpu.memref_squeeze %dma_wait3A_203 : memref<1x80x128xf32, #tpu.memory_space<hbm>> -> memref<80x128xf32, #tpu.memory_space<hbm>>
      %dma_wait3A_205 = arith.constant 0 : i32
      %dma_wait3A_206 = tpu.memref_slice %arg6[%arg0, %add3A_167, %dma_wait3A_205] : memref<2x10240x128xf32, #tpu.memory_space<hbm>> -> memref<1x80x128xf32, #tpu.memory_space<hbm>>
      %dma_wait3A_207 = tpu.memref_squeeze %dma_wait3A_206 : memref<1x80x128xf32, #tpu.memory_space<hbm>> -> memref<80x128xf32, #tpu.memory_space<hbm>>
      tpu.wait_dma2 semaphore(%run_scoped3A : memref<!tpu.dma_semaphore, #tpu.memory_space<semaphore_mem>>) src(%arg14 : memref<80x128xf32, #tpu.memory_space<vmem>>) dst(%dma_wait3A_207 : memref<80x128xf32, #tpu.memory_space<hbm>>)
      tpu.yield
    }) : () -> ()
    %add3A_168 = arith.constant 80 : i32
    %add3A_169 = arith.addi %mul3A_0, %add3A_168 : i32
    "tpu.region"() ({
      %run_scoped3A = tpu.sem_alloc : memref<!tpu.dma_semaphore, #tpu.memory_space<semaphore_mem>>
      %dma_start3A_196 = arith.constant 0 : i32
      %dma_start3A_197 = tpu.memref_slice %arg8[%add3A_169, %dma_start3A_196] : memref<10240x128xf32, #tpu.memory_space<vmem_shared>> -> memref<80x128xf32, #tpu.memory_space<vmem_shared>>
      %dma_start3A_198 = arith.constant 0 : i32
      %dma_start3A_199 = tpu.memref_slice %arg8[%add3A_169, %dma_start3A_198] : memref<10240x128xf32, #tpu.memory_space<vmem_shared>> -> memref<80x128xf32, #tpu.memory_space<vmem_shared>>
      tpu.enqueue_dma source(%dma_start3A_199 : memref<80x128xf32, #tpu.memory_space<vmem_shared>>) target(%arg14 : memref<80x128xf32, #tpu.memory_space<vmem>>) target_semaphore(%run_scoped3A : memref<!tpu.dma_semaphore, #tpu.memory_space<semaphore_mem>>)
      %dma_wait3A_200 = arith.constant 0 : i32
      %dma_wait3A_201 = tpu.memref_slice %arg8[%add3A_169, %dma_wait3A_200] : memref<10240x128xf32, #tpu.memory_space<vmem_shared>> -> memref<80x128xf32, #tpu.memory_space<vmem_shared>>
      %dma_wait3A_202 = arith.constant 0 : i32
      %dma_wait3A_203 = tpu.memref_slice %arg8[%add3A_169, %dma_wait3A_202] : memref<10240x128xf32, #tpu.memory_space<vmem_shared>> -> memref<80x128xf32, #tpu.memory_space<vmem_shared>>
      tpu.wait_dma2 semaphore(%run_scoped3A : memref<!tpu.dma_semaphore, #tpu.memory_space<semaphore_mem>>) src(%dma_wait3A_203 : memref<80x128xf32, #tpu.memory_space<vmem_shared>>) dst(%arg14 : memref<80x128xf32, #tpu.memory_space<vmem>>)
      tpu.yield
    }) : () -> ()
    %add3A_170 = arith.constant 80 : i32
    %add3A_171 = arith.addi %mul3A_0, %add3A_170 : i32
    "tpu.region"() ({
      %run_scoped3A = tpu.sem_alloc : memref<!tpu.dma_semaphore, #tpu.memory_space<semaphore_mem>>
      %dma_start3A_196 = arith.constant 0 : i32
      %dma_start3A_197 = tpu.memref_slice %arg6[%arg0, %add3A_171, %dma_start3A_196] : memref<2x10240x128xf32, #tpu.memory_space<hbm>> -> memref<1x80x128xf32, #tpu.memory_space<hbm>>
      %dma_start3A_198 = tpu.memref_squeeze %dma_start3A_197 : memref<1x80x128xf32, #tpu.memory_space<hbm>> -> memref<80x128xf32, #tpu.memory_space<hbm>>
      %dma_start3A_199 = arith.constant 0 : i32
      %dma_start3A_200 = tpu.memref_slice %arg6[%arg0, %add3A_171, %dma_start3A_199] : memref<2x10240x128xf32, #tpu.memory_space<hbm>> -> memref<1x80x128xf32, #tpu.memory_space<hbm>>
      %dma_start3A_201 = tpu.memref_squeeze %dma_start3A_200 : memref<1x80x128xf32, #tpu.memory_space<hbm>> -> memref<80x128xf32, #tpu.memory_space<hbm>>
      tpu.enqueue_dma source(%arg14 : memref<80x128xf32, #tpu.memory_space<vmem>>) target(%dma_start3A_201 : memref<80x128xf32, #tpu.memory_space<hbm>>) target_semaphore(%run_scoped3A : memref<!tpu.dma_semaphore, #tpu.memory_space<semaphore_mem>>)
      %dma_wait3A_202 = arith.constant 0 : i32
      %dma_wait3A_203 = tpu.memref_slice %arg6[%arg0, %add3A_171, %dma_wait3A_202] : memref<2x10240x128xf32, #tpu.memory_space<hbm>> -> memref<1x80x128xf32, #tpu.memory_space<hbm>>
      %dma_wait3A_204 = tpu.memref_squeeze %dma_wait3A_203 : memref<1x80x128xf32, #tpu.memory_space<hbm>> -> memref<80x128xf32, #tpu.memory_space<hbm>>
      %dma_wait3A_205 = arith.constant 0 : i32
      %dma_wait3A_206 = tpu.memref_slice %arg6[%arg0, %add3A_171, %dma_wait3A_205] : memref<2x10240x128xf32, #tpu.memory_space<hbm>> -> memref<1x80x128xf32, #tpu.memory_space<hbm>>
      %dma_wait3A_207 = tpu.memref_squeeze %dma_wait3A_206 : memref<1x80x128xf32, #tpu.memory_space<hbm>> -> memref<80x128xf32, #tpu.memory_space<hbm>>
      tpu.wait_dma2 semaphore(%run_scoped3A : memref<!tpu.dma_semaphore, #tpu.memory_space<semaphore_mem>>) src(%arg14 : memref<80x128xf32, #tpu.memory_space<vmem>>) dst(%dma_wait3A_207 : memref<80x128xf32, #tpu.memory_space<hbm>>)
      tpu.yield
    }) : () -> ()
    %add3A_172 = arith.constant 160 : i32
    %add3A_173 = arith.addi %mul3A_0, %add3A_172 : i32
    "tpu.region"() ({
      %run_scoped3A = tpu.sem_alloc : memref<!tpu.dma_semaphore, #tpu.memory_space<semaphore_mem>>
      %dma_start3A_196 = arith.constant 0 : i32
      %dma_start3A_197 = tpu.memref_slice %arg8[%add3A_173, %dma_start3A_196] : memref<10240x128xf32, #tpu.memory_space<vmem_shared>> -> memref<80x128xf32, #tpu.memory_space<vmem_shared>>
      %dma_start3A_198 = arith.constant 0 : i32
      %dma_start3A_199 = tpu.memref_slice %arg8[%add3A_173, %dma_start3A_198] : memref<10240x128xf32, #tpu.memory_space<vmem_shared>> -> memref<80x128xf32, #tpu.memory_space<vmem_shared>>
      tpu.enqueue_dma source(%dma_start3A_199 : memref<80x128xf32, #tpu.memory_space<vmem_shared>>) target(%arg14 : memref<80x128xf32, #tpu.memory_space<vmem>>) target_semaphore(%run_scoped3A : memref<!tpu.dma_semaphore, #tpu.memory_space<semaphore_mem>>)
      %dma_wait3A_200 = arith.constant 0 : i32
      %dma_wait3A_201 = tpu.memref_slice %arg8[%add3A_173, %dma_wait3A_200] : memref<10240x128xf32, #tpu.memory_space<vmem_shared>> -> memref<80x128xf32, #tpu.memory_space<vmem_shared>>
      %dma_wait3A_202 = arith.constant 0 : i32
      %dma_wait3A_203 = tpu.memref_slice %arg8[%add3A_173, %dma_wait3A_202] : memref<10240x128xf32, #tpu.memory_space<vmem_shared>> -> memref<80x128xf32, #tpu.memory_space<vmem_shared>>
      tpu.wait_dma2 semaphore(%run_scoped3A : memref<!tpu.dma_semaphore, #tpu.memory_space<semaphore_mem>>) src(%dma_wait3A_203 : memref<80x128xf32, #tpu.memory_space<vmem_shared>>) dst(%arg14 : memref<80x128xf32, #tpu.memory_space<vmem>>)
      tpu.yield
    }) : () -> ()
    %add3A_174 = arith.constant 160 : i32
    %add3A_175 = arith.addi %mul3A_0, %add3A_174 : i32
    "tpu.region"() ({
      %run_scoped3A = tpu.sem_alloc : memref<!tpu.dma_semaphore, #tpu.memory_space<semaphore_mem>>
      %dma_start3A_196 = arith.constant 0 : i32
      %dma_start3A_197 = tpu.memref_slice %arg6[%arg0, %add3A_175, %dma_start3A_196] : memref<2x10240x128xf32, #tpu.memory_space<hbm>> -> memref<1x80x128xf32, #tpu.memory_space<hbm>>
      %dma_start3A_198 = tpu.memref_squeeze %dma_start3A_197 : memref<1x80x128xf32, #tpu.memory_space<hbm>> -> memref<80x128xf32, #tpu.memory_space<hbm>>
      %dma_start3A_199 = arith.constant 0 : i32
      %dma_start3A_200 = tpu.memref_slice %arg6[%arg0, %add3A_175, %dma_start3A_199] : memref<2x10240x128xf32, #tpu.memory_space<hbm>> -> memref<1x80x128xf32, #tpu.memory_space<hbm>>
      %dma_start3A_201 = tpu.memref_squeeze %dma_start3A_200 : memref<1x80x128xf32, #tpu.memory_space<hbm>> -> memref<80x128xf32, #tpu.memory_space<hbm>>
      tpu.enqueue_dma source(%arg14 : memref<80x128xf32, #tpu.memory_space<vmem>>) target(%dma_start3A_201 : memref<80x128xf32, #tpu.memory_space<hbm>>) target_semaphore(%run_scoped3A : memref<!tpu.dma_semaphore, #tpu.memory_space<semaphore_mem>>)
      %dma_wait3A_202 = arith.constant 0 : i32
      %dma_wait3A_203 = tpu.memref_slice %arg6[%arg0, %add3A_175, %dma_wait3A_202] : memref<2x10240x128xf32, #tpu.memory_space<hbm>> -> memref<1x80x128xf32, #tpu.memory_space<hbm>>
      %dma_wait3A_204 = tpu.memref_squeeze %dma_wait3A_203 : memref<1x80x128xf32, #tpu.memory_space<hbm>> -> memref<80x128xf32, #tpu.memory_space<hbm>>
      %dma_wait3A_205 = arith.constant 0 : i32
      %dma_wait3A_206 = tpu.memref_slice %arg6[%arg0, %add3A_175, %dma_wait3A_205] : memref<2x10240x128xf32, #tpu.memory_space<hbm>> -> memref<1x80x128xf32, #tpu.memory_space<hbm>>
      %dma_wait3A_207 = tpu.memref_squeeze %dma_wait3A_206 : memref<1x80x128xf32, #tpu.memory_space<hbm>> -> memref<80x128xf32, #tpu.memory_space<hbm>>
      tpu.wait_dma2 semaphore(%run_scoped3A : memref<!tpu.dma_semaphore, #tpu.memory_space<semaphore_mem>>) src(%arg14 : memref<80x128xf32, #tpu.memory_space<vmem>>) dst(%dma_wait3A_207 : memref<80x128xf32, #tpu.memory_space<hbm>>)
      tpu.yield
    }) : () -> ()
    %add3A_176 = arith.constant 240 : i32
    %add3A_177 = arith.addi %mul3A_0, %add3A_176 : i32
    "tpu.region"() ({
      %run_scoped3A = tpu.sem_alloc : memref<!tpu.dma_semaphore, #tpu.memory_space<semaphore_mem>>
      %dma_start3A_196 = arith.constant 0 : i32
      %dma_start3A_197 = tpu.memref_slice %arg8[%add3A_177, %dma_start3A_196] : memref<10240x128xf32, #tpu.memory_space<vmem_shared>> -> memref<80x128xf32, #tpu.memory_space<vmem_shared>>
      %dma_start3A_198 = arith.constant 0 : i32
      %dma_start3A_199 = tpu.memref_slice %arg8[%add3A_177, %dma_start3A_198] : memref<10240x128xf32, #tpu.memory_space<vmem_shared>> -> memref<80x128xf32, #tpu.memory_space<vmem_shared>>
      tpu.enqueue_dma source(%dma_start3A_199 : memref<80x128xf32, #tpu.memory_space<vmem_shared>>) target(%arg14 : memref<80x128xf32, #tpu.memory_space<vmem>>) target_semaphore(%run_scoped3A : memref<!tpu.dma_semaphore, #tpu.memory_space<semaphore_mem>>)
      %dma_wait3A_200 = arith.constant 0 : i32
      %dma_wait3A_201 = tpu.memref_slice %arg8[%add3A_177, %dma_wait3A_200] : memref<10240x128xf32, #tpu.memory_space<vmem_shared>> -> memref<80x128xf32, #tpu.memory_space<vmem_shared>>
      %dma_wait3A_202 = arith.constant 0 : i32
      %dma_wait3A_203 = tpu.memref_slice %arg8[%add3A_177, %dma_wait3A_202] : memref<10240x128xf32, #tpu.memory_space<vmem_shared>> -> memref<80x128xf32, #tpu.memory_space<vmem_shared>>
      tpu.wait_dma2 semaphore(%run_scoped3A : memref<!tpu.dma_semaphore, #tpu.memory_space<semaphore_mem>>) src(%dma_wait3A_203 : memref<80x128xf32, #tpu.memory_space<vmem_shared>>) dst(%arg14 : memref<80x128xf32, #tpu.memory_space<vmem>>)
      tpu.yield
    }) : () -> ()
    %add3A_178 = arith.constant 240 : i32
    %add3A_179 = arith.addi %mul3A_0, %add3A_178 : i32
    "tpu.region"() ({
      %run_scoped3A = tpu.sem_alloc : memref<!tpu.dma_semaphore, #tpu.memory_space<semaphore_mem>>
      %dma_start3A_196 = arith.constant 0 : i32
      %dma_start3A_197 = tpu.memref_slice %arg6[%arg0, %add3A_179, %dma_start3A_196] : memref<2x10240x128xf32, #tpu.memory_space<hbm>> -> memref<1x80x128xf32, #tpu.memory_space<hbm>>
      %dma_start3A_198 = tpu.memref_squeeze %dma_start3A_197 : memref<1x80x128xf32, #tpu.memory_space<hbm>> -> memref<80x128xf32, #tpu.memory_space<hbm>>
      %dma_start3A_199 = arith.constant 0 : i32
      %dma_start3A_200 = tpu.memref_slice %arg6[%arg0, %add3A_179, %dma_start3A_199] : memref<2x10240x128xf32, #tpu.memory_space<hbm>> -> memref<1x80x128xf32, #tpu.memory_space<hbm>>
      %dma_start3A_201 = tpu.memref_squeeze %dma_start3A_200 : memref<1x80x128xf32, #tpu.memory_space<hbm>> -> memref<80x128xf32, #tpu.memory_space<hbm>>
      tpu.enqueue_dma source(%arg14 : memref<80x128xf32, #tpu.memory_space<vmem>>) target(%dma_start3A_201 : memref<80x128xf32, #tpu.memory_space<hbm>>) target_semaphore(%run_scoped3A : memref<!tpu.dma_semaphore, #tpu.memory_space<semaphore_mem>>)
      %dma_wait3A_202 = arith.constant 0 : i32
      %dma_wait3A_203 = tpu.memref_slice %arg6[%arg0, %add3A_179, %dma_wait3A_202] : memref<2x10240x128xf32, #tpu.memory_space<hbm>> -> memref<1x80x128xf32, #tpu.memory_space<hbm>>
      %dma_wait3A_204 = tpu.memref_squeeze %dma_wait3A_203 : memref<1x80x128xf32, #tpu.memory_space<hbm>> -> memref<80x128xf32, #tpu.memory_space<hbm>>
      %dma_wait3A_205 = arith.constant 0 : i32
      %dma_wait3A_206 = tpu.memref_slice %arg6[%arg0, %add3A_179, %dma_wait3A_205] : memref<2x10240x128xf32, #tpu.memory_space<hbm>> -> memref<1x80x128xf32, #tpu.memory_space<hbm>>
      %dma_wait3A_207 = tpu.memref_squeeze %dma_wait3A_206 : memref<1x80x128xf32, #tpu.memory_space<hbm>> -> memref<80x128xf32, #tpu.memory_space<hbm>>
      tpu.wait_dma2 semaphore(%run_scoped3A : memref<!tpu.dma_semaphore, #tpu.memory_space<semaphore_mem>>) src(%arg14 : memref<80x128xf32, #tpu.memory_space<vmem>>) dst(%dma_wait3A_207 : memref<80x128xf32, #tpu.memory_space<hbm>>)
      tpu.yield
    }) : () -> ()
    %add3A_180 = arith.constant 320 : i32
    %add3A_181 = arith.addi %mul3A_0, %add3A_180 : i32
    "tpu.region"() ({
      %run_scoped3A = tpu.sem_alloc : memref<!tpu.dma_semaphore, #tpu.memory_space<semaphore_mem>>
      %dma_start3A_196 = arith.constant 0 : i32
      %dma_start3A_197 = tpu.memref_slice %arg8[%add3A_181, %dma_start3A_196] : memref<10240x128xf32, #tpu.memory_space<vmem_shared>> -> memref<80x128xf32, #tpu.memory_space<vmem_shared>>
      %dma_start3A_198 = arith.constant 0 : i32
      %dma_start3A_199 = tpu.memref_slice %arg8[%add3A_181, %dma_start3A_198] : memref<10240x128xf32, #tpu.memory_space<vmem_shared>> -> memref<80x128xf32, #tpu.memory_space<vmem_shared>>
      tpu.enqueue_dma source(%dma_start3A_199 : memref<80x128xf32, #tpu.memory_space<vmem_shared>>) target(%arg14 : memref<80x128xf32, #tpu.memory_space<vmem>>) target_semaphore(%run_scoped3A : memref<!tpu.dma_semaphore, #tpu.memory_space<semaphore_mem>>)
      %dma_wait3A_200 = arith.constant 0 : i32
      %dma_wait3A_201 = tpu.memref_slice %arg8[%add3A_181, %dma_wait3A_200] : memref<10240x128xf32, #tpu.memory_space<vmem_shared>> -> memref<80x128xf32, #tpu.memory_space<vmem_shared>>
      %dma_wait3A_202 = arith.constant 0 : i32
      %dma_wait3A_203 = tpu.memref_slice %arg8[%add3A_181, %dma_wait3A_202] : memref<10240x128xf32, #tpu.memory_space<vmem_shared>> -> memref<80x128xf32, #tpu.memory_space<vmem_shared>>
      tpu.wait_dma2 semaphore(%run_scoped3A : memref<!tpu.dma_semaphore, #tpu.memory_space<semaphore_mem>>) src(%dma_wait3A_203 : memref<80x128xf32, #tpu.memory_space<vmem_shared>>) dst(%arg14 : memref<80x128xf32, #tpu.memory_space<vmem>>)
      tpu.yield
    }) : () -> ()
    %add3A_182 = arith.constant 320 : i32
    %add3A_183 = arith.addi %mul3A_0, %add3A_182 : i32
    "tpu.region"() ({
      %run_scoped3A = tpu.sem_alloc : memref<!tpu.dma_semaphore, #tpu.memory_space<semaphore_mem>>
      %dma_start3A_196 = arith.constant 0 : i32
      %dma_start3A_197 = tpu.memref_slice %arg6[%arg0, %add3A_183, %dma_start3A_196] : memref<2x10240x128xf32, #tpu.memory_space<hbm>> -> memref<1x80x128xf32, #tpu.memory_space<hbm>>
      %dma_start3A_198 = tpu.memref_squeeze %dma_start3A_197 : memref<1x80x128xf32, #tpu.memory_space<hbm>> -> memref<80x128xf32, #tpu.memory_space<hbm>>
      %dma_start3A_199 = arith.constant 0 : i32
      %dma_start3A_200 = tpu.memref_slice %arg6[%arg0, %add3A_183, %dma_start3A_199] : memref<2x10240x128xf32, #tpu.memory_space<hbm>> -> memref<1x80x128xf32, #tpu.memory_space<hbm>>
      %dma_start3A_201 = tpu.memref_squeeze %dma_start3A_200 : memref<1x80x128xf32, #tpu.memory_space<hbm>> -> memref<80x128xf32, #tpu.memory_space<hbm>>
      tpu.enqueue_dma source(%arg14 : memref<80x128xf32, #tpu.memory_space<vmem>>) target(%dma_start3A_201 : memref<80x128xf32, #tpu.memory_space<hbm>>) target_semaphore(%run_scoped3A : memref<!tpu.dma_semaphore, #tpu.memory_space<semaphore_mem>>)
      %dma_wait3A_202 = arith.constant 0 : i32
      %dma_wait3A_203 = tpu.memref_slice %arg6[%arg0, %add3A_183, %dma_wait3A_202] : memref<2x10240x128xf32, #tpu.memory_space<hbm>> -> memref<1x80x128xf32, #tpu.memory_space<hbm>>
      %dma_wait3A_204 = tpu.memref_squeeze %dma_wait3A_203 : memref<1x80x128xf32, #tpu.memory_space<hbm>> -> memref<80x128xf32, #tpu.memory_space<hbm>>
      %dma_wait3A_205 = arith.constant 0 : i32
      %dma_wait3A_206 = tpu.memref_slice %arg6[%arg0, %add3A_183, %dma_wait3A_205] : memref<2x10240x128xf32, #tpu.memory_space<hbm>> -> memref<1x80x128xf32, #tpu.memory_space<hbm>>
      %dma_wait3A_207 = tpu.memref_squeeze %dma_wait3A_206 : memref<1x80x128xf32, #tpu.memory_space<hbm>> -> memref<80x128xf32, #tpu.memory_space<hbm>>
      tpu.wait_dma2 semaphore(%run_scoped3A : memref<!tpu.dma_semaphore, #tpu.memory_space<semaphore_mem>>) src(%arg14 : memref<80x128xf32, #tpu.memory_space<vmem>>) dst(%dma_wait3A_207 : memref<80x128xf32, #tpu.memory_space<hbm>>)
      tpu.yield
    }) : () -> ()
    %add3A_184 = arith.constant 400 : i32
    %add3A_185 = arith.addi %mul3A_0, %add3A_184 : i32
    "tpu.region"() ({
      %run_scoped3A = tpu.sem_alloc : memref<!tpu.dma_semaphore, #tpu.memory_space<semaphore_mem>>
      %dma_start3A_196 = arith.constant 0 : i32
      %dma_start3A_197 = tpu.memref_slice %arg8[%add3A_185, %dma_start3A_196] : memref<10240x128xf32, #tpu.memory_space<vmem_shared>> -> memref<80x128xf32, #tpu.memory_space<vmem_shared>>
      %dma_start3A_198 = arith.constant 0 : i32
      %dma_start3A_199 = tpu.memref_slice %arg8[%add3A_185, %dma_start3A_198] : memref<10240x128xf32, #tpu.memory_space<vmem_shared>> -> memref<80x128xf32, #tpu.memory_space<vmem_shared>>
      tpu.enqueue_dma source(%dma_start3A_199 : memref<80x128xf32, #tpu.memory_space<vmem_shared>>) target(%arg14 : memref<80x128xf32, #tpu.memory_space<vmem>>) target_semaphore(%run_scoped3A : memref<!tpu.dma_semaphore, #tpu.memory_space<semaphore_mem>>)
      %dma_wait3A_200 = arith.constant 0 : i32
      %dma_wait3A_201 = tpu.memref_slice %arg8[%add3A_185, %dma_wait3A_200] : memref<10240x128xf32, #tpu.memory_space<vmem_shared>> -> memref<80x128xf32, #tpu.memory_space<vmem_shared>>
      %dma_wait3A_202 = arith.constant 0 : i32
      %dma_wait3A_203 = tpu.memref_slice %arg8[%add3A_185, %dma_wait3A_202] : memref<10240x128xf32, #tpu.memory_space<vmem_shared>> -> memref<80x128xf32, #tpu.memory_space<vmem_shared>>
      tpu.wait_dma2 semaphore(%run_scoped3A : memref<!tpu.dma_semaphore, #tpu.memory_space<semaphore_mem>>) src(%dma_wait3A_203 : memref<80x128xf32, #tpu.memory_space<vmem_shared>>) dst(%arg14 : memref<80x128xf32, #tpu.memory_space<vmem>>)
      tpu.yield
    }) : () -> ()
    %add3A_186 = arith.constant 400 : i32
    %add3A_187 = arith.addi %mul3A_0, %add3A_186 : i32
    "tpu.region"() ({
      %run_scoped3A = tpu.sem_alloc : memref<!tpu.dma_semaphore, #tpu.memory_space<semaphore_mem>>
      %dma_start3A_196 = arith.constant 0 : i32
      %dma_start3A_197 = tpu.memref_slice %arg6[%arg0, %add3A_187, %dma_start3A_196] : memref<2x10240x128xf32, #tpu.memory_space<hbm>> -> memref<1x80x128xf32, #tpu.memory_space<hbm>>
      %dma_start3A_198 = tpu.memref_squeeze %dma_start3A_197 : memref<1x80x128xf32, #tpu.memory_space<hbm>> -> memref<80x128xf32, #tpu.memory_space<hbm>>
      %dma_start3A_199 = arith.constant 0 : i32
      %dma_start3A_200 = tpu.memref_slice %arg6[%arg0, %add3A_187, %dma_start3A_199] : memref<2x10240x128xf32, #tpu.memory_space<hbm>> -> memref<1x80x128xf32, #tpu.memory_space<hbm>>
      %dma_start3A_201 = tpu.memref_squeeze %dma_start3A_200 : memref<1x80x128xf32, #tpu.memory_space<hbm>> -> memref<80x128xf32, #tpu.memory_space<hbm>>
      tpu.enqueue_dma source(%arg14 : memref<80x128xf32, #tpu.memory_space<vmem>>) target(%dma_start3A_201 : memref<80x128xf32, #tpu.memory_space<hbm>>) target_semaphore(%run_scoped3A : memref<!tpu.dma_semaphore, #tpu.memory_space<semaphore_mem>>)
      %dma_wait3A_202 = arith.constant 0 : i32
      %dma_wait3A_203 = tpu.memref_slice %arg6[%arg0, %add3A_187, %dma_wait3A_202] : memref<2x10240x128xf32, #tpu.memory_space<hbm>> -> memref<1x80x128xf32, #tpu.memory_space<hbm>>
      %dma_wait3A_204 = tpu.memref_squeeze %dma_wait3A_203 : memref<1x80x128xf32, #tpu.memory_space<hbm>> -> memref<80x128xf32, #tpu.memory_space<hbm>>
      %dma_wait3A_205 = arith.constant 0 : i32
      %dma_wait3A_206 = tpu.memref_slice %arg6[%arg0, %add3A_187, %dma_wait3A_205] : memref<2x10240x128xf32, #tpu.memory_space<hbm>> -> memref<1x80x128xf32, #tpu.memory_space<hbm>>
      %dma_wait3A_207 = tpu.memref_squeeze %dma_wait3A_206 : memref<1x80x128xf32, #tpu.memory_space<hbm>> -> memref<80x128xf32, #tpu.memory_space<hbm>>
      tpu.wait_dma2 semaphore(%run_scoped3A : memref<!tpu.dma_semaphore, #tpu.memory_space<semaphore_mem>>) src(%arg14 : memref<80x128xf32, #tpu.memory_space<vmem>>) dst(%dma_wait3A_207 : memref<80x128xf32, #tpu.memory_space<hbm>>)
      tpu.yield
    }) : () -> ()
    %add3A_188 = arith.constant 480 : i32
    %add3A_189 = arith.addi %mul3A_0, %add3A_188 : i32
    "tpu.region"() ({
      %run_scoped3A = tpu.sem_alloc : memref<!tpu.dma_semaphore, #tpu.memory_space<semaphore_mem>>
      %dma_start3A_196 = arith.constant 0 : i32
      %dma_start3A_197 = tpu.memref_slice %arg8[%add3A_189, %dma_start3A_196] : memref<10240x128xf32, #tpu.memory_space<vmem_shared>> -> memref<80x128xf32, #tpu.memory_space<vmem_shared>>
      %dma_start3A_198 = arith.constant 0 : i32
      %dma_start3A_199 = tpu.memref_slice %arg8[%add3A_189, %dma_start3A_198] : memref<10240x128xf32, #tpu.memory_space<vmem_shared>> -> memref<80x128xf32, #tpu.memory_space<vmem_shared>>
      tpu.enqueue_dma source(%dma_start3A_199 : memref<80x128xf32, #tpu.memory_space<vmem_shared>>) target(%arg14 : memref<80x128xf32, #tpu.memory_space<vmem>>) target_semaphore(%run_scoped3A : memref<!tpu.dma_semaphore, #tpu.memory_space<semaphore_mem>>)
      %dma_wait3A_200 = arith.constant 0 : i32
      %dma_wait3A_201 = tpu.memref_slice %arg8[%add3A_189, %dma_wait3A_200] : memref<10240x128xf32, #tpu.memory_space<vmem_shared>> -> memref<80x128xf32, #tpu.memory_space<vmem_shared>>
      %dma_wait3A_202 = arith.constant 0 : i32
      %dma_wait3A_203 = tpu.memref_slice %arg8[%add3A_189, %dma_wait3A_202] : memref<10240x128xf32, #tpu.memory_space<vmem_shared>> -> memref<80x128xf32, #tpu.memory_space<vmem_shared>>
      tpu.wait_dma2 semaphore(%run_scoped3A : memref<!tpu.dma_semaphore, #tpu.memory_space<semaphore_mem>>) src(%dma_wait3A_203 : memref<80x128xf32, #tpu.memory_space<vmem_shared>>) dst(%arg14 : memref<80x128xf32, #tpu.memory_space<vmem>>)
      tpu.yield
    }) : () -> ()
    %add3A_190 = arith.constant 480 : i32
    %add3A_191 = arith.addi %mul3A_0, %add3A_190 : i32
    "tpu.region"() ({
      %run_scoped3A = tpu.sem_alloc : memref<!tpu.dma_semaphore, #tpu.memory_space<semaphore_mem>>
      %dma_start3A_196 = arith.constant 0 : i32
      %dma_start3A_197 = tpu.memref_slice %arg6[%arg0, %add3A_191, %dma_start3A_196] : memref<2x10240x128xf32, #tpu.memory_space<hbm>> -> memref<1x80x128xf32, #tpu.memory_space<hbm>>
      %dma_start3A_198 = tpu.memref_squeeze %dma_start3A_197 : memref<1x80x128xf32, #tpu.memory_space<hbm>> -> memref<80x128xf32, #tpu.memory_space<hbm>>
      %dma_start3A_199 = arith.constant 0 : i32
      %dma_start3A_200 = tpu.memref_slice %arg6[%arg0, %add3A_191, %dma_start3A_199] : memref<2x10240x128xf32, #tpu.memory_space<hbm>> -> memref<1x80x128xf32, #tpu.memory_space<hbm>>
      %dma_start3A_201 = tpu.memref_squeeze %dma_start3A_200 : memref<1x80x128xf32, #tpu.memory_space<hbm>> -> memref<80x128xf32, #tpu.memory_space<hbm>>
      tpu.enqueue_dma source(%arg14 : memref<80x128xf32, #tpu.memory_space<vmem>>) target(%dma_start3A_201 : memref<80x128xf32, #tpu.memory_space<hbm>>) target_semaphore(%run_scoped3A : memref<!tpu.dma_semaphore, #tpu.memory_space<semaphore_mem>>)
      %dma_wait3A_202 = arith.constant 0 : i32
      %dma_wait3A_203 = tpu.memref_slice %arg6[%arg0, %add3A_191, %dma_wait3A_202] : memref<2x10240x128xf32, #tpu.memory_space<hbm>> -> memref<1x80x128xf32, #tpu.memory_space<hbm>>
      %dma_wait3A_204 = tpu.memref_squeeze %dma_wait3A_203 : memref<1x80x128xf32, #tpu.memory_space<hbm>> -> memref<80x128xf32, #tpu.memory_space<hbm>>
      %dma_wait3A_205 = arith.constant 0 : i32
      %dma_wait3A_206 = tpu.memref_slice %arg6[%arg0, %add3A_191, %dma_wait3A_205] : memref<2x10240x128xf32, #tpu.memory_space<hbm>> -> memref<1x80x128xf32, #tpu.memory_space<hbm>>
      %dma_wait3A_207 = tpu.memref_squeeze %dma_wait3A_206 : memref<1x80x128xf32, #tpu.memory_space<hbm>> -> memref<80x128xf32, #tpu.memory_space<hbm>>
      tpu.wait_dma2 semaphore(%run_scoped3A : memref<!tpu.dma_semaphore, #tpu.memory_space<semaphore_mem>>) src(%arg14 : memref<80x128xf32, #tpu.memory_space<vmem>>) dst(%dma_wait3A_207 : memref<80x128xf32, #tpu.memory_space<hbm>>)
      tpu.yield
    }) : () -> ()
    %add3A_192 = arith.constant 560 : i32
    %add3A_193 = arith.addi %mul3A_0, %add3A_192 : i32
    "tpu.region"() ({
      %run_scoped3A = tpu.sem_alloc : memref<!tpu.dma_semaphore, #tpu.memory_space<semaphore_mem>>
      %dma_start3A_196 = arith.constant 0 : i32
      %dma_start3A_197 = tpu.memref_slice %arg8[%add3A_193, %dma_start3A_196] : memref<10240x128xf32, #tpu.memory_space<vmem_shared>> -> memref<80x128xf32, #tpu.memory_space<vmem_shared>>
      %dma_start3A_198 = arith.constant 0 : i32
      %dma_start3A_199 = tpu.memref_slice %arg8[%add3A_193, %dma_start3A_198] : memref<10240x128xf32, #tpu.memory_space<vmem_shared>> -> memref<80x128xf32, #tpu.memory_space<vmem_shared>>
      tpu.enqueue_dma source(%dma_start3A_199 : memref<80x128xf32, #tpu.memory_space<vmem_shared>>) target(%arg14 : memref<80x128xf32, #tpu.memory_space<vmem>>) target_semaphore(%run_scoped3A : memref<!tpu.dma_semaphore, #tpu.memory_space<semaphore_mem>>)
      %dma_wait3A_200 = arith.constant 0 : i32
      %dma_wait3A_201 = tpu.memref_slice %arg8[%add3A_193, %dma_wait3A_200] : memref<10240x128xf32, #tpu.memory_space<vmem_shared>> -> memref<80x128xf32, #tpu.memory_space<vmem_shared>>
      %dma_wait3A_202 = arith.constant 0 : i32
      %dma_wait3A_203 = tpu.memref_slice %arg8[%add3A_193, %dma_wait3A_202] : memref<10240x128xf32, #tpu.memory_space<vmem_shared>> -> memref<80x128xf32, #tpu.memory_space<vmem_shared>>
      tpu.wait_dma2 semaphore(%run_scoped3A : memref<!tpu.dma_semaphore, #tpu.memory_space<semaphore_mem>>) src(%dma_wait3A_203 : memref<80x128xf32, #tpu.memory_space<vmem_shared>>) dst(%arg14 : memref<80x128xf32, #tpu.memory_space<vmem>>)
      tpu.yield
    }) : () -> ()
    %add3A_194 = arith.constant 560 : i32
    %add3A_195 = arith.addi %mul3A_0, %add3A_194 : i32
    "tpu.region"() ({
      %run_scoped3A = tpu.sem_alloc : memref<!tpu.dma_semaphore, #tpu.memory_space<semaphore_mem>>
      %dma_start3A_196 = arith.constant 0 : i32
      %dma_start3A_197 = tpu.memref_slice %arg6[%arg0, %add3A_195, %dma_start3A_196] : memref<2x10240x128xf32, #tpu.memory_space<hbm>> -> memref<1x80x128xf32, #tpu.memory_space<hbm>>
      %dma_start3A_198 = tpu.memref_squeeze %dma_start3A_197 : memref<1x80x128xf32, #tpu.memory_space<hbm>> -> memref<80x128xf32, #tpu.memory_space<hbm>>
      %dma_start3A_199 = arith.constant 0 : i32
      %dma_start3A_200 = tpu.memref_slice %arg6[%arg0, %add3A_195, %dma_start3A_199] : memref<2x10240x128xf32, #tpu.memory_space<hbm>> -> memref<1x80x128xf32, #tpu.memory_space<hbm>>
      %dma_start3A_201 = tpu.memref_squeeze %dma_start3A_200 : memref<1x80x128xf32, #tpu.memory_space<hbm>> -> memref<80x128xf32, #tpu.memory_space<hbm>>
      tpu.enqueue_dma source(%arg14 : memref<80x128xf32, #tpu.memory_space<vmem>>) target(%dma_start3A_201 : memref<80x128xf32, #tpu.memory_space<hbm>>) target_semaphore(%run_scoped3A : memref<!tpu.dma_semaphore, #tpu.memory_space<semaphore_mem>>)
      %dma_wait3A_202 = arith.constant 0 : i32
      %dma_wait3A_203 = tpu.memref_slice %arg6[%arg0, %add3A_195, %dma_wait3A_202] : memref<2x10240x128xf32, #tpu.memory_space<hbm>> -> memref<1x80x128xf32, #tpu.memory_space<hbm>>
      %dma_wait3A_204 = tpu.memref_squeeze %dma_wait3A_203 : memref<1x80x128xf32, #tpu.memory_space<hbm>> -> memref<80x128xf32, #tpu.memory_space<hbm>>
      %dma_wait3A_205 = arith.constant 0 : i32
      %dma_wait3A_206 = tpu.memref_slice %arg6[%arg0, %add3A_195, %dma_wait3A_205] : memref<2x10240x128xf32, #tpu.memory_space<hbm>> -> memref<1x80x128xf32, #tpu.memory_space<hbm>>
      %dma_wait3A_207 = tpu.memref_squeeze %dma_wait3A_206 : memref<1x80x128xf32, #tpu.memory_space<hbm>> -> memref<80x128xf32, #tpu.memory_space<hbm>>
      tpu.wait_dma2 semaphore(%run_scoped3A : memref<!tpu.dma_semaphore, #tpu.memory_space<semaphore_mem>>) src(%arg14 : memref<80x128xf32, #tpu.memory_space<vmem>>) dst(%dma_wait3A_207 : memref<80x128xf32, #tpu.memory_space<hbm>>)
      tpu.yield
    }) : () -> ()
    "tpu.region"() ({
      %run_scoped3A = tpu.sem_alloc : memref<!tpu.dma_semaphore, #tpu.memory_space<semaphore_mem>>
      %dma_start3A_196 = tpu.memref_slice %arg9[%mul3A_0] : memref<10240xf32, #tpu.memory_space<vmem_shared>> -> memref<640xf32, #tpu.memory_space<vmem_shared>>
      %dma_start3A_197 = tpu.memref_slice %arg9[%mul3A_0] : memref<10240xf32, #tpu.memory_space<vmem_shared>> -> memref<640xf32, #tpu.memory_space<vmem_shared>>
      tpu.enqueue_dma source(%dma_start3A_197 : memref<640xf32, #tpu.memory_space<vmem_shared>>) target(%arg18 : memref<640xf32, #tpu.memory_space<vmem>>) target_semaphore(%run_scoped3A : memref<!tpu.dma_semaphore, #tpu.memory_space<semaphore_mem>>)
      %dma_wait3A_198 = tpu.memref_slice %arg9[%mul3A_0] : memref<10240xf32, #tpu.memory_space<vmem_shared>> -> memref<640xf32, #tpu.memory_space<vmem_shared>>
      %dma_wait3A_199 = tpu.memref_slice %arg9[%mul3A_0] : memref<10240xf32, #tpu.memory_space<vmem_shared>> -> memref<640xf32, #tpu.memory_space<vmem_shared>>
      tpu.wait_dma2 semaphore(%run_scoped3A : memref<!tpu.dma_semaphore, #tpu.memory_space<semaphore_mem>>) src(%dma_wait3A_199 : memref<640xf32, #tpu.memory_space<vmem_shared>>) dst(%arg18 : memref<640xf32, #tpu.memory_space<vmem>>)
      tpu.yield
    }) : () -> ()
    "tpu.region"() ({
      %run_scoped3A = tpu.sem_alloc : memref<!tpu.dma_semaphore, #tpu.memory_space<semaphore_mem>>
      %dma_start3A_196 = tpu.memref_slice %arg7[%arg0, %mul3A_0] : memref<2x10240xf32, #tpu.memory_space<hbm>> -> memref<1x640xf32, #tpu.memory_space<hbm>>
      %dma_start3A_197 = tpu.memref_squeeze %dma_start3A_196 : memref<1x640xf32, #tpu.memory_space<hbm>> -> memref<640xf32, #tpu.memory_space<hbm>>
      %dma_start3A_198 = tpu.memref_slice %arg7[%arg0, %mul3A_0] : memref<2x10240xf32, #tpu.memory_space<hbm>> -> memref<1x640xf32, #tpu.memory_space<hbm>>
      %dma_start3A_199 = tpu.memref_squeeze %dma_start3A_198 : memref<1x640xf32, #tpu.memory_space<hbm>> -> memref<640xf32, #tpu.memory_space<hbm>>
      tpu.enqueue_dma source(%arg18 : memref<640xf32, #tpu.memory_space<vmem>>) target(%dma_start3A_199 : memref<640xf32, #tpu.memory_space<hbm>>) target_semaphore(%run_scoped3A : memref<!tpu.dma_semaphore, #tpu.memory_space<semaphore_mem>>)
      %dma_wait3A_200 = tpu.memref_slice %arg7[%arg0, %mul3A_0] : memref<2x10240xf32, #tpu.memory_space<hbm>> -> memref<1x640xf32, #tpu.memory_space<hbm>>
      %dma_wait3A_201 = tpu.memref_squeeze %dma_wait3A_200 : memref<1x640xf32, #tpu.memory_space<hbm>> -> memref<640xf32, #tpu.memory_space<hbm>>
      %dma_wait3A_202 = tpu.memref_slice %arg7[%arg0, %mul3A_0] : memref<2x10240xf32, #tpu.memory_space<hbm>> -> memref<1x640xf32, #tpu.memory_space<hbm>>
      %dma_wait3A_203 = tpu.memref_squeeze %dma_wait3A_202 : memref<1x640xf32, #tpu.memory_space<hbm>> -> memref<640xf32, #tpu.memory_space<hbm>>
      tpu.wait_dma2 semaphore(%run_scoped3A : memref<!tpu.dma_semaphore, #tpu.memory_space<semaphore_mem>>) src(%arg18 : memref<640xf32, #tpu.memory_space<vmem>>) dst(%dma_wait3A_203 : memref<640xf32, #tpu.memory_space<hbm>>)
      tpu.yield
    }) : () -> ()
    return
  }
}

module attributes {stable_mosaic.version = 14 : i64} {
  func.func @body(%arg0: memref<10000x128xf32, #tpu.memory_space<vmem>>, %arg1: memref<128x128xf32, #tpu.memory_space<vmem>>, %arg2: memref<10000x128xf32, #tpu.memory_space<vmem>>) attributes {dimension_semantics = [], scalar_prefetch = 0 : i64, scratch_operands = 0 : i64, tpu.core_type = #tpu.core_type<tc>} {
    %get3A = arith.constant 0 : index
    %get3A_0 = arith.constant 0 : index
    %get3A_1 = vector.load %arg0[%get3A, %get3A_0] : memref<10000x128xf32, #tpu.memory_space<vmem>>, vector<10000x128xf32>
    %get3A_2 = arith.constant 0 : index
    %get3A_3 = arith.constant 0 : index
    %get3A_4 = vector.load %arg1[%get3A_2, %get3A_3] : memref<128x128xf32, #tpu.memory_space<vmem>>, vector<128x128xf32>
    %dot_general3A = arith.constant dense<0.000000e+00> : vector<10000x128xf32>
    %dot_general3A_5 = tpu.matmul %get3A_1, %get3A_4, %dot_general3A {dimension_numbers = #tpu.dot_dimension_numbers<[1], [1], [0], [0], [0, 0, 1, 0], [], []>, transpose_lhs_hint = false} : vector<10000x128xf32>, vector<128x128xf32>, vector<10000x128xf32> -> vector<10000x128xf32>
    %swap3A = arith.constant 0 : index
    %swap3A_6 = arith.constant 0 : index
    %swap3A_7 = vector.load %arg2[%swap3A, %swap3A_6] : memref<10000x128xf32, #tpu.memory_space<vmem>>, vector<10000x128xf32>
    tpu.vector_store %arg2[%swap3A, %swap3A_6], %dot_general3A_5 {strides = array<i32>} : memref<10000x128xf32, #tpu.memory_space<vmem>>, vector<10000x128xf32>,
    return
  }
}

module attributes {stable_mosaic.version = 14 : i64} {
  func.func @body(%arg0: memref<2x10240x128xf32, #tpu.memory_space<vmem>>, %arg1: memref<2x10240xf32, #tpu.memory_space<vmem>>, %arg2: memref<10000x128xf32, #tpu.memory_space<vmem>>, %arg3: memref<128x128xf32, #tpu.memory_space<vmem>>, %arg4: memref<1x128xf32, #tpu.memory_space<vmem>>, %arg5: memref<1x128xf32, #tpu.memory_space<vmem>>, %arg6: memref<1x128xf32, #tpu.memory_space<vmem>>, %arg7: memref<1x128xf32, #tpu.memory_space<vmem>>, %arg8: memref<10000x128xf32, #tpu.memory_space<vmem>>) attributes {dimension_semantics = [], scalar_prefetch = 0 : i64, scratch_operands = 0 : i64, tpu.core_type = #tpu.core_type<tc>} {
    %get3A = arith.constant 0 : index
    %get3A_0 = arith.constant 0 : index
    %get3A_1 = arith.constant 0 : index
    %get3A_2 = vector.load %arg0[%get3A, %get3A_0, %get3A_1] : memref<2x10240x128xf32, #tpu.memory_space<vmem>>, vector<1x10000x128xf32>
    %get3A_3 = vector.shape_cast %get3A_2 : vector<1x10000x128xf32> to vector<10000x128xf32>
    %get3A_4 = arith.constant 1 : index
    %get3A_5 = arith.constant 0 : index
    %get3A_6 = arith.constant 0 : index
    %get3A_7 = vector.load %arg0[%get3A_4, %get3A_5, %get3A_6] : memref<2x10240x128xf32, #tpu.memory_space<vmem>>, vector<1x10000x128xf32>
    %get3A_8 = vector.shape_cast %get3A_7 : vector<1x10000x128xf32> to vector<10000x128xf32>
    %add3A = arith.addf %get3A_3, %get3A_8 : vector<10000x128xf32>
    %get3A_9 = arith.constant 0 : index
    %get3A_10 = arith.constant 0 : index
    %get3A_11 = vector.load %arg1[%get3A_9, %get3A_10] : memref<2x10240xf32, #tpu.memory_space<vmem>>, vector<2x10240xf32>
    %reduce_sum3A = arith.constant dense<0.000000e+00> : vector<10240xf32>
    %reduce_sum3A_12 = vector.multi_reduction <add>, %get3A_11, %reduce_sum3A [0] : vector<2x10240xf32> to vector<10240xf32>
    %broadcast_in_dim3A = vector.shape_cast %reduce_sum3A_12 : vector<10240xf32> to vector<1x10240xf32>
    %slice3A = vector.extract_strided_slice %broadcast_in_dim3A {offsets = [0, 0], sizes = [1, 10000], strides = [1, 1]} : vector<1x10240xf32> to vector<1x10000xf32>
    %transpose3A = tpu.transpose %slice3A, [1, 0] : vector<1x10000xf32> -> vector<10000x1xf32>
    %max3A = arith.constant 1.000000e+00 : f32
    %max3A_13 = vector.broadcast %max3A : f32 to vector<10000x1xf32>
    %max3A_14 = arith.maximumf %transpose3A, %max3A_13 : vector<10000x1xf32>
    %div3A = vector.broadcast %max3A_14 : vector<10000x1xf32> to vector<10000x128xf32>
    %div3A_15 = arith.divf %add3A, %div3A : vector<10000x128xf32>
    %get3A_16 = arith.constant 0 : index
    %get3A_17 = arith.constant 0 : index
    %get3A_18 = vector.load %arg3[%get3A_16, %get3A_17] : memref<128x128xf32, #tpu.memory_space<vmem>>, vector<128x128xf32>
    %dot_general3A = arith.constant dense<0.000000e+00> : vector<10000x128xf32>
    %dot_general3A_19 = tpu.matmul %div3A_15, %get3A_18, %dot_general3A {dimension_numbers = #tpu.dot_dimension_numbers<[1], [1], [0], [0], [0, 0, 1, 0], [], []>, transpose_lhs_hint = false} : vector<10000x128xf32>, vector<128x128xf32>, vector<10000x128xf32> -> vector<10000x128xf32>
    %get3A_20 = arith.constant 0 : index
    %get3A_21 = arith.constant 0 : index
    %get3A_22 = vector.load %arg4[%get3A_20, %get3A_21] : memref<1x128xf32, #tpu.memory_space<vmem>>, vector<1x128xf32>
    %add3A_23 = vector.broadcast %get3A_22 : vector<1x128xf32> to vector<10000x128xf32>
    %add3A_24 = arith.addf %dot_general3A_19, %add3A_23 : vector<10000x128xf32>
    %get3A_25 = arith.constant 0 : index
    %get3A_26 = arith.constant 0 : index
    %get3A_27 = vector.load %arg2[%get3A_25, %get3A_26] : memref<10000x128xf32, #tpu.memory_space<vmem>>, vector<10000x128xf32>
    %add3A_28 = arith.addf %add3A_24, %get3A_27 : vector<10000x128xf32>
    %max3A_29 = arith.constant 0.000000e+00 : f32
    %max3A_30 = vector.broadcast %max3A_29 : f32 to vector<10000x128xf32>
    %max3A_31 = arith.maximumf %add3A_28, %max3A_30 : vector<10000x128xf32>
    %reduce_sum3A_32 = arith.constant dense<0.000000e+00> : vector<128xf32>
    %reduce_sum3A_33 = vector.multi_reduction <add>, %max3A_31, %reduce_sum3A_32 [0] : vector<10000x128xf32> to vector<128xf32>
    %broadcast_in_dim3A_34 = vector.shape_cast %reduce_sum3A_33 : vector<128xf32> to vector<1x128xf32>
    %div3A_35 = arith.constant 1.000000e+04 : f32
    %div3A_36 = vector.broadcast %div3A_35 : f32 to vector<1x128xf32>
    %div3A_37 = arith.divf %broadcast_in_dim3A_34, %div3A_36 : vector<1x128xf32>
    %get3A_38 = arith.constant 0 : index
    %get3A_39 = arith.constant 0 : index
    %get3A_40 = vector.load %arg7[%get3A_38, %get3A_39] : memref<1x128xf32, #tpu.memory_space<vmem>>, vector<1x128xf32>
    %mul3A = arith.mulf %div3A_37, %get3A_40 : vector<1x128xf32>
    %sub3A = vector.broadcast %mul3A : vector<1x128xf32> to vector<10000x128xf32>
    %sub3A_41 = arith.subf %max3A_31, %sub3A : vector<10000x128xf32>
    %mul3A_42 = arith.mulf %sub3A_41, %sub3A_41 : vector<10000x128xf32>
    %reduce_sum3A_43 = arith.constant dense<0.000000e+00> : vector<128xf32>
    %reduce_sum3A_44 = vector.multi_reduction <add>, %mul3A_42, %reduce_sum3A_43 [0] : vector<10000x128xf32> to vector<128xf32>
    %broadcast_in_dim3A_45 = vector.shape_cast %reduce_sum3A_44 : vector<128xf32> to vector<1x128xf32>
    %div3A_46 = arith.constant 1.000000e+04 : f32
    %div3A_47 = vector.broadcast %div3A_46 : f32 to vector<1x128xf32>
    %div3A_48 = arith.divf %broadcast_in_dim3A_45, %div3A_47 : vector<1x128xf32>
    %add3A_49 = arith.constant 9.99999974E-6 : f32
    %add3A_50 = vector.broadcast %add3A_49 : f32 to vector<1x128xf32>
    %add3A_51 = arith.addf %div3A_48, %add3A_50 : vector<1x128xf32>
    %rsqrt3A = math.rsqrt %add3A_51 : vector<1x128xf32>
    %mul3A_52 = vector.broadcast %rsqrt3A : vector<1x128xf32> to vector<10000x128xf32>
    %mul3A_53 = arith.mulf %sub3A_41, %mul3A_52 : vector<10000x128xf32>
    %get3A_54 = arith.constant 0 : index
    %get3A_55 = arith.constant 0 : index
    %get3A_56 = vector.load %arg5[%get3A_54, %get3A_55] : memref<1x128xf32, #tpu.memory_space<vmem>>, vector<1x128xf32>
    %mul3A_57 = vector.broadcast %get3A_56 : vector<1x128xf32> to vector<10000x128xf32>
    %mul3A_58 = arith.mulf %mul3A_53, %mul3A_57 : vector<10000x128xf32>
    %get3A_59 = arith.constant 0 : index
    %get3A_60 = arith.constant 0 : index
    %get3A_61 = vector.load %arg6[%get3A_59, %get3A_60] : memref<1x128xf32, #tpu.memory_space<vmem>>, vector<1x128xf32>
    %add3A_62 = vector.broadcast %get3A_61 : vector<1x128xf32> to vector<10000x128xf32>
    %add3A_63 = arith.addf %mul3A_58, %add3A_62 : vector<10000x128xf32>
    %swap3A = arith.constant 0 : index
    %swap3A_64 = arith.constant 0 : index
    %swap3A_65 = vector.load %arg8[%swap3A, %swap3A_64] : memref<10000x128xf32, #tpu.memory_space<vmem>>, vector<10000x128xf32>
    tpu.vector_store %arg8[%swap3A, %swap3A_64], %add3A_63 {strides = array<i32>} : memref<10000x128xf32, #tpu.memory_space<vmem>>, vector<10000x128xf32>,
    return
  }
}

module attributes {stable_mosaic.version = 14 : i64} {
  func.func @body(%arg0: memref<2x10240x128xf32, #tpu.memory_space<vmem>>, %arg1: memref<2x10240xf32, #tpu.memory_space<vmem>>, %arg2: memref<10000x128xf32, #tpu.memory_space<vmem>>, %arg3: memref<128x128xf32, #tpu.memory_space<vmem>>, %arg4: memref<1x128xf32, #tpu.memory_space<vmem>>, %arg5: memref<1x128xf32, #tpu.memory_space<vmem>>, %arg6: memref<1x128xf32, #tpu.memory_space<vmem>>, %arg7: memref<1x128xf32, #tpu.memory_space<vmem>>, %arg8: memref<10000x128xf32, #tpu.memory_space<vmem>>) attributes {dimension_semantics = [], scalar_prefetch = 0 : i64, scratch_operands = 0 : i64, tpu.core_type = #tpu.core_type<tc>} {
    %get3A = arith.constant 0 : index
    %get3A_0 = arith.constant 0 : index
    %get3A_1 = arith.constant 0 : index
    %get3A_2 = vector.load %arg0[%get3A, %get3A_0, %get3A_1] : memref<2x10240x128xf32, #tpu.memory_space<vmem>>, vector<1x10000x128xf32>
    %get3A_3 = vector.shape_cast %get3A_2 : vector<1x10000x128xf32> to vector<10000x128xf32>
    %get3A_4 = arith.constant 1 : index
    %get3A_5 = arith.constant 0 : index
    %get3A_6 = arith.constant 0 : index
    %get3A_7 = vector.load %arg0[%get3A_4, %get3A_5, %get3A_6] : memref<2x10240x128xf32, #tpu.memory_space<vmem>>, vector<1x10000x128xf32>
    %get3A_8 = vector.shape_cast %get3A_7 : vector<1x10000x128xf32> to vector<10000x128xf32>
    %add3A = arith.addf %get3A_3, %get3A_8 : vector<10000x128xf32>
    %get3A_9 = arith.constant 0 : index
    %get3A_10 = arith.constant 0 : index
    %get3A_11 = vector.load %arg1[%get3A_9, %get3A_10] : memref<2x10240xf32, #tpu.memory_space<vmem>>, vector<2x10240xf32>
    %reduce_sum3A = arith.constant dense<0.000000e+00> : vector<10240xf32>
    %reduce_sum3A_12 = vector.multi_reduction <add>, %get3A_11, %reduce_sum3A [0] : vector<2x10240xf32> to vector<10240xf32>
    %broadcast_in_dim3A = vector.shape_cast %reduce_sum3A_12 : vector<10240xf32> to vector<1x10240xf32>
    %slice3A = vector.extract_strided_slice %broadcast_in_dim3A {offsets = [0, 0], sizes = [1, 10000], strides = [1, 1]} : vector<1x10240xf32> to vector<1x10000xf32>
    %transpose3A = tpu.transpose %slice3A, [1, 0] : vector<1x10000xf32> -> vector<10000x1xf32>
    %max3A = arith.constant 1.000000e+00 : f32
    %max3A_13 = vector.broadcast %max3A : f32 to vector<10000x1xf32>
    %max3A_14 = arith.maximumf %transpose3A, %max3A_13 : vector<10000x1xf32>
    %div3A = vector.broadcast %max3A_14 : vector<10000x1xf32> to vector<10000x128xf32>
    %div3A_15 = arith.divf %add3A, %div3A : vector<10000x128xf32>
    %get3A_16 = arith.constant 0 : index
    %get3A_17 = arith.constant 0 : index
    %get3A_18 = vector.load %arg3[%get3A_16, %get3A_17] : memref<128x128xf32, #tpu.memory_space<vmem>>, vector<128x128xf32>
    %dot_general3A = arith.constant dense<0.000000e+00> : vector<10000x128xf32>
    %dot_general3A_19 = tpu.matmul %div3A_15, %get3A_18, %dot_general3A {dimension_numbers = #tpu.dot_dimension_numbers<[1], [1], [0], [0], [0, 0, 1, 0], [], []>, transpose_lhs_hint = false} : vector<10000x128xf32>, vector<128x128xf32>, vector<10000x128xf32> -> vector<10000x128xf32>
    %get3A_20 = arith.constant 0 : index
    %get3A_21 = arith.constant 0 : index
    %get3A_22 = vector.load %arg4[%get3A_20, %get3A_21] : memref<1x128xf32, #tpu.memory_space<vmem>>, vector<1x128xf32>
    %add3A_23 = vector.broadcast %get3A_22 : vector<1x128xf32> to vector<10000x128xf32>
    %add3A_24 = arith.addf %dot_general3A_19, %add3A_23 : vector<10000x128xf32>
    %get3A_25 = arith.constant 0 : index
    %get3A_26 = arith.constant 0 : index
    %get3A_27 = vector.load %arg2[%get3A_25, %get3A_26] : memref<10000x128xf32, #tpu.memory_space<vmem>>, vector<10000x128xf32>
    %add3A_28 = arith.addf %add3A_24, %get3A_27 : vector<10000x128xf32>
    %max3A_29 = arith.constant 0.000000e+00 : f32
    %max3A_30 = vector.broadcast %max3A_29 : f32 to vector<10000x128xf32>
    %max3A_31 = arith.maximumf %add3A_28, %max3A_30 : vector<10000x128xf32>
    %reduce_sum3A_32 = arith.constant dense<0.000000e+00> : vector<128xf32>
    %reduce_sum3A_33 = vector.multi_reduction <add>, %max3A_31, %reduce_sum3A_32 [0] : vector<10000x128xf32> to vector<128xf32>
    %broadcast_in_dim3A_34 = vector.shape_cast %reduce_sum3A_33 : vector<128xf32> to vector<1x128xf32>
    %div3A_35 = arith.constant 1.000000e+04 : f32
    %div3A_36 = vector.broadcast %div3A_35 : f32 to vector<1x128xf32>
    %div3A_37 = arith.divf %broadcast_in_dim3A_34, %div3A_36 : vector<1x128xf32>
    %get3A_38 = arith.constant 0 : index
    %get3A_39 = arith.constant 0 : index
    %get3A_40 = vector.load %arg7[%get3A_38, %get3A_39] : memref<1x128xf32, #tpu.memory_space<vmem>>, vector<1x128xf32>
    %mul3A = arith.mulf %div3A_37, %get3A_40 : vector<1x128xf32>
    %sub3A = vector.broadcast %mul3A : vector<1x128xf32> to vector<10000x128xf32>
    %sub3A_41 = arith.subf %max3A_31, %sub3A : vector<10000x128xf32>
    %mul3A_42 = arith.mulf %sub3A_41, %sub3A_41 : vector<10000x128xf32>
    %reduce_sum3A_43 = arith.constant dense<0.000000e+00> : vector<128xf32>
    %reduce_sum3A_44 = vector.multi_reduction <add>, %mul3A_42, %reduce_sum3A_43 [0] : vector<10000x128xf32> to vector<128xf32>
    %broadcast_in_dim3A_45 = vector.shape_cast %reduce_sum3A_44 : vector<128xf32> to vector<1x128xf32>
    %div3A_46 = arith.constant 1.000000e+04 : f32
    %div3A_47 = vector.broadcast %div3A_46 : f32 to vector<1x128xf32>
    %div3A_48 = arith.divf %broadcast_in_dim3A_45, %div3A_47 : vector<1x128xf32>
    %add3A_49 = arith.constant 9.99999974E-6 : f32
    %add3A_50 = vector.broadcast %add3A_49 : f32 to vector<1x128xf32>
    %add3A_51 = arith.addf %div3A_48, %add3A_50 : vector<1x128xf32>
    %rsqrt3A = math.rsqrt %add3A_51 : vector<1x128xf32>
    %mul3A_52 = vector.broadcast %rsqrt3A : vector<1x128xf32> to vector<10000x128xf32>
    %mul3A_53 = arith.mulf %sub3A_41, %mul3A_52 : vector<10000x128xf32>
    %get3A_54 = arith.constant 0 : index
    %get3A_55 = arith.constant 0 : index
    %get3A_56 = vector.load %arg5[%get3A_54, %get3A_55] : memref<1x128xf32, #tpu.memory_space<vmem>>, vector<1x128xf32>
    %mul3A_57 = vector.broadcast %get3A_56 : vector<1x128xf32> to vector<10000x128xf32>
    %mul3A_58 = arith.mulf %mul3A_53, %mul3A_57 : vector<10000x128xf32>
    %get3A_59 = arith.constant 0 : index
    %get3A_60 = arith.constant 0 : index
    %get3A_61 = vector.load %arg6[%get3A_59, %get3A_60] : memref<1x128xf32, #tpu.memory_space<vmem>>, vector<1x128xf32>
    %add3A_62 = vector.broadcast %get3A_61 : vector<1x128xf32> to vector<10000x128xf32>
    %add3A_63 = arith.addf %mul3A_58, %add3A_62 : vector<10000x128xf32>
    %swap3A = arith.constant 0 : index
    %swap3A_64 = arith.constant 0 : index
    %swap3A_65 = vector.load %arg8[%swap3A, %swap3A_64] : memref<10000x128xf32, #tpu.memory_space<vmem>>, vector<10000x128xf32>
    tpu.vector_store %arg8[%swap3A, %swap3A_64], %add3A_63 {strides = array<i32>} : memref<10000x128xf32, #tpu.memory_space<vmem>>, vector<10000x128xf32>,
    return
  }
}

</mosaic_0001>

<sc_bundles>
// kernel: kernel.11.cloned.1.call-start
scs
__scs_entry_jumppad:
0x0: {  	(pc) =	sbr.rel $0x88, $3  }
0x1: {  	(tag) =	ssettag $0x0;
	lr =	simm.s32 $0x1  }
0x2: {  	[smem:$0x3F96] =	sst lr;
	_ =	strace $0xD0000000  }
0x3: {  	_ = 	snop  }
0x4: {  	_ = 	snop  }
0x5: {  	_ = 	snop  }
0x6: {  	_ = 	snop  }
0x7: {  	_ = 	snop  }
__scs_overlays_trampoline_lowered:
0x8: {  	[smem:$0x3FA5] =	sst s0  }
0x9: {  	[smem:$0x3FA6] =	sst s1  }
0xa: {  	[smem:$0x3FA7] =	sst s2  }
0xb: {  	[smem:$0x3FA8] =	sst s3  }
0xc: {  	[smem:$0x3FA9] =	sst s4  }
0xd: {  	[smem:$0x3FAA] =	sst s5  }
0xe: {  	[smem:$0x3FAB] =	sst s6  }
0xf: {  	[smem:$0x3FAC] =	sst s7  }
0x10: {  	[smem:$0x3FAD] =	sst s8  }
0x11: {  	[smem:$0x3FAE] =	sst s9;
	s0 =	simm.s32 @!p0 $0x0  }
0x12: {  	s1 =	sld [smem:$0x3F94];
	s0 =	simm.s32 @p0 $0x1  }
0x13: {  	[smem:$0x3FAF] =	sst s0;
	s0 =	simm.s32 @!p1 $0x0  }
0x14: {  	s2 =	sld [smem:$0x3F93];
	s0 =	simm.s32 @p1 $0x1  }
0x15: {  	[smem:$0x3FB0] =	sst s0;
	s0 =	simm.s32 @!p2 $0x0  }
0x16: {  	s3 =	sld [smem:$0x3FDB];
	s0 =	simm.s32 @p2 $0x1  }
0x17: {  	s4 =	simm.s32 $0x1BF5;
	[smem:$0x3FB2] =	sst s0  }
0x18: {  	s0 =	sld [smem:$0x3F95];
	_ =	swait.ge [sflag:s4], $0x0  }
0x19: {  	s7 =	sld [smem:$0x3F96]  }
0x1a: {  	s8 =	sadd.s32 $0xFFFFE003, lr  }
0x1b: {  	s9 =	sadd.s32 $0xFFFFFEF7, lr;
	s5 =	simm.s32 $0xFFFFFFFF;
	p2 =	slt.u32 s8, $0xFFFFF086  }
0x1c: {  	p1 =	slt.u32 s9, $0xF7A;
	s5 =	simm.s32 @!p2 $0x0  }
0x1d: {  	s5 =	simm.s32 @p1 $0x1;
	p0 =	seq.s32 s7, s2  }
0x1e: {  	s7 =	smul.u32 @!p0 $0xF7A, s2;
	p2 =	seq.s32 @!p0 s5, $0x0  }
0x1f: {  	s9 =	smul.u32 $0xF7A, s1;
	s8 =	simm.s32 @!p0 $0x1BF5;
	p2 =	por !p2, p0  }
0x20: {  	[sflag:s8] =	ssyncset.s32 @!p0 $0xFFFFF086;
	s6 =	sadd.s32 @!p0 s3, s7;
	s7 =	simm.s32 @!p0 $0x108  }
0x21: {  	s3 =	sadd.s32 s3, s9;
	s6 =	sadd.s32 @!p0 $0x88, s6;
	s7 =	simm.s32 @p2 $0x1082  }
0x22: {  	[simem:s7], [sflag:s8] =	dma.local @!p0 [hbm:s6], $0xF7A  }
0x23: {  	s9 =	sor.u32 $0xD0000000, s2;
	s6 =	simm.s32 $0x108;
	_ =	swait.ge @!p0 [sflag:s8], $0x0  }
0x24: {  	s3 =	sadd.s32 $0x88, s3;
	s6 =	simm.s32 @!p1 $0x1082;
	[sflag:s4] =	ssyncset.s32 $0xFFFFF086  }
0x25: {  	[simem:s6], [sflag:s4] =	dma.local [hbm:s3], $0xF7A  }
0x26: {  	[smem:$0x3F96] =	sst s1;
	(tag) =	ssettag s2;
	_ =	strace s9  }
0x27: {  	s1 =	sld [smem:$0x3FA6]  }
0x28: {  	s2 =	sld [smem:$0x3FA7]  }
0x29: {  	s4 =	sld [smem:$0x3FA9]  }
0x2a: {  	p0 =	seq.s32 s5, $0x0;
	s5 =	sld [smem:$0x3FAA]  }
0x2b: {  	s6 =	sld [smem:$0x3FAB]  }
0x2c: {  	s7 =	sld [smem:$0x3FAC]  }
0x2d: {  	s3 =	simm.s32 $0x108;
	s8 =	sld [smem:$0x3FAD]  }
0x2e: {  	s3 =	simm.s32 @!p0 $0x1082;
	s9 =	sld [smem:$0x3FAE]  }
0x2f: {  	lr =	sadd.s32 s0, s3;
	s0 =	sld [smem:$0x3FA5]  }
0x30: {  	s3 =	sld [smem:$0x3FA8]  }
0x31: {  	[smem:$0x3FB1] =	sst s10  }
0x32: {  	s10 =	sld [smem:$0x3FAF];
	_ =	sdelay $0x3  }
0x33: {  	p0 =	seq.s32 s10, $0x1;
	s10 =	sld [smem:$0x3FB1];
	_ =	sdelay $0x3  }
0x34: {  	[smem:$0x3FB1] =	sst s10  }
0x35: {  	s10 =	sld [smem:$0x3FB0];
	_ =	sdelay $0x3  }
0x36: {  	p1 =	seq.s32 s10, $0x1;
	s10 =	sld [smem:$0x3FB1];
	_ =	sdelay $0x3  }
0x37: {  	[smem:$0x3FB1] =	sst s10  }
0x38: {  	s10 =	sld [smem:$0x3FB2]  }
0x39: {  	_ = 	snop;
	(pc) =	sbr.ind lr, $3  }
0x3a: {  	_ = 	snop  }
0x3b: {  	_ = 	snop  }
0x3c: {  	p2 =	seq.s32 s10, $0x1;
	s10 =	sld [smem:$0x3FB1]  }
0x3d: {  	_ =	shalt  }
0x3e: {  	_ =	shalt  }
0x3f: {  	_ =	shalt  }
0x40: {  	_ =	shalt  }
0x41: {  	_ =	shalt  }
0x42: {  	_ =	shalt  }
0x43: {  	_ =	shalt  }
0x44: {  	_ =	shalt  }
0x45: {  	_ =	shalt  }
0x46: {  	_ =	shalt  }
0x47: {  	_ =	shalt  }
0x48: {  	_ =	shalt  }
0x49: {  	_ =	shalt  }
0x4a: {  	_ =	shalt  }
0x4b: {  	_ =	shalt  }
0x4c: {  	_ =	shalt  }
0x4d: {  	_ =	shalt  }
0x4e: {  	_ =	shalt  }
0x4f: {  	_ =	shalt  }
0x50: {  	_ =	shalt  }
0x51: {  	_ =	shalt  }
0x52: {  	_ =	shalt  }
0x53: {  	_ =	shalt  }
0x54: {  	_ =	shalt  }
0x55: {  	_ =	shalt  }
0x56: {  	_ =	shalt  }
0x57: {  	_ =	shalt  }
0x58: {  	_ =	shalt  }
0x59: {  	_ =	shalt  }
0x5a: {  	_ =	shalt  }
0x5b: {  	_ =	shalt  }
0x5c: {  	_ =	shalt  }
0x5d: {  	_ =	shalt  }
0x5e: {  	_ =	shalt  }
0x5f: {  	_ =	shalt  }
0x60: {  	_ =	shalt  }
0x61: {  	_ =	shalt  }
0x62: {  	_ =	shalt  }
0x63: {  	_ =	shalt  }
0x64: {  	_ =	shalt  }
0x65: {  	_ =	shalt  }
0x66: {  	_ =	shalt  }
0x67: {  	_ =	shalt  }
0x68: {  	_ =	shalt  }
0x69: {  	_ =	shalt  }
0x6a: {  	_ =	shalt  }
0x6b: {  	_ =	shalt  }
0x6c: {  	_ =	shalt  }
0x6d: {  	_ =	shalt  }
0x6e: {  	_ =	shalt  }
0x6f: {  	_ =	shalt  }
0x70: {  	_ =	shalt  }
0x71: {  	_ =	shalt  }
0x72: {  	_ =	shalt  }
0x73: {  	_ =	shalt  }
0x74: {  	_ =	shalt  }
0x75: {  	_ =	shalt  }
0x76: {  	_ =	shalt  }
0x77: {  	_ =	shalt  }
0x78: {  	_ =	shalt  }
0x79: {  	_ =	shalt  }
0x7a: {  	_ =	shalt  }
0x7b: {  	_ =	shalt  }
0x7c: {  	_ =	shalt  }
0x7d: {  	_ =	shalt  }
0x7e: {  	_ =	shalt  }
0x7f: {  	_ =	shalt  }
0x80: {  	_ =	shalt  }
0x81: {  	_ =	shalt  }
0x82: {  	_ =	shalt  }
0x83: {  	_ =	shalt  }
0x84: {  	_ =	shalt  }
0x85: {  	_ =	shalt  }
0x86: {  	_ =	shalt  }
0x87: {  	_ =	shalt  }
.Lfunc_end0:
.L_simem_size_0:
called_computation.1_lowered:
.L_overlay_start_0:
0x88: {  	s2 =	sld [smem:$0x3FD9]  }
0x89: {  	s3 =	sld [smem:$0x3FFE];
	_ =	sdelay $0x1  }
0x8a: {  	s1 =	srdreg.scid  }
0x8b: {  	s0 =	sand.u32 $0x1, s1  }
0x8c: {  	s17 =	sshll.u32 s0, $0xA;
	s2 =	sadd.s32 s3, s2  }
0x8d: {  	s2 =	sadd.s32 s2, s17  }
0x8e: {  	[smem:$0x3FBD] =	sst s2  }
0x8f: {  	_ = 	snop  }
0x90: {  	s2 =	sld [smem:$0x3FD0];
	(tm) =	ssettm $0x1  }
0x91: {  	s18 =	sld [smem:$0x3FFB];
	_ =	sdelay $0x3  }
0x92: {  	_ =	strace s18  }
0x93: {  	s3 =	sld [smem:$0x3FFC];
	_ =	sdelay $0x3  }
0x94: {  	_ =	strace s3  }
0x95: {  	s3 =	sld [smem:$0x3FFD];
	_ =	sdelay $0x3  }
0x96: {  	_ =	strace s3  }
0x97: {  	_ =	strace $0x8FFFFFFF  }
0x98: {  	s19 =	sld [smem:$0x3FDB];
	_ =	sdelay $0x1  }
0x99: {  	s4 =	simm.s32 $_scs_section_size  }
0x9a: {  	s5 =	simm.s32 $_size__tile_overlayer_lowered;
	s6 =	simm.s32 $_tile_overlayer_lowered  }
0x9b: {  	s22 =	simm.s32 $0x1BFF;
	s21 =	sshll.u32 s6, $0x1;
	s3 =	sadd.s32 s4, s19  }
0x9c: {  	s7 =	simm.s32 $0x0;
	s20 =	sshll.u32 s5, $0x1;
	s5 =	sadd.s32 s21, s3  }
0x9d: {  	[timem:s7], [sflag:s22] =	dma.local [hbm:s5], s20  }
0x9e: {  	_ =	swait.ge [sflag:s22], s20  }
0x9f: {  	s4 =	ssub.s32 $0x0, s20;
	[sflag:s22] =	ssyncset.done $0x0  }
0xa0: {  	[sflag:s22] =	ssyncadd.s32 s4;
	_ =	sdelay $0x1  }
0xa1: {  	s23 =	simm.s32 $0x1B8B  }
0xa2: {  	_ =	swait.ge [sflag:s23], $0x1  }
0xa3: {  	[sflag:s23] =	ssyncset.done $0x0  }
0xa4: {  	s25 =	simm.s32 $0x1B8E;
	s24 =	sld [smem:$0x3FFE];
	[sflag:s23] =	ssyncadd.s32 $0xFFFFFFFF  }
0xa5: {  	s26 =	simm.s32 $execute0_lowered;
	[smem:$0x3FD2] =	sst s25  }
0xa6: {  	s5 =	sshll.u32 s26, $0x1;
	_ =	strace $0x80000049;
	[dreg:$0x1] =	wrdreg $0xFFFFFFFF  }
0xa7: {  	s28 =	simm.s32 $_size_execute0_lowered;
	s3 =	sadd.s32 s3, s5;
	[dreg:$0x0] =	wrdreg $0x0  }
0xa8: {  	s5 =	sshll.u32 s28, $0x1;
	[dreg:$0x2] =	wrdreg s3  }
0xa9: {  	[dreg:$0x3] =	wrdreg s5  }
0xaa: {  	[dreg:$0x4] =	wrdreg $0xC0  }
0xab: {  	_ =	task [dreg:s7], $0x5FFFF  }
0xac: {  	[dreg:$0x1] =	wrdreg $0xFFFFFFFF  }
0xad: {  	[dreg:$0x0] =	wrdreg $0x60  }
0xae: {  	[dreg:$0x2] =	wrdreg s2  }
0xaf: {  	[dreg:$0x3] =	wrdreg s24  }
0xb0: {  	[dreg:$0x4] =	wrdreg $0x0  }
0xb1: {  	[dreg:$0x5] =	wrdreg $0x140000  }
0xb2: {  	[dreg:$0x6] =	wrdreg $0x9  }
0xb3: {  	_ =	task.clear_ibuf [dreg:s7], $0x7FFFF;
	_ =	strace $0x90000049  }
0xb4: {  	s29 =	simm.s32 $0x9;
	_ =	strace $0x8000004B  }
0xb5: {  	_ =	swait.ge [sflag:s29], $0x1  }
0xb6: {  	[sflag:s29] =	ssyncadd.s32 $0xFFFFFFFF  }
0xb7: {  	_ =	strace $0x9000004B  }
0xb8: {  	_ =	sfence  }
0xb9: {  	s30 =	sld [smem:$0x0];
	_ =	sdelay $0x2  }
0xba: {  	s31 =	sshll.u32 s1, $0xD;
	s1 =	sshrl.u32 s1, $0x2  }
0xbb: {  	s3 =	sand.u32 $0x4000, s31;
	s1 =	sadd.s32 s1, s30  }
0xbc: {  	s0 =	sor.u32 s3, s0;
	s1 =	sshll.u32 s1, $0x11  }
0xbd: {  	s0 =	sor.u32 s1, s0  }
0xbe: {  	s0 =	sadd.s32 $0x8F2B, s0  }
0xbf: {  	[sflag:s0] =	ssyncadd.remote.s32 $0x1  }
0xc0: {  	_ =	sfence.sel $0xFFFF  }
0xc1: {  	[dreg:$0x0] =	wrdreg $0xFFFFFFFF;
	(pc) =	sbr.abs _section_cstart, $3  }
0xc2: {  	[dreg:$0x1] =	wrdreg $0xFFFFFFFF  }
0xc3: {  	_ =	task.clear_ibuf [dreg:s7], $0x2FFFF;
	_ =	strace $0x9FFFFFFF  }
0xc4: {  	(tm) =	ssettm $0x7FFFFFFF  }
0xc5: {  	_ =	shalt  }
tec
execute0_lowered:
.L_overlay_start_1:
0x0: {  	(tag) =	ssettag $0x1  }
0x1: {  	s0 =	rddreg [dreg:$0x0]  }
0x2: {  	s1 =	rddreg [dreg:$0x1];
	s4 =	srdreg.scid  }
0x3: {  	s2 =	rddreg [dreg:$0x2];
	s3 =	simm.s32 $0x0;
	s21 =	stileid.u32  }
0x4: {  	s28 =	simm.s32 $0x1BB80;
	s29 =	simm.s32 $0x4;
	s30 =	simm.s32 $0x5  }
0x5: {  	s31 =	simm.s32 $0x6;
	s5 =	sand.u32 $0x1, s4;
	s12 =	smul.u32 $0x500, s21  }
0x6: {  	[smem:$0x7FF] =	sst s3;
	s7 =	sadd.s32 $0x17000, s1;
	s10 =	smul.u32 $0x280, s21  }
0x7: {  	s4 =	sshll.u32 s5, $0x4;
	s8 =	sshll.u32 s5, $0x7;
	s11 =	smul.u32 $0x140000, s5  }
0x8: {  	s9 =	ssub.s32 $0x2, s5;
	s5 =	smul.u32 $0x27100, s5;
	s6 =	sor.u32 s21, s4  }
0x9: {  	s8 =	sor.u32 s8, s12;
	s13 =	sshrl.u32 s9, $0x1;
	s14 =	sshll.u32 s10, $0x7  }
0xa: {  	s12 =	smul.u32 $0x14000, s21;
	s4 =	ssub.s32 s9, s13;
	s13 =	sor.u32 $0x2800, s14  }
0xb: {  	s15 =	sadd.s32 $0x5000, s14;
	s16 =	sadd.s32 $0x7800, s14;
	s17 =	sadd.s32 $0xA000, s14  }
0xc: {  	s18 =	sadd.s32 $0xC800, s14;
	s19 =	sadd.s32 $0xF000, s14;
	s9 =	sadd.s32 $0x11800, s14  }
0xd: {  	s6 =	smul.u32 $0x2710, s6;
	s12 =	sadd.s32 s12, s11;
	s20 =	sadd.s32 s11, s13  }
0xe: {  	s14 =	sadd.s32 s11, s15;
	s24 =	sadd.s32 s11, s17;
	s25 =	sadd.s32 s11, s18  }
0xf: {  	s26 =	sadd.s32 s11, s19;
	s15 =	sadd.s32 s15, s2;
	s4 =	smax.u32 s4, $0x1  }
0x10: {  	s12 =	sshrl.u32 s12, $0x3;
	s14 =	sshrl.u32 s14, $0x3;
	s6 =	sshrl.u32 s6, $0x3  }
0x11: {  	s12 =	sadd.s32 s7, s12;
	s22 =	sadd.s32 s7, s14;
	s14 =	sshrl.u32 s25, $0x3  }
0x12: {  	s25 =	sadd.s32 s6, s1;
	[dreg:$0x5] =	wrdreg s12;
	s12 =	sshrl.u32 s20, $0x3  }
0x13: {  	s20 =	sadd.s32 s11, s16;
	[dreg:$0x7] =	wrdreg s22;
	s14 =	sadd.s32 s7, s14  }
0x14: {  	s11 =	sadd.s32 s11, s9;
	s22 =	smul.u32 $0x2710, s21;
	s12 =	sadd.s32 s7, s12  }
0x15: {  	s23 =	sshrl.u32 s20, $0x3;
	[dreg:$0xa] =	wrdreg s14;
	s20 =	sshrl.u32 s26, $0x3  }
0x16: {  	s11 =	sshrl.u32 s11, $0x3;
	s14 =	sadd.s32 $0x2E00, s1;
	s26 =	sadd.s32 $0xCC00, s25  }
0x17: {  	s25 =	sadd.s32 s17, s2;
	[dreg:$0x6] =	wrdreg s12;
	s12 =	sadd.s32 s7, s23  }
0x18: {  	s17 =	sadd.s32 s19, s2;
	[dreg:$0x8] =	wrdreg s12;
	s12 =	sshrl.u32 s24, $0x3  }
0x19: {  	s5 =	sadd.s32 s22, s5;
	s23 =	sshrl.u32 s8, $0x3;
	s12 =	sadd.s32 s7, s12  }
0x1a: {  	s8 =	simm.s32 $0x16B80;
	[dreg:$0x9] =	wrdreg s12;
	s12 =	sadd.s32 s7, s20  }
0x1b: {  	s24 =	smul.u32 $0x50000, s21;
	s21 =	sadd.s32 s16, s2;
	[dreg:$0xb] =	wrdreg s12  }
0x1c: {  	s16 =	sadd.s32 $0xF0, s5;
	s7 =	sadd.s32 s7, s11;
	s12 =	rddreg [dreg:$0x3]  }
0x1d: {  	[dreg:$0xc] =	wrdreg s7;
	s7 =	sadd.s32 s23, s1;
	s1 =	sadd.s32 $0x16A00, s1  }
0x1e: {  	s19 =	smov.u32 s21;
	_ =	strace $0x8000004A;
	[dreg:$0xd] =	wrdreg s1  }
0x1f: {  	s11 =	sshrl.u32 s24, $0x2;
	s24 =	sadd.s32 s13, s2;
	[dreg:$0xe] =	wrdreg s26  }
0x20: {  	s22 =	sadd.s32 s11, s2;
	s23 =	sadd.s32 s18, s2;
	[dreg:$0x10] =	wrdreg s25  }
0x21: {  	s18 =	smov.u32 s15;
	s11 =	sadd.s32 $0x140, s5;
	[dreg:$0x16] =	wrdreg s4  }
0x22: {  	s20 =	sadd.s32 s10, s12;
	s25 =	sadd.s32 s9, s2;
	[dreg:$0x19] =	wrdreg s16  }
0x23: {  	s26 =	sadd.s32 s14, s6;
	s9 =	sadd.s32 $0x67000, s7;
	[dreg:$0x11] =	wrdreg s23  }
0x24: {  	s10 =	sadd.s32 $0x190, s5;
	s13 =	sshrl.u32 s11, $0x3;
	[dreg:$0x12] =	wrdreg s17  }
0x25: {  	s6 =	simm.s32 $0x7;
	s16 =	simm.s32 $0x16B00;
	[dreg:$0x1d] =	wrdreg s22  }
0x26: {  	s5 =	simm.s32 $0x1;
	s4 =	simm.s32 $0x2;
	[dreg:$0x15] =	wrdreg s9  }
0x27: {  	s11 =	simm.s32 $0x3;
	s1 =	sshrl.u32 s10, $0x3;
	[dreg:$0x14] =	wrdreg s26  }
0x28: {  	s15 =	sadd.s32 s13, s14;
	s21 =	sadd.s32 $0xA, s26;
	[dreg:$0xf] =	wrdreg s20  }
.Ltmp0:
0x29: {  	s26 =	sadd.s32 $0x14, s26;
	[dreg:$0x13] =	wrdreg s25;
	(pc) =	sbr.rel .LBB2_1-.Ltmp0, $4  }
0x2a: {  	s9 =	simm.s32 $0x16A00;
	s10 =	simm.s32 $0x50;
	[dreg:$0x18] =	wrdreg s15  }
0x2b: {  	s13 =	simm.s32 $0x16A80;
	s1 =	sadd.s32 s1, s14;
	[dreg:$0x1a] =	wrdreg s21  }
0x2c: {  	[dreg:$0x1b] =	wrdreg s26;
	s26 =	simm.s32 $0x1E400;
	s15 =	simm.s32 $0x19380  }
0x2d: {  	v0 =	vimm.f32 $1.000000000e+00;
	v1 =	vimm.f32 $0.0e+00;
	s21 =	simm.s32 $0x0;
	[dreg:$0x17] =	wrdreg s1;
	s1 =	simm.s32 $0x1E380  }
.LBB2_4:
0x2e: {  	_ =	swait.ge [sflag:s29], $0x50  }
0x2f: {  	[sflag:s29] =	ssyncset.done $0x0  }
0x30: {  	[sflag:s29] =	ssyncadd.s32 $0xFFFFFFB0  }
0x31: {  	_ =	swait.ge [sflag:s5], $0x2800  }
0x32: {  	[sflag:s5] =	ssyncset.done $0x0  }
0x33: {  	[sflag:s5] =	ssyncadd.s32 $0xFFFFD800  }
0x34: {  	[spmem:s2] =	stream.indirect.scatter.add.f32 [tilespmem:s8], [sflag:$0x7], $0x80, s9, s10, $0xb8;
	[tilespmem:$0x1E680] =	vst v63  }
0x35: {  	_ =	swait.ge [sflag:s6], $0x2800  }
0x36: {  	[sflag:s6] =	ssyncset.done $0x0  }
0x37: {  	[sflag:s6] =	ssyncadd.s32 $0xFFFFD800  }
0x38: {  	[spmem:s12] =	stream.indirect.scatter.add.f32 [tilespmem:s1], [sflag:$0x7], $0x1, s9, s10, $0xb8;
	[tilespmem:$0x1E680] =	vst v63  }
0x39: {  	_ =	swait.ge [sflag:s6], $0x50  }
0x3a: {  	[sflag:s6] =	ssyncset.done $0x0  }
0x3b: {  	[sflag:s6] =	ssyncadd.s32 $0xFFFFFFB0  }
0x3c: {  	_ =	swait.ge [sflag:s30], $0x50  }
0x3d: {  	[sflag:s30] =	ssyncset.done $0x0  }
0x3e: {  	[sflag:s30] =	ssyncadd.s32 $0xFFFFFFB0  }
0x3f: {  	_ =	swait.ge [sflag:s4], $0x2800  }
0x40: {  	[sflag:s4] =	ssyncset.done $0x0  }
0x41: {  	[sflag:s4] =	ssyncadd.s32 $0xFFFFD800  }
0x42: {  	[spmem:s2] =	stream.indirect.scatter.add.f32 [tilespmem:s15], [sflag:$0x7], $0x80, s13, s10, $0xb8;
	[tilespmem:$0x1E680] =	vst v63  }
0x43: {  	_ =	swait.ge [sflag:s6], $0x2800  }
0x44: {  	[sflag:s6] =	ssyncset.done $0x0  }
0x45: {  	[sflag:s6] =	ssyncadd.s32 $0xFFFFD800  }
0x46: {  	[spmem:s12] =	stream.indirect.scatter.add.f32 [tilespmem:s1], [sflag:$0x7], $0x1, s13, s10, $0xb8;
	[tilespmem:$0x1E680] =	vst v63  }
0x47: {  	_ =	swait.ge [sflag:s6], $0x50  }
0x48: {  	[sflag:s6] =	ssyncset.done $0x0  }
0x49: {  	[sflag:s6] =	ssyncadd.s32 $0xFFFFFFB0  }
0x4a: {  	[bflag:$0x0] =	sbarrier.arrive $0xFFFF  }
0x4b: {  	[tilespmem:s8], [sflag:$0x7] =	stream.linear.gather [spmem:s23], $0x2800, $0x38;
	[tilespmem:$0x1E680] =	vst v63  }
0x4c: {  	_ =	swait.ge [sflag:s6], $0x2800  }
0x4d: {  	[sflag:s6] =	ssyncset.done $0x0  }
0x4e: {  	s7 =	rddreg [dreg:$0x5];
	[sflag:s6] =	ssyncadd.s32 $0xFFFFD800  }
0x4f: {  	[hbm4b:s7+s3] =	stream.linear.scatter [tilespmem:s8], [sflag:$0x7], $0x2800, $0x38;
	[tilespmem:$0x1E680] =	vst v63  }
0x50: {  	_ =	swait.ge [sflag:s6], $0x2800  }
0x51: {  	[sflag:s6] =	ssyncset.done $0x0  }
0x52: {  	[sflag:s6] =	ssyncadd.s32 $0xFFFFD800  }
0x53: {  	[tilespmem:s8], [sflag:$0x7] =	stream.linear.gather [spmem:s26], $0x2800, $0x38;
	[tilespmem:$0x1E680] =	vst v63  }
0x54: {  	_ =	swait.ge [sflag:s6], $0x2800  }
0x55: {  	[sflag:s6] =	ssyncset.done $0x0  }
0x56: {  	s23 =	rddreg [dreg:$0x6];
	[sflag:s6] =	ssyncadd.s32 $0xFFFFD800  }
0x57: {  	[hbm4b:s23+s3] =	stream.linear.scatter [tilespmem:s8], [sflag:$0x7], $0x2800, $0x38;
	[tilespmem:$0x1E680] =	vst v63  }
0x58: {  	_ =	swait.ge [sflag:s6], $0x2800  }
0x59: {  	[sflag:s6] =	ssyncset.done $0x0  }
0x5a: {  	[sflag:s6] =	ssyncadd.s32 $0xFFFFD800  }
0x5b: {  	[tilespmem:s8], [sflag:$0x7] =	stream.linear.gather [spmem:s25], $0x2800, $0x38;
	[tilespmem:$0x1E680] =	vst v63  }
0x5c: {  	_ =	swait.ge [sflag:s6], $0x2800  }
0x5d: {  	[sflag:s6] =	ssyncset.done $0x0  }
0x5e: {  	s24 =	smov.u32 s26;
	s26 =	rddreg [dreg:$0x7];
	[sflag:s6] =	ssyncadd.s32 $0xFFFFD800  }
0x5f: {  	[hbm4b:s26+s3] =	stream.linear.scatter [tilespmem:s8], [sflag:$0x7], $0x2800, $0x38;
	[tilespmem:$0x1E680] =	vst v63  }
0x60: {  	_ =	swait.ge [sflag:s6], $0x2800  }
0x61: {  	[sflag:s6] =	ssyncset.done $0x0  }
0x62: {  	[sflag:s6] =	ssyncadd.s32 $0xFFFFD800  }
0x63: {  	[tilespmem:s8], [sflag:$0x7] =	stream.linear.gather [spmem:s22], $0x2800, $0x38;
	[tilespmem:$0x1E680] =	vst v63  }
0x64: {  	_ =	swait.ge [sflag:s6], $0x2800  }
0x65: {  	[sflag:s6] =	ssyncset.done $0x0  }
0x66: {  	s17 =	rddreg [dreg:$0x8];
	[sflag:s6] =	ssyncadd.s32 $0xFFFFD800  }
0x67: {  	[hbm4b:s17+s3] =	stream.linear.scatter [tilespmem:s8], [sflag:$0x7], $0x2800, $0x38;
	[tilespmem:$0x1E680] =	vst v63  }
0x68: {  	_ =	swait.ge [sflag:s6], $0x2800  }
0x69: {  	[sflag:s6] =	ssyncset.done $0x0  }
0x6a: {  	s20 =	rddreg [dreg:$0x10];
	[sflag:s6] =	ssyncadd.s32 $0xFFFFD800  }
0x6b: {  	[tilespmem:s8], [sflag:$0x7] =	stream.linear.gather [spmem:s20], $0x2800, $0x38;
	[tilespmem:$0x1E680] =	vst v63  }
0x6c: {  	_ =	swait.ge [sflag:s6], $0x2800  }
0x6d: {  	[sflag:s6] =	ssyncset.done $0x0  }
0x6e: {  	s21 =	rddreg [dreg:$0x9];
	[sflag:s6] =	ssyncadd.s32 $0xFFFFD800  }
0x6f: {  	[hbm4b:s21+s3] =	stream.linear.scatter [tilespmem:s8], [sflag:$0x7], $0x2800, $0x38;
	[tilespmem:$0x1E680] =	vst v63  }
0x70: {  	_ =	swait.ge [sflag:s6], $0x2800  }
0x71: {  	[sflag:s6] =	ssyncset.done $0x0  }
0x72: {  	s23 =	rddreg [dreg:$0x11];
	[sflag:s6] =	ssyncadd.s32 $0xFFFFD800  }
0x73: {  	[tilespmem:s8], [sflag:$0x7] =	stream.linear.gather [spmem:s23], $0x2800, $0x38;
	[tilespmem:$0x1E680] =	vst v63  }
0x74: {  	_ =	swait.ge [sflag:s6], $0x2800  }
0x75: {  	[sflag:s6] =	ssyncset.done $0x0  }
0x76: {  	s19 =	smov.u32 s22;
	s22 =	rddreg [dreg:$0xa];
	[sflag:s6] =	ssyncadd.s32 $0xFFFFD800  }
0x77: {  	[hbm4b:s22+s3] =	stream.linear.scatter [tilespmem:s8], [sflag:$0x7], $0x2800, $0x38;
	[tilespmem:$0x1E680] =	vst v63  }
0x78: {  	_ =	swait.ge [sflag:s6], $0x2800  }
0x79: {  	[sflag:s6] =	ssyncset.done $0x0  }
0x7a: {  	s17 =	rddreg [dreg:$0x12];
	[sflag:s6] =	ssyncadd.s32 $0xFFFFD800  }
0x7b: {  	[tilespmem:s8], [sflag:$0x7] =	stream.linear.gather [spmem:s17], $0x2800, $0x38;
	[tilespmem:$0x1E680] =	vst v63  }
0x7c: {  	_ =	swait.ge [sflag:s6], $0x2800  }
0x7d: {  	[sflag:s6] =	ssyncset.done $0x0  }
0x7e: {  	s18 =	smov.u32 s25;
	s25 =	rddreg [dreg:$0xb];
	[sflag:s6] =	ssyncadd.s32 $0xFFFFD800  }
0x7f: {  	[hbm4b:s25+s3] =	stream.linear.scatter [tilespmem:s8], [sflag:$0x7], $0x2800, $0x38;
	[tilespmem:$0x1E680] =	vst v63  }
0x80: {  	_ =	swait.ge [sflag:s6], $0x2800  }
0x81: {  	[sflag:s6] =	ssyncset.done $0x0  }
0x82: {  	s25 =	rddreg [dreg:$0x13];
	[sflag:s6] =	ssyncadd.s32 $0xFFFFD800  }
0x83: {  	[tilespmem:s8], [sflag:$0x7] =	stream.linear.gather [spmem:s25], $0x2800, $0x38;
	[tilespmem:$0x1E680] =	vst v63  }
0x84: {  	_ =	swait.ge [sflag:s6], $0x2800  }
0x85: {  	[sflag:s6] =	ssyncset.done $0x0  }
0x86: {  	s26 =	rddreg [dreg:$0xc];
	[sflag:s6] =	ssyncadd.s32 $0xFFFFD800  }
0x87: {  	[hbm4b:s26+s3] =	stream.linear.scatter [tilespmem:s8], [sflag:$0x7], $0x2800, $0x38;
	[tilespmem:$0x1E680] =	vst v63  }
0x88: {  	_ =	swait.ge [sflag:s6], $0x2800  }
0x89: {  	[sflag:s6] =	ssyncset.done $0x0  }
0x8a: {  	s26 =	simm.s32 $0x1E400;
	s20 =	rddreg [dreg:$0xf];
	[sflag:s6] =	ssyncadd.s32 $0xFFFFD800  }
0x8b: {  	[tilespmem:s26], [sflag:$0x7] =	stream.linear.gather [spmem:s20], $0x280, $0x38;
	[tilespmem:$0x1E680] =	vst v63  }
0x8c: {  	_ =	swait.ge [sflag:s6], $0x280  }
0x8d: {  	s21 =	simm.s32 $0x100;
	[sflag:s6] =	ssyncset.done $0x0  }
0x8e: {  	s22 =	simm.s32 $0x80;
	s7 =	rddreg [dreg:$0x15];
	[sflag:s6] =	ssyncadd.s32 $0xFFFFFD80  }
0x8f: {  	[hbm4b:s7+s22] =	stream.strided.scatter [tilespmem:s26], [sflag:$0x7], $0x280, s21, s22, $0x38;
	[tilespmem:$0x1E680] =	vst v63  }
0x90: {  	s22 =	rddreg [dreg:$0x1d];
	_ =	swait.ge [sflag:s6], $0x280  }
0x91: {  	s7 =	rddreg [dreg:$0x1c]  }
0x92: {  	s21 =	sadd.s32 $0x1, s7;
	s7 =	rddreg [dreg:$0x16]  }
0x93: {  	p0 =	sne.s32 s21, s7  }
.Ltmp1:
0x94: {  	_ = 	snop;
	(pc) =	sbr.rel @!p0 .LBB2_5-.Ltmp1, $3  }
0x95: {  	_ =	sdelay $0x1  }
0x96: {  	[sflag:s6] =	ssyncset.done $0x0  }
0x97: {  	[sflag:s6] =	ssyncadd.s32 $0xFFFFFD80  }
.LBB2_1:
0x98: {  	[dreg:$0x1c] =	wrdreg s21  }
0x99: {  	s7 =	rddreg [dreg:$0xe];
	s21 =	simm.s32 $0x14280  }
0x9a: {  	[tilespmem:s21], [sflag:$0x7] =	stream.linear.gather [hbm4b:s7+s3], $0x2710, $0x38;
	[tilespmem:$0x1E680] =	vst v63  }
0x9b: {  	_ =	swait.ge [sflag:s6], $0x2710  }
0x9c: {  	[sflag:s6] =	ssyncset.done $0x0  }
0x9d: {  	[sflag:s6] =	ssyncadd.s32 $0xFFFFD8F0  }
0x9e: {  	[tilespmem:$0x1E380] =	vst v0  }
0x9f: {  	[tilespmem:$0x1E390] =	vst v0  }
0xa0: {  	[tilespmem:$0x1E3A0] =	vst v0  }
0xa1: {  	[tilespmem:$0x1E3B0] =	vst v0  }
0xa2: {  	[tilespmem:$0x1E3C0] =	vst v0  }
0xa3: {  	[tilespmem:$0x1E400] =	vst v1  }
0xa4: {  	[tilespmem:$0x1E410] =	vst v1  }
0xa5: {  	[tilespmem:$0x1E420] =	vst v1  }
0xa6: {  	[tilespmem:$0x1E430] =	vst v1  }
0xa7: {  	[tilespmem:$0x1E440] =	vst v1  }
0xa8: {  	[tilespmem:$0x1E450] =	vst v1  }
0xa9: {  	[tilespmem:$0x1E460] =	vst v1  }
0xaa: {  	[tilespmem:$0x1E470] =	vst v1  }
0xab: {  	[tilespmem:$0x1E480] =	vst v1  }
0xac: {  	[tilespmem:$0x1E490] =	vst v1  }
0xad: {  	[tilespmem:$0x1E4A0] =	vst v1  }
0xae: {  	[tilespmem:$0x1E4B0] =	vst v1  }
0xaf: {  	[tilespmem:$0x1E4C0] =	vst v1  }
0xb0: {  	[tilespmem:$0x1E4D0] =	vst v1  }
0xb1: {  	[tilespmem:$0x1E4E0] =	vst v1  }
0xb2: {  	[tilespmem:$0x1E4F0] =	vst v1  }
0xb3: {  	[tilespmem:$0x1E500] =	vst v1  }
0xb4: {  	[tilespmem:$0x1E510] =	vst v1  }
0xb5: {  	[tilespmem:$0x1E520] =	vst v1  }
0xb6: {  	[tilespmem:$0x1E530] =	vst v1  }
0xb7: {  	[tilespmem:$0x1E540] =	vst v1  }
0xb8: {  	[tilespmem:$0x1E550] =	vst v1  }
0xb9: {  	[tilespmem:$0x1E560] =	vst v1  }
0xba: {  	[tilespmem:$0x1E570] =	vst v1  }
0xbb: {  	[tilespmem:$0x1E580] =	vst v1  }
0xbc: {  	[tilespmem:$0x1E590] =	vst v1  }
0xbd: {  	[tilespmem:$0x1E5A0] =	vst v1  }
0xbe: {  	[tilespmem:$0x1E5B0] =	vst v1  }
0xbf: {  	[tilespmem:$0x1E5C0] =	vst v1  }
0xc0: {  	[tilespmem:$0x1E5D0] =	vst v1  }
0xc1: {  	[tilespmem:$0x1E5E0] =	vst v1  }
0xc2: {  	[tilespmem:$0x1E5F0] =	vst v1  }
0xc3: {  	[tilespmem:$0x1E600] =	vst v1  }
0xc4: {  	[tilespmem:$0x1E610] =	vst v1  }
0xc5: {  	[tilespmem:$0x1E620] =	vst v1  }
0xc6: {  	[tilespmem:$0x1E630] =	vst v1  }
0xc7: {  	[tilespmem:$0x1E640] =	vst v1  }
0xc8: {  	[tilespmem:$0x1E650] =	vst v1  }
0xc9: {  	[tilespmem:$0x1E660] =	vst v1  }
0xca: {  	[tilespmem:$0x1E670] =	vst v1  }
0xcb: {  	[spmem:s20] =	stream.linear.scatter [tilespmem:s26], [sflag:$0x7], $0x280, $0x38;
	[tilespmem:$0x1E680] =	vst v63  }
0xcc: {  	_ =	swait.ge [sflag:s6], $0x280  }
0xcd: {  	[sflag:s6] =	ssyncset.done $0x0  }
0xce: {  	s21 =	rddreg [dreg:$0xd];
	[sflag:s6] =	ssyncadd.s32 $0xFFFFFD80  }
0xcf: {  	[tilespmem:s8], [sflag:$0x7] =	stream.linear.gather [hbm4b:s21+s3], $0x2800, $0x38;
	[tilespmem:$0x1E680] =	vst v63  }
0xd0: {  	_ =	swait.ge [sflag:s6], $0x2800  }
0xd1: {  	[sflag:s6] =	ssyncset.done $0x0  }
0xd2: {  	[sflag:s6] =	ssyncadd.s32 $0xFFFFD800  }
0xd3: {  	[spmem:s22] =	stream.linear.scatter [tilespmem:s8], [sflag:$0x7], $0x2800, $0x38;
	[tilespmem:$0x1E680] =	vst v63  }
0xd4: {  	_ =	swait.ge [sflag:s6], $0x2800  }
0xd5: {  	[sflag:s6] =	ssyncset.done $0x0  }
0xd6: {  	[sflag:s6] =	ssyncadd.s32 $0xFFFFD800  }
0xd7: {  	[spmem:s24] =	stream.linear.scatter [tilespmem:s8], [sflag:$0x7], $0x2800, $0x38;
	[tilespmem:$0x1E680] =	vst v63  }
0xd8: {  	_ =	swait.ge [sflag:s6], $0x2800  }
0xd9: {  	[sflag:s6] =	ssyncset.done $0x0  }
0xda: {  	[sflag:s6] =	ssyncadd.s32 $0xFFFFD800  }
0xdb: {  	[spmem:s18] =	stream.linear.scatter [tilespmem:s8], [sflag:$0x7], $0x2800, $0x38;
	[tilespmem:$0x1E680] =	vst v63  }
0xdc: {  	_ =	swait.ge [sflag:s6], $0x2800  }
0xdd: {  	[sflag:s6] =	ssyncset.done $0x0  }
0xde: {  	[sflag:s6] =	ssyncadd.s32 $0xFFFFD800  }
0xdf: {  	[spmem:s19] =	stream.linear.scatter [tilespmem:s8], [sflag:$0x7], $0x2800, $0x38;
	[tilespmem:$0x1E680] =	vst v63  }
0xe0: {  	s26 =	smov.u32 s24;
	s24 =	rddreg [dreg:$0x10];
	_ =	swait.ge [sflag:s6], $0x2800  }
0xe1: {  	[sflag:s6] =	ssyncset.done $0x0  }
0xe2: {  	[sflag:s6] =	ssyncadd.s32 $0xFFFFD800  }
0xe3: {  	[spmem:s24] =	stream.linear.scatter [tilespmem:s8], [sflag:$0x7], $0x2800, $0x38;
	[tilespmem:$0x1E680] =	vst v63  }
0xe4: {  	_ =	swait.ge [sflag:s6], $0x2800  }
0xe5: {  	[sflag:s6] =	ssyncset.done $0x0  }
0xe6: {  	s20 =	smov.u32 s23;
	[sflag:s6] =	ssyncadd.s32 $0xFFFFD800  }
0xe7: {  	[spmem:s20] =	stream.linear.scatter [tilespmem:s8], [sflag:$0x7], $0x2800, $0x38;
	[tilespmem:$0x1E680] =	vst v63  }
0xe8: {  	_ =	swait.ge [sflag:s6], $0x2800  }
0xe9: {  	[sflag:s6] =	ssyncset.done $0x0  }
0xea: {  	s21 =	smov.u32 s17;
	[sflag:s6] =	ssyncadd.s32 $0xFFFFD800  }
0xeb: {  	[spmem:s21] =	stream.linear.scatter [tilespmem:s8], [sflag:$0x7], $0x2800, $0x38;
	[tilespmem:$0x1E680] =	vst v63  }
0xec: {  	_ =	swait.ge [sflag:s6], $0x2800  }
0xed: {  	[sflag:s6] =	ssyncset.done $0x0  }
0xee: {  	s17 =	smov.u32 s25;
	[sflag:s6] =	ssyncadd.s32 $0xFFFFD800  }
0xef: {  	[spmem:s17] =	stream.linear.scatter [tilespmem:s8], [sflag:$0x7], $0x2800, $0x38;
	[tilespmem:$0x1E680] =	vst v63  }
0xf0: {  	_ =	swait.ge [sflag:s6], $0x2800  }
0xf1: {  	[sflag:s6] =	ssyncset.done $0x0  }
0xf2: {  	[sflag:s6] =	ssyncadd.s32 $0xFFFFD800  }
0xf3: {  	[bflag:$0x0] =	sbarrier.arrive $0xFFFF  }
0xf4: {  	s23 =	smov.u32 s22;
	s25 =	smov.u32 s18;
	s17 =	rddreg [dreg:$0x14]  }
0xf5: {  	[tilespmem:s9], [sflag:$0x4] =	stream.linear.gather [hbm4b:s17+s3], $0x50, $0x38;
	[tilespmem:$0x1E680] =	vst v63  }
0xf6: {  	s22 =	smov.u32 s19;
	s18 =	simm.s32 $0x14280;
	s19 =	rddreg [dreg:$0x1a]  }
0xf7: {  	[tilespmem:s8], [sflag:$0x1] =	stream.indirect.gather [hbm4b:s0+s10], $0x80, s18, s10, $0xb8;
	[tilespmem:$0x1E680] =	vst v63  }
0xf8: {  	s21 =	rddreg [dreg:$0x1b]  }
0xf9: {  	[tilespmem:s13], [sflag:$0x5] =	stream.linear.gather [hbm4b:s19+s3], $0x50, $0x38;
	[tilespmem:$0x1E680] =	vst v63  }
0xfa: {  	s20 =	simm.s32 $0x142D0;
	s7 =	rddreg [dreg:$0x19]  }
0xfb: {  	[tilespmem:s15], [sflag:$0x2] =	stream.indirect.gather [hbm4b:s0+s10], $0x80, s20, s10, $0xb8;
	[tilespmem:$0x1E680] =	vst v63  }
0xfc: {  	s17 =	rddreg [dreg:$0x18]  }
0xfd: {  	[tilespmem:s16], [sflag:$0x6] =	stream.linear.gather [hbm4b:s21+s3], $0x50, $0x38;
	[tilespmem:$0x1E680] =	vst v63  }
0xfe: {  	s24 =	simm.s32 $0x14320;
	s18 =	simm.s32 $0x0;
	s19 =	rddreg [dreg:$0x17]  }
0xff: {  	[tilespmem:s28], [sflag:$0x3] =	stream.indirect.gather [hbm4b:s0+s10], $0x80, s24, s10, $0xb8;
	[tilespmem:$0x1E680] =	vst v63  }
.LBB2_2:
0x100: {  	_ =	swait.ge [sflag:s29], $0x50  }
0x101: {  	[sflag:s29] =	ssyncset.done $0x0  }
0x102: {  	[sflag:s29] =	ssyncadd.s32 $0xFFFFFFB0  }
0x103: {  	_ =	swait.ge [sflag:s5], $0x2800  }
0x104: {  	[sflag:s5] =	ssyncset.done $0x0  }
0x105: {  	[sflag:s5] =	ssyncadd.s32 $0xFFFFD800  }
0x106: {  	[spmem:s2] =	stream.indirect.scatter.add.f32 [tilespmem:s8], [sflag:$0x7], $0x80, s9, s10, $0xb8;
	[tilespmem:$0x1E680] =	vst v63  }
0x107: {  	_ =	swait.ge [sflag:s6], $0x2800  }
0x108: {  	[sflag:s6] =	ssyncset.done $0x0  }
0x109: {  	[sflag:s6] =	ssyncadd.s32 $0xFFFFD800  }
0x10a: {  	[spmem:s12] =	stream.indirect.scatter.add.f32 [tilespmem:s1], [sflag:$0x7], $0x1, s9, s10, $0xb8;
	[tilespmem:$0x1E680] =	vst v63  }
0x10b: {  	_ =	swait.ge [sflag:s6], $0x50  }
0x10c: {  	s20 =	sshrl.u32 s7, $0x3;
	[sflag:s6] =	ssyncset.done $0x0  }
0x10d: {  	s20 =	sadd.s32 s14, s20;
	[sflag:s6] =	ssyncadd.s32 $0xFFFFFFB0  }
0x10e: {  	[tilespmem:s9], [sflag:$0x4] =	stream.linear.gather [hbm4b:s20+s3], $0x50, $0x38;
	[tilespmem:$0x1E680] =	vst v63  }
0x10f: {  	s20 =	sshra.s32 s18, $0x2  }
0x110: {  	s21 =	sadd.s32 $0x14370, s20  }
0x111: {  	[tilespmem:s8], [sflag:$0x1] =	stream.indirect.gather [hbm4b:s0+s10], $0x80, s21, s10, $0xb8;
	[tilespmem:$0x1E680] =	vst v63  }
0x112: {  	_ =	swait.ge [sflag:s30], $0x50  }
0x113: {  	[sflag:s30] =	ssyncset.done $0x0  }
0x114: {  	[sflag:s30] =	ssyncadd.s32 $0xFFFFFFB0  }
0x115: {  	_ =	swait.ge [sflag:s4], $0x2800  }
0x116: {  	[sflag:s4] =	ssyncset.done $0x0  }
0x117: {  	[sflag:s4] =	ssyncadd.s32 $0xFFFFD800  }
0x118: {  	[spmem:s2] =	stream.indirect.scatter.add.f32 [tilespmem:s15], [sflag:$0x7], $0x80, s13, s10, $0xb8;
	[tilespmem:$0x1E680] =	vst v63  }
0x119: {  	_ =	swait.ge [sflag:s6], $0x2800  }
0x11a: {  	[sflag:s6] =	ssyncset.done $0x0  }
0x11b: {  	[sflag:s6] =	ssyncadd.s32 $0xFFFFD800  }
0x11c: {  	[spmem:s12] =	stream.indirect.scatter.add.f32 [tilespmem:s1], [sflag:$0x7], $0x1, s13, s10, $0xb8;
	[tilespmem:$0x1E680] =	vst v63  }
0x11d: {  	_ =	swait.ge [sflag:s6], $0x50  }
0x11e: {  	[sflag:s6] =	ssyncset.done $0x0  }
0x11f: {  	[sflag:s6] =	ssyncadd.s32 $0xFFFFFFB0  }
0x120: {  	[tilespmem:s13], [sflag:$0x5] =	stream.linear.gather [hbm4b:s17+s3], $0x50, $0x38;
	[tilespmem:$0x1E680] =	vst v63  }
0x121: {  	s24 =	sadd.s32 $0x143C0, s20  }
0x122: {  	[tilespmem:s15], [sflag:$0x2] =	stream.indirect.gather [hbm4b:s0+s10], $0x80, s24, s10, $0xb8;
	[tilespmem:$0x1E680] =	vst v63  }
0x123: {  	_ =	swait.ge [sflag:s31], $0x50  }
0x124: {  	[sflag:s31] =	ssyncset.done $0x0  }
0x125: {  	[sflag:s31] =	ssyncadd.s32 $0xFFFFFFB0  }
0x126: {  	_ =	swait.ge [sflag:s11], $0x2800  }
0x127: {  	[sflag:s11] =	ssyncset.done $0x0  }
0x128: {  	[sflag:s11] =	ssyncadd.s32 $0xFFFFD800  }
0x129: {  	[spmem:s2] =	stream.indirect.scatter.add.f32 [tilespmem:s28], [sflag:$0x7], $0x80, s16, s10, $0xb8;
	[tilespmem:$0x1E680] =	vst v63  }
0x12a: {  	_ =	swait.ge [sflag:s6], $0x2800  }
0x12b: {  	p0 =	seq.s32 s18, $0x9600;
	[sflag:s6] =	ssyncset.done $0x0  }
.Ltmp2:
0x12c: {  	[sflag:s6] =	ssyncadd.s32 $0xFFFFD800;
	(pc) =	sbr.rel @p0 .LBB2_4-.Ltmp2, $4  }
0x12d: {  	[spmem:s12] =	stream.indirect.scatter.add.f32 [tilespmem:s1], [sflag:$0x7], $0x1, s16, s10, $0xb8;
	[tilespmem:$0x1E680] =	vst v63  }
0x12e: {  	_ =	swait.ge [sflag:s6], $0x50  }
0x12f: {  	[sflag:s6] =	ssyncset.done $0x0  }
0x130: {  	[sflag:s6] =	ssyncadd.s32 $0xFFFFFFB0  }
.Ltmp3:
0x131: {  	(pc) =	sbr.rel .LBB2_2-.Ltmp3, $4  }
0x132: {  	[tilespmem:s16], [sflag:$0x6] =	stream.linear.gather [hbm4b:s19+s3], $0x50, $0x38;
	[tilespmem:$0x1E680] =	vst v63  }
0x133: {  	s20 =	sadd.s32 $0x14410, s20;
	s19 =	sadd.s32 $0x1E, s19  }
0x134: {  	s18 =	sadd.s32 $0x3C0, s18;
	s17 =	sadd.s32 $0x1E, s17;
	s7 =	sadd.s32 $0xF0, s7  }
0x135: {  	[tilespmem:s28], [sflag:$0x3] =	stream.indirect.gather [hbm4b:s0+s10], $0x80, s20, s10, $0xb8;
	[tilespmem:$0x1E680] =	vst v63  }
.LBB2_5:
0x136: {  	_ =	sfence.sel $0x180000  }
0x137: {  	[bflag:$0x0] =	sbarrier.arrive $0xFFFF  }
0x138: {  	_ =	strace $0x9000004A  }
0x139: {  	s0 =	stileid.u32;
	[bflag:$0x2] =	sbarrier.arrive $0xFFFF  }
0x13a: {  	p0 =	sne.s32 s0, $0x0;
	s0 =	rddreg [dreg:$0x4]  }
0x13b: {  	s0 =	sadd.s32 @!p0 $0x100000, s0  }
0x13c: {  	[sflag:s0] =	ssyncadd.tile.s32 @!p0 $0x1;
	_ =	shalt  }
.Lfunc_end2:
_tile_overlayer_lowered:
.L_overlay_start_2:
0x13d: {  	(tag) =	ssettag $0x2  }
0x13e: {  	s0 =	rddreg [dreg:$0x0];
	s2 =	stileid.u32  }
0x13f: {  	s1 =	rddreg [dreg:$0x1];
	p0 =	sne.s32 s2, $0x0  }
0x140: {  	s3 =	rddreg [dreg:$0x2];
	[bflag:$0x3] =	sbarrier.arrive $0xFFFF;
	s2 =	simm.s32 @!p0 $0x1C07  }
0x141: {  	[timem:s3], [sflag:s2] =	dma.local @!p0 [hbm:s0], s1  }
0x142: {  	s0 =	simm.s32 @!p0 $0x7  }
0x143: {  	_ =	swait.ge @!p0 [sflag:s0], s1  }
0x144: {  	s1 =	ssub.s32 @!p0 $0x0, s1;
	[sflag:s0] =	ssyncset.done @!p0 $0x0  }
0x145: {  	[sflag:s0] =	ssyncadd.s32 @!p0 s1  }
0x146: {  	[bflag:$0x3] =	sbarrier.arrive $0xFFFF  }
0x147: {  	_ =	shalt  }

// kernel: kernel.8.cloned.1.call-start
scs
__scs_entry_jumppad:
0x0: {  	(pc) =	sbr.rel $0x88, $3  }
0x1: {  	(tag) =	ssettag $0x0;
	lr =	simm.s32 $0x1  }
0x2: {  	[smem:$0x3F96] =	sst lr;
	_ =	strace $0xD0000000  }
0x3: {  	_ = 	snop  }
0x4: {  	_ = 	snop  }
0x5: {  	_ = 	snop  }
0x6: {  	_ = 	snop  }
0x7: {  	_ = 	snop  }
__scs_overlays_trampoline_lowered:
0x8: {  	[smem:$0x3FA5] =	sst s0  }
0x9: {  	[smem:$0x3FA6] =	sst s1  }
0xa: {  	[smem:$0x3FA7] =	sst s2  }
0xb: {  	[smem:$0x3FA8] =	sst s3  }
0xc: {  	[smem:$0x3FA9] =	sst s4  }
0xd: {  	[smem:$0x3FAA] =	sst s5  }
0xe: {  	[smem:$0x3FAB] =	sst s6  }
0xf: {  	[smem:$0x3FAC] =	sst s7  }
0x10: {  	[smem:$0x3FAD] =	sst s8  }
0x11: {  	[smem:$0x3FAE] =	sst s9;
	s0 =	simm.s32 @!p0 $0x0  }
0x12: {  	s1 =	sld [smem:$0x3F94];
	s0 =	simm.s32 @p0 $0x1  }
0x13: {  	[smem:$0x3FAF] =	sst s0;
	s0 =	simm.s32 @!p1 $0x0  }
0x14: {  	s2 =	sld [smem:$0x3F93];
	s0 =	simm.s32 @p1 $0x1  }
0x15: {  	[smem:$0x3FB0] =	sst s0;
	s0 =	simm.s32 @!p2 $0x0  }
0x16: {  	s3 =	sld [smem:$0x3FDB];
	s0 =	simm.s32 @p2 $0x1  }
0x17: {  	s4 =	simm.s32 $0x1BF5;
	[smem:$0x3FB2] =	sst s0  }
0x18: {  	s0 =	sld [smem:$0x3F95];
	_ =	swait.ge [sflag:s4], $0x0  }
0x19: {  	s7 =	sld [smem:$0x3F96]  }
0x1a: {  	s8 =	sadd.s32 $0xFFFFE003, lr  }
0x1b: {  	s9 =	sadd.s32 $0xFFFFFEF7, lr;
	s5 =	simm.s32 $0xFFFFFFFF;
	p2 =	slt.u32 s8, $0xFFFFF086  }
0x1c: {  	p1 =	slt.u32 s9, $0xF7A;
	s5 =	simm.s32 @!p2 $0x0  }
0x1d: {  	s5 =	simm.s32 @p1 $0x1;
	p0 =	seq.s32 s7, s2  }
0x1e: {  	s7 =	smul.u32 @!p0 $0xF7A, s2;
	p2 =	seq.s32 @!p0 s5, $0x0  }
0x1f: {  	s9 =	smul.u32 $0xF7A, s1;
	s8 =	simm.s32 @!p0 $0x1BF5;
	p2 =	por !p2, p0  }
0x20: {  	[sflag:s8] =	ssyncset.s32 @!p0 $0xFFFFF086;
	s6 =	sadd.s32 @!p0 s3, s7;
	s7 =	simm.s32 @!p0 $0x108  }
0x21: {  	s3 =	sadd.s32 s3, s9;
	s6 =	sadd.s32 @!p0 $0x88, s6;
	s7 =	simm.s32 @p2 $0x1082  }
0x22: {  	[simem:s7], [sflag:s8] =	dma.local @!p0 [hbm:s6], $0xF7A  }
0x23: {  	s9 =	sor.u32 $0xD0000000, s2;
	s6 =	simm.s32 $0x108;
	_ =	swait.ge @!p0 [sflag:s8], $0x0  }
0x24: {  	s3 =	sadd.s32 $0x88, s3;
	s6 =	simm.s32 @!p1 $0x1082;
	[sflag:s4] =	ssyncset.s32 $0xFFFFF086  }
0x25: {  	[simem:s6], [sflag:s4] =	dma.local [hbm:s3], $0xF7A  }
0x26: {  	[smem:$0x3F96] =	sst s1;
	(tag) =	ssettag s2;
	_ =	strace s9  }
0x27: {  	s1 =	sld [smem:$0x3FA6]  }
0x28: {  	s2 =	sld [smem:$0x3FA7]  }
0x29: {  	s4 =	sld [smem:$0x3FA9]  }
0x2a: {  	p0 =	seq.s32 s5, $0x0;
	s5 =	sld [smem:$0x3FAA]  }
0x2b: {  	s6 =	sld [smem:$0x3FAB]  }
0x2c: {  	s7 =	sld [smem:$0x3FAC]  }
0x2d: {  	s3 =	simm.s32 $0x108;
	s8 =	sld [smem:$0x3FAD]  }
0x2e: {  	s3 =	simm.s32 @!p0 $0x1082;
	s9 =	sld [smem:$0x3FAE]  }
0x2f: {  	lr =	sadd.s32 s0, s3;
	s0 =	sld [smem:$0x3FA5]  }
0x30: {  	s3 =	sld [smem:$0x3FA8]  }
0x31: {  	[smem:$0x3FB1] =	sst s10  }
0x32: {  	s10 =	sld [smem:$0x3FAF];
	_ =	sdelay $0x3  }
0x33: {  	p0 =	seq.s32 s10, $0x1;
	s10 =	sld [smem:$0x3FB1];
	_ =	sdelay $0x3  }
0x34: {  	[smem:$0x3FB1] =	sst s10  }
0x35: {  	s10 =	sld [smem:$0x3FB0];
	_ =	sdelay $0x3  }
0x36: {  	p1 =	seq.s32 s10, $0x1;
	s10 =	sld [smem:$0x3FB1];
	_ =	sdelay $0x3  }
0x37: {  	[smem:$0x3FB1] =	sst s10  }
0x38: {  	s10 =	sld [smem:$0x3FB2]  }
0x39: {  	_ = 	snop;
	(pc) =	sbr.ind lr, $3  }
0x3a: {  	_ = 	snop  }
0x3b: {  	_ = 	snop  }
0x3c: {  	p2 =	seq.s32 s10, $0x1;
	s10 =	sld [smem:$0x3FB1]  }
0x3d: {  	_ =	shalt  }
0x3e: {  	_ =	shalt  }
0x3f: {  	_ =	shalt  }
0x40: {  	_ =	shalt  }
0x41: {  	_ =	shalt  }
0x42: {  	_ =	shalt  }
0x43: {  	_ =	shalt  }
0x44: {  	_ =	shalt  }
0x45: {  	_ =	shalt  }
0x46: {  	_ =	shalt  }
0x47: {  	_ =	shalt  }
0x48: {  	_ =	shalt  }
0x49: {  	_ =	shalt  }
0x4a: {  	_ =	shalt  }
0x4b: {  	_ =	shalt  }
0x4c: {  	_ =	shalt  }
0x4d: {  	_ =	shalt  }
0x4e: {  	_ =	shalt  }
0x4f: {  	_ =	shalt  }
0x50: {  	_ =	shalt  }
0x51: {  	_ =	shalt  }
0x52: {  	_ =	shalt  }
0x53: {  	_ =	shalt  }
0x54: {  	_ =	shalt  }
0x55: {  	_ =	shalt  }
0x56: {  	_ =	shalt  }
0x57: {  	_ =	shalt  }
0x58: {  	_ =	shalt  }
0x59: {  	_ =	shalt  }
0x5a: {  	_ =	shalt  }
0x5b: {  	_ =	shalt  }
0x5c: {  	_ =	shalt  }
0x5d: {  	_ =	shalt  }
0x5e: {  	_ =	shalt  }
0x5f: {  	_ =	shalt  }
0x60: {  	_ =	shalt  }
0x61: {  	_ =	shalt  }
0x62: {  	_ =	shalt  }
0x63: {  	_ =	shalt  }
0x64: {  	_ =	shalt  }
0x65: {  	_ =	shalt  }
0x66: {  	_ =	shalt  }
0x67: {  	_ =	shalt  }
0x68: {  	_ =	shalt  }
0x69: {  	_ =	shalt  }
0x6a: {  	_ =	shalt  }
0x6b: {  	_ =	shalt  }
0x6c: {  	_ =	shalt  }
0x6d: {  	_ =	shalt  }
0x6e: {  	_ =	shalt  }
0x6f: {  	_ =	shalt  }
0x70: {  	_ =	shalt  }
0x71: {  	_ =	shalt  }
0x72: {  	_ =	shalt  }
0x73: {  	_ =	shalt  }
0x74: {  	_ =	shalt  }
0x75: {  	_ =	shalt  }
0x76: {  	_ =	shalt  }
0x77: {  	_ =	shalt  }
0x78: {  	_ =	shalt  }
0x79: {  	_ =	shalt  }
0x7a: {  	_ =	shalt  }
0x7b: {  	_ =	shalt  }
0x7c: {  	_ =	shalt  }
0x7d: {  	_ =	shalt  }
0x7e: {  	_ =	shalt  }
0x7f: {  	_ =	shalt  }
0x80: {  	_ =	shalt  }
0x81: {  	_ =	shalt  }
0x82: {  	_ =	shalt  }
0x83: {  	_ =	shalt  }
0x84: {  	_ =	shalt  }
0x85: {  	_ =	shalt  }
0x86: {  	_ =	shalt  }
0x87: {  	_ =	shalt  }
.Lfunc_end0:
.L_simem_size_0:
called_computation_lowered:
.L_overlay_start_0:
0x88: {  	s2 =	sld [smem:$0x3FD9]  }
0x89: {  	s3 =	sld [smem:$0x3FFE];
	_ =	sdelay $0x1  }
0x8a: {  	s1 =	srdreg.scid  }
0x8b: {  	s0 =	sand.u32 $0x1, s1  }
0x8c: {  	s17 =	sshll.u32 s0, $0xA;
	s2 =	sadd.s32 s3, s2  }
0x8d: {  	s2 =	sadd.s32 s2, s17  }
0x8e: {  	[smem:$0x3FBD] =	sst s2  }
0x8f: {  	_ = 	snop  }
0x90: {  	s2 =	sld [smem:$0x3FC9]  }
0x91: {  	s18 =	sld [smem:$0x3FD0];
	(tm) =	ssettm $0x1  }
0x92: {  	s4 =	sld [smem:$0x3FFB];
	_ =	sdelay $0x3  }
0x93: {  	_ =	strace s4  }
0x94: {  	s4 =	sld [smem:$0x3FFC];
	_ =	sdelay $0x3  }
0x95: {  	_ =	strace s4  }
0x96: {  	s4 =	sld [smem:$0x3FFD];
	_ =	sdelay $0x3  }
0x97: {  	_ =	strace s4  }
0x98: {  	_ =	strace $0x8FFFFFFF  }
0x99: {  	s19 =	sld [smem:$0x3FDB];
	_ =	sdelay $0x1  }
0x9a: {  	s5 =	simm.s32 $_scs_section_size  }
0x9b: {  	s6 =	simm.s32 $_size__tile_overlayer_lowered;
	s7 =	simm.s32 $_tile_overlayer_lowered  }
0x9c: {  	s22 =	simm.s32 $0x1BFF;
	s21 =	sshll.u32 s7, $0x1;
	s4 =	sadd.s32 s5, s19  }
0x9d: {  	s8 =	simm.s32 $0x0;
	s20 =	sshll.u32 s6, $0x1;
	s6 =	sadd.s32 s21, s4  }
0x9e: {  	[timem:s8], [sflag:s22] =	dma.local [hbm:s6], s20  }
0x9f: {  	_ =	swait.ge [sflag:s22], s20  }
0xa0: {  	s5 =	ssub.s32 $0x0, s20;
	[sflag:s22] =	ssyncset.done $0x0  }
0xa1: {  	[sflag:s22] =	ssyncadd.s32 s5;
	_ =	sdelay $0x1  }
0xa2: {  	s23 =	simm.s32 $0x1B8B  }
0xa3: {  	_ =	swait.ge [sflag:s23], $0x1  }
0xa4: {  	[sflag:s23] =	ssyncset.done $0x0  }
0xa5: {  	s25 =	simm.s32 $0x1B8E;
	s24 =	sld [smem:$0x3FFE];
	[sflag:s23] =	ssyncadd.s32 $0xFFFFFFFF  }
0xa6: {  	s26 =	simm.s32 $execute0_lowered;
	[smem:$0x3FD2] =	sst s25  }
0xa7: {  	s6 =	sshll.u32 s26, $0x1;
	_ =	strace $0x80000046;
	[dreg:$0x1] =	wrdreg $0xFFFFFFFF  }
0xa8: {  	s28 =	simm.s32 $_size_execute0_lowered;
	s4 =	sadd.s32 s4, s6;
	[dreg:$0x0] =	wrdreg $0x0  }
0xa9: {  	s6 =	sshll.u32 s28, $0x1;
	[dreg:$0x2] =	wrdreg s4  }
0xaa: {  	[dreg:$0x3] =	wrdreg s6  }
0xab: {  	[dreg:$0x4] =	wrdreg $0xC0  }
0xac: {  	_ =	task [dreg:s8], $0x5FFFF  }
0xad: {  	[dreg:$0x1] =	wrdreg $0xFFFFFFFF  }
0xae: {  	[dreg:$0x0] =	wrdreg $0x60  }
0xaf: {  	[dreg:$0x2] =	wrdreg s2  }
0xb0: {  	[dreg:$0x3] =	wrdreg s24  }
0xb1: {  	[dreg:$0x4] =	wrdreg s18  }
0xb2: {  	[dreg:$0x5] =	wrdreg $0x0  }
0xb3: {  	[dreg:$0x6] =	wrdreg $0x140000  }
0xb4: {  	[dreg:$0x7] =	wrdreg $0x9  }
0xb5: {  	_ =	task.clear_ibuf [dreg:s8], $0x8FFFF;
	_ =	strace $0x90000046  }
0xb6: {  	s29 =	simm.s32 $0x9;
	_ =	strace $0x80000048  }
0xb7: {  	_ =	swait.ge [sflag:s29], $0x1  }
0xb8: {  	[sflag:s29] =	ssyncadd.s32 $0xFFFFFFFF  }
0xb9: {  	_ =	strace $0x90000048  }
0xba: {  	_ =	sfence  }
0xbb: {  	s30 =	sld [smem:$0x0];
	_ =	sdelay $0x2  }
0xbc: {  	s31 =	sshll.u32 s1, $0xD;
	s1 =	sshrl.u32 s1, $0x2  }
0xbd: {  	s3 =	sand.u32 $0x4000, s31;
	s1 =	sadd.s32 s1, s30  }
0xbe: {  	s0 =	sor.u32 s3, s0;
	s1 =	sshll.u32 s1, $0x11  }
0xbf: {  	s0 =	sor.u32 s1, s0  }
0xc0: {  	s0 =	sadd.s32 $0x8F2B, s0  }
0xc1: {  	[sflag:s0] =	ssyncadd.remote.s32 $0x1  }
0xc2: {  	_ =	sfence.sel $0xFFFF  }
0xc3: {  	[dreg:$0x0] =	wrdreg $0xFFFFFFFF;
	(pc) =	sbr.abs _section_cstart, $3  }
0xc4: {  	[dreg:$0x1] =	wrdreg $0xFFFFFFFF  }
0xc5: {  	_ =	task.clear_ibuf [dreg:s8], $0x2FFFF;
	_ =	strace $0x9FFFFFFF  }
0xc6: {  	(tm) =	ssettm $0x7FFFFFFF  }
0xc7: {  	_ =	shalt  }
tec
execute0_lowered:
.L_overlay_start_1:
0x0: {  	(tag) =	ssettag $0x1  }
0x1: {  	s1 =	rddreg [dreg:$0x0]  }
0x2: {  	s0 =	srdreg.scid;
	s2 =	rddreg [dreg:$0x1]  }
0x3: {  	s15 =	stileid.u32;
	s4 =	rddreg [dreg:$0x2]  }
0x4: {  	s28 =	simm.s32 $0x1E400;
	s29 =	simm.s32 $0x4;
	s30 =	simm.s32 $0x5  }
0x5: {  	s31 =	simm.s32 $0x6;
	s3 =	sand.u32 $0x1, s0;
	s5 =	smul.u32 $0x280, s15  }
0x6: {  	s7 =	sadd.s32 $0x17000, s2;
	s11 =	smul.u32 $0x14000, s15;
	s0 =	sshll.u32 s3, $0x4  }
0x7: {  	s20 =	ssub.s32 $0x2, s3;
	s10 =	smul.u32 $0x140000, s3;
	s0 =	sor.u32 s15, s0  }
0x8: {  	s8 =	sshrl.u32 s20, $0x1;
	s9 =	sshll.u32 s5, $0x7;
	s6 =	smul.u32 $0x2710, s0  }
0x9: {  	s0 =	ssub.s32 s20, s8;
	s8 =	sor.u32 $0x2800, s9;
	s14 =	sadd.s32 $0x5000, s9  }
0xa: {  	s16 =	sadd.s32 $0x7800, s9;
	s17 =	sadd.s32 $0xA000, s9;
	s18 =	sadd.s32 $0xC800, s9  }
0xb: {  	s19 =	sadd.s32 $0xF000, s9;
	s11 =	sadd.s32 s11, s10;
	s9 =	sadd.s32 $0x11800, s9  }
0xc: {  	s11 =	sshrl.u32 s11, $0x3;
	s12 =	sadd.s32 s10, s8;
	s22 =	sadd.s32 s10, s14  }
0xd: {  	s24 =	sadd.s32 s10, s16;
	s26 =	sadd.s32 s10, s17;
	s20 =	sadd.s32 s10, s18  }
0xe: {  	s0 =	smax.u32 s0, $0x1;
	s11 =	sadd.s32 s7, s11;
	s21 =	sshrl.u32 s12, $0x3  }
0xf: {  	s23 =	sshrl.u32 s22, $0x3;
	s25 =	sshrl.u32 s24, $0x3;
	s13 =	sshrl.u32 s26, $0x3  }
0x10: {  	s22 =	sadd.s32 s10, s19;
	s10 =	sadd.s32 s10, s9;
	s12 =	rddreg [dreg:$0x4]  }
0x11: {  	s24 =	smul.u32 $0x500, s15;
	[dreg:$0x6] =	wrdreg s11;
	s11 =	sadd.s32 s7, s21  }
0x12: {  	s26 =	smul.u32 $0x2710, s15;
	[dreg:$0x7] =	wrdreg s11;
	s11 =	sadd.s32 s7, s23  }
0x13: {  	s21 =	sshrl.u32 s20, $0x3;
	[dreg:$0x8] =	wrdreg s11;
	s11 =	sadd.s32 s7, s25  }
0x14: {  	s10 =	sshrl.u32 s10, $0x3;
	[dreg:$0x9] =	wrdreg s11;
	s11 =	sadd.s32 s7, s13  }
0x15: {  	s20 =	sadd.s32 s5, s12;
	s13 =	simm.s32 $0x0;
	[dreg:$0xa] =	wrdreg s11  }
0x16: {  	s23 =	sshrl.u32 s22, $0x3;
	s11 =	sadd.s32 s7, s21;
	[smem:$0x7FF] =	sst s13  }
0x17: {  	s25 =	sshll.u32 s3, $0x7;
	s3 =	smul.u32 $0x27100, s3;
	[dreg:$0xb] =	wrdreg s11  }
0x18: {  	s11 =	sadd.s32 s7, s23;
	s7 =	sadd.s32 s7, s10;
	s10 =	rddreg [dreg:$0x3]  }
0x19: {  	s3 =	sadd.s32 s26, s3;
	s21 =	smul.u32 $0x50000, s15;
	[dreg:$0xc] =	wrdreg s11  }
0x1a: {  	s15 =	sadd.s32 $0x2E00, s2;
	[dreg:$0xd] =	wrdreg s7;
	s7 =	sor.u32 s25, s24  }
0x1b: {  	s11 =	sshrl.u32 s6, $0x3;
	s24 =	sshrl.u32 s21, $0x2;
	s7 =	sshrl.u32 s7, $0x3  }
0x1c: {  	s25 =	sadd.s32 s14, s10;
	s26 =	sadd.s32 s16, s10;
	s4 =	sadd.s32 s4, s7  }
0x1d: {  	s22 =	sadd.s32 s11, s2;
	s2 =	sadd.s32 $0x16A00, s2;
	[dreg:$0xe] =	wrdreg s4  }
0x1e: {  	s23 =	sadd.s32 $0xCC00, s22;
	_ =	strace $0x80000047;
	[dreg:$0xf] =	wrdreg s2  }
0x1f: {  	s6 =	sadd.s32 s17, s10;
	s17 =	sadd.s32 $0xF0, s3;
	[dreg:$0x10] =	wrdreg s23  }
0x20: {  	s22 =	sadd.s32 s24, s10;
	s24 =	sadd.s32 s18, s10;
	[dreg:$0x1e] =	wrdreg s25  }
0x21: {  	s18 =	sadd.s32 s19, s10;
	s19 =	smov.u32 s26;
	[dreg:$0x12] =	wrdreg s6  }
0x22: {  	s26 =	sadd.s32 s9, s10;
	s7 =	sadd.s32 s15, s11;
	[dreg:$0x17] =	wrdreg s0  }
0x23: {  	s9 =	sadd.s32 $0x140, s3;
	s21 =	sadd.s32 $0xA, s7;
	[dreg:$0x1a] =	wrdreg s17  }
0x24: {  	s14 =	sshrl.u32 s9, $0x3;
	s4 =	simm.s32 $0x7;
	[dreg:$0x1b] =	wrdreg s21  }
0x25: {  	s9 =	simm.s32 $0x16A80;
	s23 =	sadd.s32 s8, s10;
	[dreg:$0x16] =	wrdreg s7  }
0x26: {  	s8 =	sadd.s32 $0x190, s3;
	s16 =	sadd.s32 s14, s15;
	[dreg:$0x11] =	wrdreg s20  }
0x27: {  	s25 =	sadd.s32 $0x14, s7;
	s6 =	simm.s32 $0x16B80;
	[dreg:$0x13] =	wrdreg s24  }
0x28: {  	s7 =	simm.s32 $0x16A00;
	s14 =	simm.s32 $0x19380;
	[dreg:$0x14] =	wrdreg s18  }
.Ltmp0:
0x29: {  	s17 =	simm.s32 $0x1BB80;
	[dreg:$0x15] =	wrdreg s26;
	(pc) =	sbr.rel .LBB2_1-.Ltmp0, $4  }
0x2a: {  	s3 =	simm.s32 $0x1;
	s2 =	simm.s32 $0x2;
	[dreg:$0x19] =	wrdreg s16  }
0x2b: {  	s21 =	simm.s32 $0x0;
	s11 =	sshrl.u32 s8, $0x3;
	[dreg:$0x1c] =	wrdreg s25  }
0x2c: {  	s8 =	simm.s32 $0x50;
	s16 =	simm.s32 $0x16B00;
	s0 =	sadd.s32 s11, s15  }
0x2d: {  	v0 =	vimm.f32 $1.000000000e+00;
	v1 =	vimm.f32 $0.0e+00;
	s11 =	simm.s32 $0x3;
	[dreg:$0x18] =	wrdreg s0;
	s0 =	simm.s32 $0x1E380  }
.LBB2_4:
0x2e: {  	_ =	swait.ge [sflag:s29], $0x50  }
0x2f: {  	[sflag:s29] =	ssyncset.done $0x0  }
0x30: {  	[sflag:s29] =	ssyncadd.s32 $0xFFFFFFB0  }
0x31: {  	_ =	swait.ge [sflag:s3], $0x2800  }
0x32: {  	[sflag:s3] =	ssyncset.done $0x0  }
0x33: {  	[sflag:s3] =	ssyncadd.s32 $0xFFFFD800  }
0x34: {  	[spmem:s10] =	stream.indirect.scatter.add.f32 [tilespmem:s6], [sflag:$0x7], $0x80, s7, s8, $0xb8;
	[tilespmem:$0x1E680] =	vst v63  }
0x35: {  	_ =	swait.ge [sflag:s4], $0x2800  }
0x36: {  	[sflag:s4] =	ssyncset.done $0x0  }
0x37: {  	[sflag:s4] =	ssyncadd.s32 $0xFFFFD800  }
0x38: {  	[spmem:s12] =	stream.indirect.scatter.add.f32 [tilespmem:s0], [sflag:$0x7], $0x1, s7, s8, $0xb8;
	[tilespmem:$0x1E680] =	vst v63  }
0x39: {  	_ =	swait.ge [sflag:s4], $0x50  }
0x3a: {  	[sflag:s4] =	ssyncset.done $0x0  }
0x3b: {  	[sflag:s4] =	ssyncadd.s32 $0xFFFFFFB0  }
0x3c: {  	_ =	swait.ge [sflag:s30], $0x50  }
0x3d: {  	[sflag:s30] =	ssyncset.done $0x0  }
0x3e: {  	[sflag:s30] =	ssyncadd.s32 $0xFFFFFFB0  }
0x3f: {  	_ =	swait.ge [sflag:s2], $0x2800  }
0x40: {  	[sflag:s2] =	ssyncset.done $0x0  }
0x41: {  	[sflag:s2] =	ssyncadd.s32 $0xFFFFD800  }
0x42: {  	[spmem:s10] =	stream.indirect.scatter.add.f32 [tilespmem:s14], [sflag:$0x7], $0x80, s9, s8, $0xb8;
	[tilespmem:$0x1E680] =	vst v63  }
0x43: {  	_ =	swait.ge [sflag:s4], $0x2800  }
0x44: {  	[sflag:s4] =	ssyncset.done $0x0  }
0x45: {  	[sflag:s4] =	ssyncadd.s32 $0xFFFFD800  }
0x46: {  	[spmem:s12] =	stream.indirect.scatter.add.f32 [tilespmem:s0], [sflag:$0x7], $0x1, s9, s8, $0xb8;
	[tilespmem:$0x1E680] =	vst v63  }
0x47: {  	_ =	swait.ge [sflag:s4], $0x50  }
0x48: {  	[sflag:s4] =	ssyncset.done $0x0  }
0x49: {  	[sflag:s4] =	ssyncadd.s32 $0xFFFFFFB0  }
0x4a: {  	[bflag:$0x0] =	sbarrier.arrive $0xFFFF  }
0x4b: {  	[tilespmem:s6], [sflag:$0x7] =	stream.linear.gather [spmem:s24], $0x2800, $0x38;
	[tilespmem:$0x1E680] =	vst v63  }
0x4c: {  	_ =	swait.ge [sflag:s4], $0x2800  }
0x4d: {  	[sflag:s4] =	ssyncset.done $0x0  }
0x4e: {  	s5 =	rddreg [dreg:$0x6];
	[sflag:s4] =	ssyncadd.s32 $0xFFFFD800  }
0x4f: {  	[hbm4b:s5+s13] =	stream.linear.scatter [tilespmem:s6], [sflag:$0x7], $0x2800, $0x38;
	[tilespmem:$0x1E680] =	vst v63  }
0x50: {  	_ =	swait.ge [sflag:s4], $0x2800  }
0x51: {  	[sflag:s4] =	ssyncset.done $0x0  }
0x52: {  	[sflag:s4] =	ssyncadd.s32 $0xFFFFD800  }
0x53: {  	[tilespmem:s6], [sflag:$0x7] =	stream.linear.gather [spmem:s25], $0x2800, $0x38;
	[tilespmem:$0x1E680] =	vst v63  }
0x54: {  	_ =	swait.ge [sflag:s4], $0x2800  }
0x55: {  	[sflag:s4] =	ssyncset.done $0x0  }
0x56: {  	s20 =	rddreg [dreg:$0x7];
	[sflag:s4] =	ssyncadd.s32 $0xFFFFD800  }
0x57: {  	[hbm4b:s20+s13] =	stream.linear.scatter [tilespmem:s6], [sflag:$0x7], $0x2800, $0x38;
	[tilespmem:$0x1E680] =	vst v63  }
0x58: {  	_ =	swait.ge [sflag:s4], $0x2800  }
0x59: {  	[sflag:s4] =	ssyncset.done $0x0  }
0x5a: {  	[sflag:s4] =	ssyncadd.s32 $0xFFFFD800  }
0x5b: {  	[tilespmem:s6], [sflag:$0x7] =	stream.linear.gather [spmem:s26], $0x2800, $0x38;
	[tilespmem:$0x1E680] =	vst v63  }
0x5c: {  	_ =	swait.ge [sflag:s4], $0x2800  }
0x5d: {  	[sflag:s4] =	ssyncset.done $0x0  }
0x5e: {  	s21 =	rddreg [dreg:$0x8];
	[sflag:s4] =	ssyncadd.s32 $0xFFFFD800  }
0x5f: {  	[hbm4b:s21+s13] =	stream.linear.scatter [tilespmem:s6], [sflag:$0x7], $0x2800, $0x38;
	[tilespmem:$0x1E680] =	vst v63  }
0x60: {  	_ =	swait.ge [sflag:s4], $0x2800  }
0x61: {  	[sflag:s4] =	ssyncset.done $0x0  }
0x62: {  	[sflag:s4] =	ssyncadd.s32 $0xFFFFD800  }
0x63: {  	[tilespmem:s6], [sflag:$0x7] =	stream.linear.gather [spmem:s23], $0x2800, $0x38;
	[tilespmem:$0x1E680] =	vst v63  }
0x64: {  	_ =	swait.ge [sflag:s4], $0x2800  }
0x65: {  	[sflag:s4] =	ssyncset.done $0x0  }
0x66: {  	s22 =	smov.u32 s24;
	s24 =	rddreg [dreg:$0x9];
	[sflag:s4] =	ssyncadd.s32 $0xFFFFD800  }
0x67: {  	[hbm4b:s24+s13] =	stream.linear.scatter [tilespmem:s6], [sflag:$0x7], $0x2800, $0x38;
	[tilespmem:$0x1E680] =	vst v63  }
0x68: {  	_ =	swait.ge [sflag:s4], $0x2800  }
0x69: {  	[sflag:s4] =	ssyncset.done $0x0  }
0x6a: {  	s26 =	rddreg [dreg:$0x12];
	[sflag:s4] =	ssyncadd.s32 $0xFFFFD800  }
0x6b: {  	[tilespmem:s6], [sflag:$0x7] =	stream.linear.gather [spmem:s26], $0x2800, $0x38;
	[tilespmem:$0x1E680] =	vst v63  }
0x6c: {  	_ =	swait.ge [sflag:s4], $0x2800  }
0x6d: {  	[sflag:s4] =	ssyncset.done $0x0  }
0x6e: {  	s18 =	rddreg [dreg:$0xa];
	[sflag:s4] =	ssyncadd.s32 $0xFFFFD800  }
0x6f: {  	[hbm4b:s18+s13] =	stream.linear.scatter [tilespmem:s6], [sflag:$0x7], $0x2800, $0x38;
	[tilespmem:$0x1E680] =	vst v63  }
0x70: {  	_ =	swait.ge [sflag:s4], $0x2800  }
0x71: {  	[sflag:s4] =	ssyncset.done $0x0  }
0x72: {  	s24 =	rddreg [dreg:$0x13];
	[sflag:s4] =	ssyncadd.s32 $0xFFFFD800  }
0x73: {  	[tilespmem:s6], [sflag:$0x7] =	stream.linear.gather [spmem:s24], $0x2800, $0x38;
	[tilespmem:$0x1E680] =	vst v63  }
0x74: {  	_ =	swait.ge [sflag:s4], $0x2800  }
0x75: {  	[sflag:s4] =	ssyncset.done $0x0  }
0x76: {  	s20 =	rddreg [dreg:$0xb];
	[sflag:s4] =	ssyncadd.s32 $0xFFFFD800  }
0x77: {  	[hbm4b:s20+s13] =	stream.linear.scatter [tilespmem:s6], [sflag:$0x7], $0x2800, $0x38;
	[tilespmem:$0x1E680] =	vst v63  }
0x78: {  	_ =	swait.ge [sflag:s4], $0x2800  }
0x79: {  	[sflag:s4] =	ssyncset.done $0x0  }
0x7a: {  	s18 =	rddreg [dreg:$0x14];
	[sflag:s4] =	ssyncadd.s32 $0xFFFFD800  }
0x7b: {  	[tilespmem:s6], [sflag:$0x7] =	stream.linear.gather [spmem:s18], $0x2800, $0x38;
	[tilespmem:$0x1E680] =	vst v63  }
0x7c: {  	_ =	swait.ge [sflag:s4], $0x2800  }
0x7d: {  	[sflag:s4] =	ssyncset.done $0x0  }
0x7e: {  	s21 =	rddreg [dreg:$0xc];
	[sflag:s4] =	ssyncadd.s32 $0xFFFFD800  }
0x7f: {  	[hbm4b:s21+s13] =	stream.linear.scatter [tilespmem:s6], [sflag:$0x7], $0x2800, $0x38;
	[tilespmem:$0x1E680] =	vst v63  }
0x80: {  	_ =	swait.ge [sflag:s4], $0x2800  }
0x81: {  	[sflag:s4] =	ssyncset.done $0x0  }
0x82: {  	s26 =	rddreg [dreg:$0x15];
	[sflag:s4] =	ssyncadd.s32 $0xFFFFD800  }
0x83: {  	[tilespmem:s6], [sflag:$0x7] =	stream.linear.gather [spmem:s26], $0x2800, $0x38;
	[tilespmem:$0x1E680] =	vst v63  }
0x84: {  	_ =	swait.ge [sflag:s4], $0x2800  }
0x85: {  	[sflag:s4] =	ssyncset.done $0x0  }
0x86: {  	s19 =	smov.u32 s23;
	s23 =	rddreg [dreg:$0xd];
	[sflag:s4] =	ssyncadd.s32 $0xFFFFD800  }
0x87: {  	[hbm4b:s23+s13] =	stream.linear.scatter [tilespmem:s6], [sflag:$0x7], $0x2800, $0x38;
	[tilespmem:$0x1E680] =	vst v63  }
0x88: {  	_ =	swait.ge [sflag:s4], $0x2800  }
0x89: {  	[sflag:s4] =	ssyncset.done $0x0  }
0x8a: {  	s28 =	simm.s32 $0x1E400;
	s20 =	rddreg [dreg:$0x11];
	[sflag:s4] =	ssyncadd.s32 $0xFFFFD800  }
0x8b: {  	[tilespmem:s28], [sflag:$0x7] =	stream.linear.gather [spmem:s20], $0x280, $0x38;
	[tilespmem:$0x1E680] =	vst v63  }
0x8c: {  	_ =	swait.ge [sflag:s4], $0x280  }
0x8d: {  	s21 =	simm.s32 $0x100;
	[sflag:s4] =	ssyncset.done $0x0  }
0x8e: {  	s23 =	simm.s32 $0x80;
	s5 =	rddreg [dreg:$0xe];
	[sflag:s4] =	ssyncadd.s32 $0xFFFFFD80  }
0x8f: {  	[hbm4b:s5+s23] =	stream.strided.scatter [tilespmem:s28], [sflag:$0x7], $0x280, s21, s23, $0x38;
	[tilespmem:$0x1E680] =	vst v63  }
0x90: {  	_ =	swait.ge [sflag:s4], $0x280  }
0x91: {  	s5 =	rddreg [dreg:$0x1d]  }
0x92: {  	s23 =	smov.u32 s25;
	s25 =	rddreg [dreg:$0x17];
	s21 =	sadd.s32 $0x1, s5  }
0x93: {  	p0 =	sne.s32 s21, s25  }
.Ltmp1:
0x94: {  	_ = 	snop;
	(pc) =	sbr.rel @!p0 .LBB2_5-.Ltmp1, $3  }
0x95: {  	_ =	sdelay $0x1  }
0x96: {  	[sflag:s4] =	ssyncset.done $0x0  }
0x97: {  	[sflag:s4] =	ssyncadd.s32 $0xFFFFFD80  }
.LBB2_1:
0x98: {  	[dreg:$0x1d] =	wrdreg s21  }
0x99: {  	s5 =	rddreg [dreg:$0x10];
	s25 =	simm.s32 $0x14280  }
0x9a: {  	[tilespmem:s25], [sflag:$0x7] =	stream.linear.gather [hbm4b:s5+s13], $0x2710, $0x38;
	[tilespmem:$0x1E680] =	vst v63  }
0x9b: {  	_ =	swait.ge [sflag:s4], $0x2710  }
0x9c: {  	[sflag:s4] =	ssyncset.done $0x0  }
0x9d: {  	[sflag:s4] =	ssyncadd.s32 $0xFFFFD8F0  }
0x9e: {  	[tilespmem:$0x1E380] =	vst v0  }
0x9f: {  	[tilespmem:$0x1E390] =	vst v0  }
0xa0: {  	[tilespmem:$0x1E3A0] =	vst v0  }
0xa1: {  	[tilespmem:$0x1E3B0] =	vst v0  }
0xa2: {  	[tilespmem:$0x1E3C0] =	vst v0  }
0xa3: {  	[tilespmem:$0x1E400] =	vst v1  }
0xa4: {  	[tilespmem:$0x1E410] =	vst v1  }
0xa5: {  	[tilespmem:$0x1E420] =	vst v1  }
0xa6: {  	[tilespmem:$0x1E430] =	vst v1  }
0xa7: {  	[tilespmem:$0x1E440] =	vst v1  }
0xa8: {  	[tilespmem:$0x1E450] =	vst v1  }
0xa9: {  	[tilespmem:$0x1E460] =	vst v1  }
0xaa: {  	[tilespmem:$0x1E470] =	vst v1  }
0xab: {  	[tilespmem:$0x1E480] =	vst v1  }
0xac: {  	[tilespmem:$0x1E490] =	vst v1  }
0xad: {  	[tilespmem:$0x1E4A0] =	vst v1  }
0xae: {  	[tilespmem:$0x1E4B0] =	vst v1  }
0xaf: {  	[tilespmem:$0x1E4C0] =	vst v1  }
0xb0: {  	[tilespmem:$0x1E4D0] =	vst v1  }
0xb1: {  	[tilespmem:$0x1E4E0] =	vst v1  }
0xb2: {  	[tilespmem:$0x1E4F0] =	vst v1  }
0xb3: {  	[tilespmem:$0x1E500] =	vst v1  }
0xb4: {  	[tilespmem:$0x1E510] =	vst v1  }
0xb5: {  	[tilespmem:$0x1E520] =	vst v1  }
0xb6: {  	[tilespmem:$0x1E530] =	vst v1  }
0xb7: {  	[tilespmem:$0x1E540] =	vst v1  }
0xb8: {  	[tilespmem:$0x1E550] =	vst v1  }
0xb9: {  	[tilespmem:$0x1E560] =	vst v1  }
0xba: {  	[tilespmem:$0x1E570] =	vst v1  }
0xbb: {  	[tilespmem:$0x1E580] =	vst v1  }
0xbc: {  	[tilespmem:$0x1E590] =	vst v1  }
0xbd: {  	[tilespmem:$0x1E5A0] =	vst v1  }
0xbe: {  	[tilespmem:$0x1E5B0] =	vst v1  }
0xbf: {  	[tilespmem:$0x1E5C0] =	vst v1  }
0xc0: {  	[tilespmem:$0x1E5D0] =	vst v1  }
0xc1: {  	[tilespmem:$0x1E5E0] =	vst v1  }
0xc2: {  	[tilespmem:$0x1E5F0] =	vst v1  }
0xc3: {  	[tilespmem:$0x1E600] =	vst v1  }
0xc4: {  	[tilespmem:$0x1E610] =	vst v1  }
0xc5: {  	[tilespmem:$0x1E620] =	vst v1  }
0xc6: {  	[tilespmem:$0x1E630] =	vst v1  }
0xc7: {  	[tilespmem:$0x1E640] =	vst v1  }
0xc8: {  	[tilespmem:$0x1E650] =	vst v1  }
0xc9: {  	[tilespmem:$0x1E660] =	vst v1  }
0xca: {  	[tilespmem:$0x1E670] =	vst v1  }
0xcb: {  	[spmem:s20] =	stream.linear.scatter [tilespmem:s28], [sflag:$0x7], $0x280, $0x38;
	[tilespmem:$0x1E680] =	vst v63  }
0xcc: {  	_ =	swait.ge [sflag:s4], $0x280  }
0xcd: {  	[sflag:s4] =	ssyncset.done $0x0  }
0xce: {  	s20 =	rddreg [dreg:$0xf];
	[sflag:s4] =	ssyncadd.s32 $0xFFFFFD80  }
0xcf: {  	[tilespmem:s6], [sflag:$0x7] =	stream.linear.gather [hbm4b:s20+s13], $0x2800, $0x38;
	[tilespmem:$0x1E680] =	vst v63  }
0xd0: {  	_ =	swait.ge [sflag:s4], $0x2800  }
0xd1: {  	[sflag:s4] =	ssyncset.done $0x0  }
0xd2: {  	[sflag:s4] =	ssyncadd.s32 $0xFFFFD800  }
0xd3: {  	[spmem:s22] =	stream.linear.scatter [tilespmem:s6], [sflag:$0x7], $0x2800, $0x38;
	[tilespmem:$0x1E680] =	vst v63  }
0xd4: {  	_ =	swait.ge [sflag:s4], $0x2800  }
0xd5: {  	[sflag:s4] =	ssyncset.done $0x0  }
0xd6: {  	[sflag:s4] =	ssyncadd.s32 $0xFFFFD800  }
0xd7: {  	[spmem:s23] =	stream.linear.scatter [tilespmem:s6], [sflag:$0x7], $0x2800, $0x38;
	[tilespmem:$0x1E680] =	vst v63  }
0xd8: {  	_ =	swait.ge [sflag:s4], $0x2800  }
0xd9: {  	[sflag:s4] =	ssyncset.done $0x0  }
0xda: {  	s25 =	smov.u32 s23;
	s23 =	rddreg [dreg:$0x1e];
	[sflag:s4] =	ssyncadd.s32 $0xFFFFD800  }
0xdb: {  	[spmem:s23] =	stream.linear.scatter [tilespmem:s6], [sflag:$0x7], $0x2800, $0x38;
	[tilespmem:$0x1E680] =	vst v63  }
0xdc: {  	_ =	swait.ge [sflag:s4], $0x2800  }
0xdd: {  	[sflag:s4] =	ssyncset.done $0x0  }
0xde: {  	[sflag:s4] =	ssyncadd.s32 $0xFFFFD800  }
0xdf: {  	[spmem:s19] =	stream.linear.scatter [tilespmem:s6], [sflag:$0x7], $0x2800, $0x38;
	[tilespmem:$0x1E680] =	vst v63  }
0xe0: {  	s28 =	rddreg [dreg:$0x12];
	_ =	swait.ge [sflag:s4], $0x2800  }
0xe1: {  	[sflag:s4] =	ssyncset.done $0x0  }
0xe2: {  	[sflag:s4] =	ssyncadd.s32 $0xFFFFD800  }
0xe3: {  	[spmem:s28] =	stream.linear.scatter [tilespmem:s6], [sflag:$0x7], $0x2800, $0x38;
	[tilespmem:$0x1E680] =	vst v63  }
0xe4: {  	_ =	swait.ge [sflag:s4], $0x2800  }
0xe5: {  	[sflag:s4] =	ssyncset.done $0x0  }
0xe6: {  	s20 =	smov.u32 s24;
	[sflag:s4] =	ssyncadd.s32 $0xFFFFD800  }
0xe7: {  	[spmem:s20] =	stream.linear.scatter [tilespmem:s6], [sflag:$0x7], $0x2800, $0x38;
	[tilespmem:$0x1E680] =	vst v63  }
0xe8: {  	_ =	swait.ge [sflag:s4], $0x2800  }
0xe9: {  	[sflag:s4] =	ssyncset.done $0x0  }
0xea: {  	[sflag:s4] =	ssyncadd.s32 $0xFFFFD800  }
0xeb: {  	[spmem:s18] =	stream.linear.scatter [tilespmem:s6], [sflag:$0x7], $0x2800, $0x38;
	[tilespmem:$0x1E680] =	vst v63  }
0xec: {  	_ =	swait.ge [sflag:s4], $0x2800  }
0xed: {  	[sflag:s4] =	ssyncset.done $0x0  }
0xee: {  	s21 =	smov.u32 s26;
	[sflag:s4] =	ssyncadd.s32 $0xFFFFD800  }
0xef: {  	[spmem:s21] =	stream.linear.scatter [tilespmem:s6], [sflag:$0x7], $0x2800, $0x38;
	[tilespmem:$0x1E680] =	vst v63  }
0xf0: {  	_ =	swait.ge [sflag:s4], $0x2800  }
0xf1: {  	[sflag:s4] =	ssyncset.done $0x0  }
0xf2: {  	[sflag:s4] =	ssyncadd.s32 $0xFFFFD800  }
0xf3: {  	[bflag:$0x0] =	sbarrier.arrive $0xFFFF  }
0xf4: {  	s26 =	smov.u32 s23;
	s18 =	rddreg [dreg:$0x16]  }
0xf5: {  	[tilespmem:s7], [sflag:$0x4] =	stream.linear.gather [hbm4b:s18+s13], $0x50, $0x38;
	[tilespmem:$0x1E680] =	vst v63  }
0xf6: {  	s23 =	smov.u32 s19;
	s19 =	simm.s32 $0x14280;
	s20 =	rddreg [dreg:$0x1b]  }
0xf7: {  	[tilespmem:s6], [sflag:$0x1] =	stream.indirect.gather [hbm4b:s1+s8], $0x80, s19, s8, $0xb8;
	[tilespmem:$0x1E680] =	vst v63  }
0xf8: {  	s24 =	smov.u32 s22;
	s22 =	rddreg [dreg:$0x1c]  }
0xf9: {  	[tilespmem:s9], [sflag:$0x5] =	stream.linear.gather [hbm4b:s20+s13], $0x50, $0x38;
	[tilespmem:$0x1E680] =	vst v63  }
0xfa: {  	s21 =	simm.s32 $0x142D0;
	s5 =	rddreg [dreg:$0x1a]  }
0xfb: {  	[tilespmem:s14], [sflag:$0x2] =	stream.indirect.gather [hbm4b:s1+s8], $0x80, s21, s8, $0xb8;
	[tilespmem:$0x1E680] =	vst v63  }
0xfc: {  	s18 =	rddreg [dreg:$0x19]  }
0xfd: {  	[tilespmem:s16], [sflag:$0x6] =	stream.linear.gather [hbm4b:s22+s13], $0x50, $0x38;
	[tilespmem:$0x1E680] =	vst v63  }
0xfe: {  	s28 =	simm.s32 $0x14320;
	s19 =	simm.s32 $0x0;
	s20 =	rddreg [dreg:$0x18]  }
0xff: {  	[tilespmem:s17], [sflag:$0x3] =	stream.indirect.gather [hbm4b:s1+s8], $0x80, s28, s8, $0xb8;
	[tilespmem:$0x1E680] =	vst v63  }
.LBB2_2:
0x100: {  	_ =	swait.ge [sflag:s29], $0x50  }
0x101: {  	[sflag:s29] =	ssyncset.done $0x0  }
0x102: {  	[sflag:s29] =	ssyncadd.s32 $0xFFFFFFB0  }
0x103: {  	_ =	swait.ge [sflag:s3], $0x2800  }
0x104: {  	[sflag:s3] =	ssyncset.done $0x0  }
0x105: {  	[sflag:s3] =	ssyncadd.s32 $0xFFFFD800  }
0x106: {  	[spmem:s10] =	stream.indirect.scatter.add.f32 [tilespmem:s6], [sflag:$0x7], $0x80, s7, s8, $0xb8;
	[tilespmem:$0x1E680] =	vst v63  }
0x107: {  	_ =	swait.ge [sflag:s4], $0x2800  }
0x108: {  	[sflag:s4] =	ssyncset.done $0x0  }
0x109: {  	[sflag:s4] =	ssyncadd.s32 $0xFFFFD800  }
0x10a: {  	[spmem:s12] =	stream.indirect.scatter.add.f32 [tilespmem:s0], [sflag:$0x7], $0x1, s7, s8, $0xb8;
	[tilespmem:$0x1E680] =	vst v63  }
0x10b: {  	_ =	swait.ge [sflag:s4], $0x50  }
0x10c: {  	s21 =	sshrl.u32 s5, $0x3;
	[sflag:s4] =	ssyncset.done $0x0  }
0x10d: {  	s21 =	sadd.s32 s15, s21;
	[sflag:s4] =	ssyncadd.s32 $0xFFFFFFB0  }
0x10e: {  	[tilespmem:s7], [sflag:$0x4] =	stream.linear.gather [hbm4b:s21+s13], $0x50, $0x38;
	[tilespmem:$0x1E680] =	vst v63  }
0x10f: {  	s21 =	sshra.s32 s19, $0x2  }
0x110: {  	s22 =	sadd.s32 $0x14370, s21  }
0x111: {  	[tilespmem:s6], [sflag:$0x1] =	stream.indirect.gather [hbm4b:s1+s8], $0x80, s22, s8, $0xb8;
	[tilespmem:$0x1E680] =	vst v63  }
0x112: {  	_ =	swait.ge [sflag:s30], $0x50  }
0x113: {  	[sflag:s30] =	ssyncset.done $0x0  }
0x114: {  	[sflag:s30] =	ssyncadd.s32 $0xFFFFFFB0  }
0x115: {  	_ =	swait.ge [sflag:s2], $0x2800  }
0x116: {  	[sflag:s2] =	ssyncset.done $0x0  }
0x117: {  	[sflag:s2] =	ssyncadd.s32 $0xFFFFD800  }
0x118: {  	[spmem:s10] =	stream.indirect.scatter.add.f32 [tilespmem:s14], [sflag:$0x7], $0x80, s9, s8, $0xb8;
	[tilespmem:$0x1E680] =	vst v63  }
0x119: {  	_ =	swait.ge [sflag:s4], $0x2800  }
0x11a: {  	[sflag:s4] =	ssyncset.done $0x0  }
0x11b: {  	[sflag:s4] =	ssyncadd.s32 $0xFFFFD800  }
0x11c: {  	[spmem:s12] =	stream.indirect.scatter.add.f32 [tilespmem:s0], [sflag:$0x7], $0x1, s9, s8, $0xb8;
	[tilespmem:$0x1E680] =	vst v63  }
0x11d: {  	_ =	swait.ge [sflag:s4], $0x50  }
0x11e: {  	[sflag:s4] =	ssyncset.done $0x0  }
0x11f: {  	[sflag:s4] =	ssyncadd.s32 $0xFFFFFFB0  }
0x120: {  	[tilespmem:s9], [sflag:$0x5] =	stream.linear.gather [hbm4b:s18+s13], $0x50, $0x38;
	[tilespmem:$0x1E680] =	vst v63  }
0x121: {  	s28 =	sadd.s32 $0x143C0, s21  }
0x122: {  	[tilespmem:s14], [sflag:$0x2] =	stream.indirect.gather [hbm4b:s1+s8], $0x80, s28, s8, $0xb8;
	[tilespmem:$0x1E680] =	vst v63  }
0x123: {  	_ =	swait.ge [sflag:s31], $0x50  }
0x124: {  	[sflag:s31] =	ssyncset.done $0x0  }
0x125: {  	[sflag:s31] =	ssyncadd.s32 $0xFFFFFFB0  }
0x126: {  	_ =	swait.ge [sflag:s11], $0x2800  }
0x127: {  	[sflag:s11] =	ssyncset.done $0x0  }
0x128: {  	[sflag:s11] =	ssyncadd.s32 $0xFFFFD800  }
0x129: {  	[spmem:s10] =	stream.indirect.scatter.add.f32 [tilespmem:s17], [sflag:$0x7], $0x80, s16, s8, $0xb8;
	[tilespmem:$0x1E680] =	vst v63  }
0x12a: {  	_ =	swait.ge [sflag:s4], $0x2800  }
0x12b: {  	p0 =	seq.s32 s19, $0x9600;
	[sflag:s4] =	ssyncset.done $0x0  }
.Ltmp2:
0x12c: {  	[sflag:s4] =	ssyncadd.s32 $0xFFFFD800;
	(pc) =	sbr.rel @p0 .LBB2_4-.Ltmp2, $4  }
0x12d: {  	[spmem:s12] =	stream.indirect.scatter.add.f32 [tilespmem:s0], [sflag:$0x7], $0x1, s16, s8, $0xb8;
	[tilespmem:$0x1E680] =	vst v63  }
0x12e: {  	_ =	swait.ge [sflag:s4], $0x50  }
0x12f: {  	[sflag:s4] =	ssyncset.done $0x0  }
0x130: {  	[sflag:s4] =	ssyncadd.s32 $0xFFFFFFB0  }
.Ltmp3:
0x131: {  	(pc) =	sbr.rel .LBB2_2-.Ltmp3, $4  }
0x132: {  	[tilespmem:s16], [sflag:$0x6] =	stream.linear.gather [hbm4b:s20+s13], $0x50, $0x38;
	[tilespmem:$0x1E680] =	vst v63  }
0x133: {  	s21 =	sadd.s32 $0x14410, s21;
	s20 =	sadd.s32 $0x1E, s20  }
0x134: {  	s19 =	sadd.s32 $0x3C0, s19;
	s18 =	sadd.s32 $0x1E, s18;
	s5 =	sadd.s32 $0xF0, s5  }
0x135: {  	[tilespmem:s17], [sflag:$0x3] =	stream.indirect.gather [hbm4b:s1+s8], $0x80, s21, s8, $0xb8;
	[tilespmem:$0x1E680] =	vst v63  }
.LBB2_5:
0x136: {  	_ =	sfence.sel $0x180000  }
0x137: {  	[bflag:$0x0] =	sbarrier.arrive $0xFFFF  }
0x138: {  	_ =	strace $0x90000047  }
0x139: {  	s0 =	stileid.u32;
	[bflag:$0x2] =	sbarrier.arrive $0xFFFF  }
0x13a: {  	p0 =	sne.s32 s0, $0x0;
	s0 =	rddreg [dreg:$0x5]  }
0x13b: {  	s0 =	sadd.s32 @!p0 $0x100000, s0  }
0x13c: {  	[sflag:s0] =	ssyncadd.tile.s32 @!p0 $0x1;
	_ =	shalt  }
.Lfunc_end2:
_tile_overlayer_lowered:
.L_overlay_start_2:
0x13d: {  	(tag) =	ssettag $0x2  }
0x13e: {  	s0 =	rddreg [dreg:$0x0];
	s2 =	stileid.u32  }
0x13f: {  	s1 =	rddreg [dreg:$0x1];
	p0 =	sne.s32 s2, $0x0  }
0x140: {  	s3 =	rddreg [dreg:$0x2];
	[bflag:$0x3] =	sbarrier.arrive $0xFFFF;
	s2 =	simm.s32 @!p0 $0x1C07  }
0x141: {  	[timem:s3], [sflag:s2] =	dma.local @!p0 [hbm:s0], s1  }
0x142: {  	s0 =	simm.s32 @!p0 $0x7  }
0x143: {  	_ =	swait.ge @!p0 [sflag:s0], s1  }
0x144: {  	s1 =	ssub.s32 @!p0 $0x0, s1;
	[sflag:s0] =	ssyncset.done @!p0 $0x0  }
0x145: {  	[sflag:s0] =	ssyncadd.s32 @!p0 s1  }
0x146: {  	[bflag:$0x3] =	sbarrier.arrive $0xFFFF  }
0x147: {  	_ =	shalt  }

</sc_bundles>
